<compile_context>
chip_gen: v7x
topology: tpu7x:2x2x1
jax: 0.10.2.dev20260603
libtpu: 0.0.44.dev20260713+nightly
codegen_flags: <defaults>
</compile_context>

<pallas_src>
import functools

import jax
import jax.numpy as jnp
from jax import lax
from jax.experimental import pallas as pl
from jax.experimental.pallas import tpu as pltpu
from jax.experimental.pallas import tpu_sc as plsc

N = 10000
E = 320000
D = 128

NC = 2
NS = 16
NW = NC * NS
CH = 128
NCH = 80
EPAD = NW * NCH * CH
NDUM = 10240
RPT = NDUM // NS

_mesh = plsc.VectorSubcoreMesh(core_axis_name="c", subcore_axis_name="s")


@functools.partial(
    pl.kernel,
    out_type=jax.ShapeDtypeStruct((NC, NDUM), jnp.float32),
    mesh=_mesh,
    scratch_types=[
        pltpu.VMEM((NCH, CH), jnp.int32),
        pltpu.VMEM((CH,), jnp.float32),
        pltpu.VMEM((RPT,), jnp.float32),
        pltpu.VMEM_SHARED((NDUM,), jnp.float32),
    ],
)
def _deg_kernel(dst_hbm, degp_hbm, idx_v, ones_v, z_v, acc_s):
    c = lax.axis_index("c")
    s = lax.axis_index("s")
    wid = c * NS + s

    one16 = jnp.ones((16,), jnp.float32)
    zero16 = jnp.zeros((16,), jnp.float32)
    for k in range(CH // 16):
        ones_v[pl.ds(k * 16, 16)] = one16

    def _zb(r, _):
        z_v[pl.ds(r * 16, 16)] = zero16
        return 0
    lax.fori_loop(0, RPT // 16, _zb, 0)
    pltpu.sync_copy(z_v, acc_s.at[pl.ds(s * RPT, RPT)])
    pltpu.sync_copy(dst_hbm.at[wid], idx_v)
    plsc.subcore_barrier()

    def _body(j, _):
        pltpu.sync_copy(ones_v, acc_s.at[idx_v.at[j]], add=True)
        return 0
    lax.fori_loop(0, NCH, _body, 0)
    plsc.subcore_barrier()

    pltpu.sync_copy(acc_s.at[pl.ds(s * RPT, RPT)],
                    degp_hbm.at[c, pl.ds(s * RPT, RPT)])


NBUF = 2
NISL = 4
NCH0 = 152
NCH1 = 2 * NCH - NCH0
TOTCH = NW * NCH


@functools.partial(
    pl.kernel,
    out_type=jax.ShapeDtypeStruct((NC, NDUM, D), jnp.float32),
    mesh=_mesh,
    scratch_types=[
        *([pltpu.VMEM((2, CH), jnp.int32)] * NISL),
        *([pltpu.VMEM((CH, D), jnp.float32)] * NBUF),
        pltpu.VMEM_SHARED((NDUM, D), jnp.float32),
        *([pltpu.SemaphoreType.DMA] * NISL),
        *([pltpu.SemaphoreType.DMA] * NBUF),
        *([pltpu.SemaphoreType.DMA] * NBUF),
    ],
)
def _agg_kernel(xs_hbm, idx_hbm, parts_hbm,
                i0, i1, i2, i3, bufa, bufb, acc_s,
                ia, ib, ic, id_, ga, gb, sa, sb):
    isl = (i0, i1, i2, i3)
    isem = (ia, ib, ic, id_)
    bufs = (bufa, bufb)
    gsem = (ga, gb)
    ssem = (sa, sb)
    c = lax.axis_index("c")
    s = lax.axis_index("s")

    def _fire_i(chunk, m):
        pltpu.async_copy(idx_hbm.at[chunk], isl[m], isem[m])

    def _wait_i(m):
        pltpu.make_async_copy(idx_hbm.at[0], isl[m], isem[m]).wait()

    def _fire_g(m, b):
        pltpu.async_copy(xs_hbm.at[isl[m].at[0]], bufs[b], gsem[b])

    def _wait_g(b):
        pltpu.make_async_copy(xs_hbm.at[isl[0].at[0]], bufs[b], gsem[b]).wait()

    def _fire_s(m, b):
        pltpu.async_copy(bufs[b], acc_s.at[isl[m].at[1]], ssem[b],
                         add=True)

    def _wait_s(b):
        pltpu.make_async_copy(bufs[b], acc_s.at[isl[0].at[1]], ssem[b]).wait()

    zero16 = jnp.zeros((16,), jnp.float32)

    def _zb(r, _):
        for k in range(D // 16):
            bufs[0][r, pl.ds(k * 16, 16)] = zero16
        return 0
    lax.fori_loop(0, CH, _zb, 0)
    for k in range(RPT // CH):
        pltpu.sync_copy(bufs[0], acc_s.at[pl.ds(s * RPT + k * CH, CH)])
    plsc.subcore_barrier()

    def _pipe(nch, base, fire_g, wait_g):
        _fire_i(base + 0, 0)
        _fire_i(base + 1, 1)
        _wait_i(0)
        fire_g(0, 0)
        wait_g(0)
        _fire_s(0, 0)
        _fire_i(base + 2, 2)
        _wait_i(1)
        fire_g(1, 1)
        wait_g(1)
        _fire_s(1, 1)
        _wait_s(0)
        _fire_i(base + 3, 3)
        _wait_i(2)
        fire_g(2, 0)

        def _outer(t, _):
            j0 = base + 2 + t * NISL
            for q in range(NISL):
                j = j0 + q
                b = q % NBUF
                wait_g(b)
                _fire_s((2 + q) % NISL, b)
                _wait_s(1 - b)
                _fire_i(j + 2, q % NISL)
                _wait_i((3 + q) % NISL)
                fire_g((3 + q) % NISL, 1 - b)
            return 0
        lax.fori_loop(0, (nch - 4) // NISL, _outer, 0)

        wait_g(0)
        _fire_s((nch - 2) % NISL, 0)
        _wait_s(1)
        _wait_i((nch - 1) % NISL)
        fire_g((nch - 1) % NISL, 1)
        wait_g(1)
        _fire_s((nch - 1) % NISL, 1)
        _wait_s(0)
        _wait_s(1)

    @pl.when(c == 0)
    def _():
        _pipe(NCH0, s * NCH0, _fire_g, _wait_g)

    if NCH1 > 0:
        @pl.when(c == 1)
        def _():
            _pipe(NCH1, NS * NCH0 + s * NCH1, _fire_g, _wait_g)

    plsc.subcore_barrier()

    for k in range(RPT // CH):
        pltpu.sync_copy(acc_s.at[pl.ds(s * RPT + k * CH, CH)],
                        parts_hbm.at[c, pl.ds(s * RPT + k * CH, CH)])


def _prescale_body(degp_ref, x_ref, xs_ref, dis_ref):
    deg = degp_ref[0, :] + degp_ref[1, :] + 1.0
    dis = lax.rsqrt(deg)
    dis2 = dis[:, None]
    dis_ref[...] = dis2
    xs_ref[...] = x_ref[...] * dis2


_prescale_call = pl.pallas_call(
    _prescale_body,
    out_shape=(
        jax.ShapeDtypeStruct((NDUM, D), jnp.float32),
        jax.ShapeDtypeStruct((NDUM, 1), jnp.float32),
    ),
)


def _final_body(parts_ref, xs_ref, dis_ref, w_ref, b_ref, out_ref):
    srow = (parts_ref[0] + parts_ref[1] + xs_ref[...]) * dis_ref[...]
    out_ref[...] = (
        jnp.dot(srow, w_ref[...], preferred_element_type=jnp.float32)
        + b_ref[...]
    )


_BR = 1000

_final_call = pl.pallas_call(
    _final_body,
    grid=(N // _BR,),
    in_specs=[
        pl.BlockSpec((NC, _BR, D), lambda i: (0, i, 0)),
        pl.BlockSpec((_BR, D), lambda i: (i, 0)),
        pl.BlockSpec((_BR, 1), lambda i: (i, 0)),
        pl.BlockSpec((D, D), lambda i: (0, 0)),
        pl.BlockSpec((1, D), lambda i: (0, 0)),
    ],
    out_specs=pl.BlockSpec((_BR, D), lambda i: (i, 0)),
    out_shape=jax.ShapeDtypeStruct((N, D), jnp.float32),
)


def kernel(x, edge_index, W, b):
    src = edge_index[0]
    dst = edge_index[1]
    pad = EPAD - E
    src3 = jnp.concatenate([src, jnp.zeros((pad,), jnp.int32)]).reshape(NW, NCH, CH)
    dst3 = jnp.concatenate([dst, jnp.full((pad,), N, jnp.int32)]).reshape(NW, NCH, CH)
    x_pad = jnp.pad(x, ((0, NDUM - N), (0, 0)))

    idxc = jnp.stack([src3, dst3], axis=2).reshape(TOTCH, 2, CH)

    degp = _deg_kernel(dst3)
    xs, dis = _prescale_call(degp, x_pad)
    parts = _agg_kernel(xs, idxc)
    out = _final_call(parts, xs, dis, W, b.reshape(1, D))
    return out

# --- scband reference (transcript-rebuilt; emitter-appended) ---
"""Pipeline reference for scband-graph-conv-25383256719826 (READ-ONLY COPY).

The authoritative reference and input builder live on the scoring server;
editing this copy changes nothing except your own understanding.
"""

import jax, jax.numpy as jnp
import numpy as np

N = 10000
E = 320000
D_IN = 128
D_OUT = 128


def setup_inputs(seed: int = 0) -> dict:
    key = jax.random.key(seed)
    k1, k2, k3 = jax.random.split(key, 3)
    x = jax.random.normal(k1, (N, D_IN), dtype=jnp.float32)
    edge_index = jax.random.randint(k2, (2, E), 0, N, dtype=jnp.int32)
    # GCNConv linear weight (glorot-ish init) and bias
    W = jax.random.normal(k3, (D_IN, D_OUT), dtype=jnp.float32) * (1.0 / np.sqrt(D_IN))
    b = jnp.zeros((D_OUT,), dtype=jnp.float32)
    return {"x": x, "edge_index": edge_index, "W": W, "b": b}


def reference(x, edge_index, W, b):
    # Faithful PyG GCNConv: add self-loops, linear transform, symmetric
    # normalization norm = deg^{-1/2}[src] * deg^{-1/2}[dst], scatter-add to dst, add bias.
    n = x.shape[0]
    src = edge_index[0]
    dst = edge_index[1]
    loop = jnp.arange(n, dtype=src.dtype)
    src = jnp.concatenate([src, loop], axis=0)
    dst = jnp.concatenate([dst, loop], axis=0)

    h = x @ W  # linear transform (no bias inside lin, matches PyG default)

    ones = jnp.ones(dst.shape[0], dtype=h.dtype)
    deg = jax.ops.segment_sum(ones, dst, num_segments=n)
    deg_inv_sqrt = jnp.where(deg > 0, jax.lax.rsqrt(jnp.maximum(deg, 1e-12)), 0.0)
    norm = deg_inv_sqrt[src] * deg_inv_sqrt[dst]

    msg = h[src] * norm[:, None]          # gather + edge-wise scale
    out = jax.ops.segment_sum(msg, dst, num_segments=n)  # scatter-add aggregation
    out = out + b
    return out

if __name__ == "__main__":
    import jax
    _d = setup_inputs()
    print(jax.jit(kernel)(*tuple(_d.values())))

</pallas_src>

<mosaic_0001>
#map = affine_map<(d0, d1) -> (0, 0)>
#map1 = affine_map<(d0, d1) -> (0, 0, 0)>
module attributes {stable_mosaic.version = 14 : i64} {
  func.func @_agg_kernel(%arg0: i32, %arg1: i32, %arg2: memref<10240x128xf32, #tpu.memory_space<hbm>>, %arg3: memref<2560x2x128xi32, #tpu.memory_space<hbm>>, %arg4: memref<2x10240x128xf32, #tpu.memory_space<hbm>>, %arg5: memref<2x128xi32, #tpu.memory_space<vmem>>, %arg6: memref<2x128xi32, #tpu.memory_space<vmem>>, %arg7: memref<2x128xi32, #tpu.memory_space<vmem>>, %arg8: memref<2x128xi32, #tpu.memory_space<vmem>>, %arg9: memref<128x128xf32, #tpu.memory_space<vmem>>, %arg10: memref<128x128xf32, #tpu.memory_space<vmem>>, %arg11: memref<10240x128xf32, #tpu.memory_space<vmem_shared>>, %arg12: memref<!tpu.dma_semaphore, #tpu.memory_space<semaphore_mem>>, %arg13: memref<!tpu.dma_semaphore, #tpu.memory_space<semaphore_mem>>, %arg14: memref<!tpu.dma_semaphore, #tpu.memory_space<semaphore_mem>>, %arg15: memref<!tpu.dma_semaphore, #tpu.memory_space<semaphore_mem>>, %arg16: memref<!tpu.dma_semaphore, #tpu.memory_space<semaphore_mem>>, %arg17: memref<!tpu.dma_semaphore, #tpu.memory_space<semaphore_mem>>, %arg18: memref<!tpu.dma_semaphore, #tpu.memory_space<semaphore_mem>>, %arg19: memref<!tpu.dma_semaphore, #tpu.memory_space<semaphore_mem>>) attributes {dimension_semantics = [#tpu.dimension_semantics<core_parallel>, #tpu.dimension_semantics<subcore_parallel>], iteration_bounds = array<i64: 2, 16>, scalar_prefetch = 0 : i64, scratch_operands = 15 : i64, tpu.core_type = #tpu.core_type<sc_vector_subcore>, window_params = [{transform_indices = #map}, {transform_indices = #map1}, {transform_indices = #map1}]} {
    %broadcast_in_dim3A = arith.constant 0.000000e+00 : f32
    %broadcast_in_dim3A_0 = vector.broadcast %broadcast_in_dim3A : f32 to vector<16xf32>
    %scan3A = arith.constant 0 : i32
    %scan3A_1 = arith.constant 0 : i32
    %scan3A_2 = arith.constant 128 : i32
    %scan3A_3 = arith.addi %scan3A_1, %scan3A_2 : i32
    %scan3A_4 = arith.constant 1 : i32
    %scan3A_5 = scf.for %scan3A_73 = %scan3A_1 to %scan3A_3 step %scan3A_4 iter_args(%scan3A_74 = %scan3A) -> (i32)  : i32 {
      %swap3A = arith.index_cast %scan3A_73 : i32 to index
      %swap3A_75 = arith.constant 0 : index
      %swap3A_76 = tpu.vector_load %arg9[%swap3A, %swap3A_75] {strides = array<i32>} : memref<128x128xf32, #tpu.memory_space<vmem>>, vector<1x16xf32>,
      %swap3A_77 = vector.shape_cast %swap3A_76 : vector<1x16xf32> to vector<16xf32>
      %swap3A_78 = vector.shape_cast %broadcast_in_dim3A_0 : vector<16xf32> to vector<1x16xf32>
      tpu.vector_store %arg9[%swap3A, %swap3A_75], %swap3A_78 {strides = array<i32>} : memref<128x128xf32, #tpu.memory_space<vmem>>, vector<1x16xf32>,
      %swap3A_79 = arith.index_cast %scan3A_73 : i32 to index
      %swap3A_80 = arith.constant 16 : index
      %swap3A_81 = tpu.vector_load %arg9[%swap3A_79, %swap3A_80] {strides = array<i32>} : memref<128x128xf32, #tpu.memory_space<vmem>>, vector<1x16xf32>,
      %swap3A_82 = vector.shape_cast %swap3A_81 : vector<1x16xf32> to vector<16xf32>
      %swap3A_83 = vector.shape_cast %broadcast_in_dim3A_0 : vector<16xf32> to vector<1x16xf32>
      tpu.vector_store %arg9[%swap3A_79, %swap3A_80], %swap3A_83 {strides = array<i32>} : memref<128x128xf32, #tpu.memory_space<vmem>>, vector<1x16xf32>,
      %swap3A_84 = arith.index_cast %scan3A_73 : i32 to index
      %swap3A_85 = arith.constant 32 : index
      %swap3A_86 = tpu.vector_load %arg9[%swap3A_84, %swap3A_85] {strides = array<i32>} : memref<128x128xf32, #tpu.memory_space<vmem>>, vector<1x16xf32>,
      %swap3A_87 = vector.shape_cast %swap3A_86 : vector<1x16xf32> to vector<16xf32>
      %swap3A_88 = vector.shape_cast %broadcast_in_dim3A_0 : vector<16xf32> to vector<1x16xf32>
      tpu.vector_store %arg9[%swap3A_84, %swap3A_85], %swap3A_88 {strides = array<i32>} : memref<128x128xf32, #tpu.memory_space<vmem>>, vector<1x16xf32>,
      %swap3A_89 = arith.index_cast %scan3A_73 : i32 to index
      %swap3A_90 = arith.constant 48 : index
      %swap3A_91 = tpu.vector_load %arg9[%swap3A_89, %swap3A_90] {strides = array<i32>} : memref<128x128xf32, #tpu.memory_space<vmem>>, vector<1x16xf32>,
      %swap3A_92 = vector.shape_cast %swap3A_91 : vector<1x16xf32> to vector<16xf32>
      %swap3A_93 = vector.shape_cast %broadcast_in_dim3A_0 : vector<16xf32> to vector<1x16xf32>
      tpu.vector_store %arg9[%swap3A_89, %swap3A_90], %swap3A_93 {strides = array<i32>} : memref<128x128xf32, #tpu.memory_space<vmem>>, vector<1x16xf32>,
      %swap3A_94 = arith.index_cast %scan3A_73 : i32 to index
      %swap3A_95 = arith.constant 64 : index
      %swap3A_96 = tpu.vector_load %arg9[%swap3A_94, %swap3A_95] {strides = array<i32>} : memref<128x128xf32, #tpu.memory_space<vmem>>, vector<1x16xf32>,
      %swap3A_97 = vector.shape_cast %swap3A_96 : vector<1x16xf32> to vector<16xf32>
      %swap3A_98 = vector.shape_cast %broadcast_in_dim3A_0 : vector<16xf32> to vector<1x16xf32>
      tpu.vector_store %arg9[%swap3A_94, %swap3A_95], %swap3A_98 {strides = array<i32>} : memref<128x128xf32, #tpu.memory_space<vmem>>, vector<1x16xf32>,
      %swap3A_99 = arith.index_cast %scan3A_73 : i32 to index
      %swap3A_100 = arith.constant 80 : index
      %swap3A_101 = tpu.vector_load %arg9[%swap3A_99, %swap3A_100] {strides = array<i32>} : memref<128x128xf32, #tpu.memory_space<vmem>>, vector<1x16xf32>,
      %swap3A_102 = vector.shape_cast %swap3A_101 : vector<1x16xf32> to vector<16xf32>
      %swap3A_103 = vector.shape_cast %broadcast_in_dim3A_0 : vector<16xf32> to vector<1x16xf32>
      tpu.vector_store %arg9[%swap3A_99, %swap3A_100], %swap3A_103 {strides = array<i32>} : memref<128x128xf32, #tpu.memory_space<vmem>>, vector<1x16xf32>,
      %swap3A_104 = arith.index_cast %scan3A_73 : i32 to index
      %swap3A_105 = arith.constant 96 : index
      %swap3A_106 = tpu.vector_load %arg9[%swap3A_104, %swap3A_105] {strides = array<i32>} : memref<128x128xf32, #tpu.memory_space<vmem>>, vector<1x16xf32>,
      %swap3A_107 = vector.shape_cast %swap3A_106 : vector<1x16xf32> to vector<16xf32>
      %swap3A_108 = vector.shape_cast %broadcast_in_dim3A_0 : vector<16xf32> to vector<1x16xf32>
      tpu.vector_store %arg9[%swap3A_104, %swap3A_105], %swap3A_108 {strides = array<i32>} : memref<128x128xf32, #tpu.memory_space<vmem>>, vector<1x16xf32>,
      %swap3A_109 = arith.index_cast %scan3A_73 : i32 to index
      %swap3A_110 = arith.constant 112 : index
      %swap3A_111 = tpu.vector_load %arg9[%swap3A_109, %swap3A_110] {strides = array<i32>} : memref<128x128xf32, #tpu.memory_space<vmem>>, vector<1x16xf32>,
      %swap3A_112 = vector.shape_cast %swap3A_111 : vector<1x16xf32> to vector<16xf32>
      %swap3A_113 = vector.shape_cast %broadcast_in_dim3A_0 : vector<16xf32> to vector<1x16xf32>
      tpu.vector_store %arg9[%swap3A_109, %swap3A_110], %swap3A_113 {strides = array<i32>} : memref<128x128xf32, #tpu.memory_space<vmem>>, vector<1x16xf32>,
      %scan3A_114 = arith.constant 0 : i32
      scf.yield %scan3A_114 : i32
    }
    %scan3A_6 = arith.constant 128 : i32
    %mul3A = arith.constant 640 : i32
    %mul3A_7 = arith.muli %arg1, %mul3A : i32
    %add3A = arith.constant 0 : i32
    %add3A_8 = arith.addi %mul3A_7, %add3A : i32
    "tpu.region"() ({
      %run_scoped3A = tpu.sem_alloc : memref<!tpu.dma_semaphore, #tpu.memory_space<semaphore_mem>>
      %dma_start3A = arith.constant 0 : i32
      %dma_start3A_73 = tpu.memref_slice %arg11[%add3A_8, %dma_start3A] : memref<10240x128xf32, #tpu.memory_space<vmem_shared>> -> memref<128x128xf32, #tpu.memory_space<vmem_shared>>
      %dma_start3A_74 = arith.constant 0 : i32
      %dma_start3A_75 = tpu.memref_slice %arg11[%add3A_8, %dma_start3A_74] : memref<10240x128xf32, #tpu.memory_space<vmem_shared>> -> memref<128x128xf32, #tpu.memory_space<vmem_shared>>
      tpu.enqueue_dma source(%arg9 : memref<128x128xf32, #tpu.memory_space<vmem>>) target(%dma_start3A_75 : memref<128x128xf32, #tpu.memory_space<vmem_shared>>) target_semaphore(%run_scoped3A : memref<!tpu.dma_semaphore, #tpu.memory_space<semaphore_mem>>)
      %dma_wait3A = arith.constant 0 : i32
      %dma_wait3A_76 = tpu.memref_slice %arg11[%add3A_8, %dma_wait3A] : memref<10240x128xf32, #tpu.memory_space<vmem_shared>> -> memref<128x128xf32, #tpu.memory_space<vmem_shared>>
      %dma_wait3A_77 = arith.constant 0 : i32
      %dma_wait3A_78 = tpu.memref_slice %arg11[%add3A_8, %dma_wait3A_77] : memref<10240x128xf32, #tpu.memory_space<vmem_shared>> -> memref<128x128xf32, #tpu.memory_space<vmem_shared>>
      tpu.wait_dma2 semaphore(%run_scoped3A : memref<!tpu.dma_semaphore, #tpu.memory_space<semaphore_mem>>) src(%arg9 : memref<128x128xf32, #tpu.memory_space<vmem>>) dst(%dma_wait3A_78 : memref<128x128xf32, #tpu.memory_space<vmem_shared>>)
      tpu.yield
    }) : () -> ()
    %mul3A_9 = arith.constant 640 : i32
    %mul3A_10 = arith.muli %arg1, %mul3A_9 : i32
    %add3A_11 = arith.constant 128 : i32
    %add3A_12 = arith.addi %mul3A_10, %add3A_11 : i32
    "tpu.region"() ({
      %run_scoped3A = tpu.sem_alloc : memref<!tpu.dma_semaphore, #tpu.memory_space<semaphore_mem>>
      %dma_start3A = arith.constant 0 : i32
      %dma_start3A_73 = tpu.memref_slice %arg11[%add3A_12, %dma_start3A] : memref<10240x128xf32, #tpu.memory_space<vmem_shared>> -> memref<128x128xf32, #tpu.memory_space<vmem_shared>>
      %dma_start3A_74 = arith.constant 0 : i32
      %dma_start3A_75 = tpu.memref_slice %arg11[%add3A_12, %dma_start3A_74] : memref<10240x128xf32, #tpu.memory_space<vmem_shared>> -> memref<128x128xf32, #tpu.memory_space<vmem_shared>>
      tpu.enqueue_dma source(%arg9 : memref<128x128xf32, #tpu.memory_space<vmem>>) target(%dma_start3A_75 : memref<128x128xf32, #tpu.memory_space<vmem_shared>>) target_semaphore(%run_scoped3A : memref<!tpu.dma_semaphore, #tpu.memory_space<semaphore_mem>>)
      %dma_wait3A = arith.constant 0 : i32
      %dma_wait3A_76 = tpu.memref_slice %arg11[%add3A_12, %dma_wait3A] : memref<10240x128xf32, #tpu.memory_space<vmem_shared>> -> memref<128x128xf32, #tpu.memory_space<vmem_shared>>
      %dma_wait3A_77 = arith.constant 0 : i32
      %dma_wait3A_78 = tpu.memref_slice %arg11[%add3A_12, %dma_wait3A_77] : memref<10240x128xf32, #tpu.memory_space<vmem_shared>> -> memref<128x128xf32, #tpu.memory_space<vmem_shared>>
      tpu.wait_dma2 semaphore(%run_scoped3A : memref<!tpu.dma_semaphore, #tpu.memory_space<semaphore_mem>>) src(%arg9 : memref<128x128xf32, #tpu.memory_space<vmem>>) dst(%dma_wait3A_78 : memref<128x128xf32, #tpu.memory_space<vmem_shared>>)
      tpu.yield
    }) : () -> ()
    %mul3A_13 = arith.constant 640 : i32
    %mul3A_14 = arith.muli %arg1, %mul3A_13 : i32
    %add3A_15 = arith.constant 256 : i32
    %add3A_16 = arith.addi %mul3A_14, %add3A_15 : i32
    "tpu.region"() ({
      %run_scoped3A = tpu.sem_alloc : memref<!tpu.dma_semaphore, #tpu.memory_space<semaphore_mem>>
      %dma_start3A = arith.constant 0 : i32
      %dma_start3A_73 = tpu.memref_slice %arg11[%add3A_16, %dma_start3A] : memref<10240x128xf32, #tpu.memory_space<vmem_shared>> -> memref<128x128xf32, #tpu.memory_space<vmem_shared>>
      %dma_start3A_74 = arith.constant 0 : i32
      %dma_start3A_75 = tpu.memref_slice %arg11[%add3A_16, %dma_start3A_74] : memref<10240x128xf32, #tpu.memory_space<vmem_shared>> -> memref<128x128xf32, #tpu.memory_space<vmem_shared>>
      tpu.enqueue_dma source(%arg9 : memref<128x128xf32, #tpu.memory_space<vmem>>) target(%dma_start3A_75 : memref<128x128xf32, #tpu.memory_space<vmem_shared>>) target_semaphore(%run_scoped3A : memref<!tpu.dma_semaphore, #tpu.memory_space<semaphore_mem>>)
      %dma_wait3A = arith.constant 0 : i32
      %dma_wait3A_76 = tpu.memref_slice %arg11[%add3A_16, %dma_wait3A] : memref<10240x128xf32, #tpu.memory_space<vmem_shared>> -> memref<128x128xf32, #tpu.memory_space<vmem_shared>>
      %dma_wait3A_77 = arith.constant 0 : i32
      %dma_wait3A_78 = tpu.memref_slice %arg11[%add3A_16, %dma_wait3A_77] : memref<10240x128xf32, #tpu.memory_space<vmem_shared>> -> memref<128x128xf32, #tpu.memory_space<vmem_shared>>
      tpu.wait_dma2 semaphore(%run_scoped3A : memref<!tpu.dma_semaphore, #tpu.memory_space<semaphore_mem>>) src(%arg9 : memref<128x128xf32, #tpu.memory_space<vmem>>) dst(%dma_wait3A_78 : memref<128x128xf32, #tpu.memory_space<vmem_shared>>)
      tpu.yield
    }) : () -> ()
    %mul3A_17 = arith.constant 640 : i32
    %mul3A_18 = arith.muli %arg1, %mul3A_17 : i32
    %add3A_19 = arith.constant 384 : i32
    %add3A_20 = arith.addi %mul3A_18, %add3A_19 : i32
    "tpu.region"() ({
      %run_scoped3A = tpu.sem_alloc : memref<!tpu.dma_semaphore, #tpu.memory_space<semaphore_mem>>
      %dma_start3A = arith.constant 0 : i32
      %dma_start3A_73 = tpu.memref_slice %arg11[%add3A_20, %dma_start3A] : memref<10240x128xf32, #tpu.memory_space<vmem_shared>> -> memref<128x128xf32, #tpu.memory_space<vmem_shared>>
      %dma_start3A_74 = arith.constant 0 : i32
      %dma_start3A_75 = tpu.memref_slice %arg11[%add3A_20, %dma_start3A_74] : memref<10240x128xf32, #tpu.memory_space<vmem_shared>> -> memref<128x128xf32, #tpu.memory_space<vmem_shared>>
      tpu.enqueue_dma source(%arg9 : memref<128x128xf32, #tpu.memory_space<vmem>>) target(%dma_start3A_75 : memref<128x128xf32, #tpu.memory_space<vmem_shared>>) target_semaphore(%run_scoped3A : memref<!tpu.dma_semaphore, #tpu.memory_space<semaphore_mem>>)
      %dma_wait3A = arith.constant 0 : i32
      %dma_wait3A_76 = tpu.memref_slice %arg11[%add3A_20, %dma_wait3A] : memref<10240x128xf32, #tpu.memory_space<vmem_shared>> -> memref<128x128xf32, #tpu.memory_space<vmem_shared>>
      %dma_wait3A_77 = arith.constant 0 : i32
      %dma_wait3A_78 = tpu.memref_slice %arg11[%add3A_20, %dma_wait3A_77] : memref<10240x128xf32, #tpu.memory_space<vmem_shared>> -> memref<128x128xf32, #tpu.memory_space<vmem_shared>>
      tpu.wait_dma2 semaphore(%run_scoped3A : memref<!tpu.dma_semaphore, #tpu.memory_space<semaphore_mem>>) src(%arg9 : memref<128x128xf32, #tpu.memory_space<vmem>>) dst(%dma_wait3A_78 : memref<128x128xf32, #tpu.memory_space<vmem_shared>>)
      tpu.yield
    }) : () -> ()
    %mul3A_21 = arith.constant 640 : i32
    %mul3A_22 = arith.muli %arg1, %mul3A_21 : i32
    %add3A_23 = arith.constant 512 : i32
    %add3A_24 = arith.addi %mul3A_22, %add3A_23 : i32
    "tpu.region"() ({
      %run_scoped3A = tpu.sem_alloc : memref<!tpu.dma_semaphore, #tpu.memory_space<semaphore_mem>>
      %dma_start3A = arith.constant 0 : i32
      %dma_start3A_73 = tpu.memref_slice %arg11[%add3A_24, %dma_start3A] : memref<10240x128xf32, #tpu.memory_space<vmem_shared>> -> memref<128x128xf32, #tpu.memory_space<vmem_shared>>
      %dma_start3A_74 = arith.constant 0 : i32
      %dma_start3A_75 = tpu.memref_slice %arg11[%add3A_24, %dma_start3A_74] : memref<10240x128xf32, #tpu.memory_space<vmem_shared>> -> memref<128x128xf32, #tpu.memory_space<vmem_shared>>
      tpu.enqueue_dma source(%arg9 : memref<128x128xf32, #tpu.memory_space<vmem>>) target(%dma_start3A_75 : memref<128x128xf32, #tpu.memory_space<vmem_shared>>) target_semaphore(%run_scoped3A : memref<!tpu.dma_semaphore, #tpu.memory_space<semaphore_mem>>)
      %dma_wait3A = arith.constant 0 : i32
      %dma_wait3A_76 = tpu.memref_slice %arg11[%add3A_24, %dma_wait3A] : memref<10240x128xf32, #tpu.memory_space<vmem_shared>> -> memref<128x128xf32, #tpu.memory_space<vmem_shared>>
      %dma_wait3A_77 = arith.constant 0 : i32
      %dma_wait3A_78 = tpu.memref_slice %arg11[%add3A_24, %dma_wait3A_77] : memref<10240x128xf32, #tpu.memory_space<vmem_shared>> -> memref<128x128xf32, #tpu.memory_space<vmem_shared>>
      tpu.wait_dma2 semaphore(%run_scoped3A : memref<!tpu.dma_semaphore, #tpu.memory_space<semaphore_mem>>) src(%arg9 : memref<128x128xf32, #tpu.memory_space<vmem>>) dst(%dma_wait3A_78 : memref<128x128xf32, #tpu.memory_space<vmem_shared>>)
      tpu.yield
    }) : () -> ()
    %barrier3A = arith.constant 0 : index
    tpu.barrier barrier_id(%barrier3A)
    %eq3A = arith.constant 0 : i32
    %eq3A_25 = arith.cmpi eq, %arg0, %eq3A : i32
    %convert_element_type3A = arith.extui %eq3A_25 : i1 to i32
    %cond3A = arith.constant 0 : i32
    %cond3A_26 = arith.cmpi ne, %convert_element_type3A, %cond3A : i32
    scf.if %cond3A_26 {
      %mul3A_73 = arith.constant 152 : i32
      %mul3A_74 = arith.muli %arg1, %mul3A_73 : i32
      %add3A_75 = arith.constant 0 : i32
      %add3A_76 = arith.addi %mul3A_74, %add3A_75 : i32
      %dma_start3A = arith.constant 0 : i32
      %dma_start3A_77 = arith.constant 0 : i32
      %dma_start3A_78 = tpu.memref_slice %arg3[%add3A_76, %dma_start3A, %dma_start3A_77] : memref<2560x2x128xi32, #tpu.memory_space<hbm>> -> memref<1x2x128xi32, #tpu.memory_space<hbm>>
      %dma_start3A_79 = tpu.memref_squeeze %dma_start3A_78 : memref<1x2x128xi32, #tpu.memory_space<hbm>> -> memref<2x128xi32, #tpu.memory_space<hbm>>
      %dma_start3A_80 = arith.constant 0 : i32
      %dma_start3A_81 = arith.constant 0 : i32
      %dma_start3A_82 = tpu.memref_slice %arg3[%add3A_76, %dma_start3A_80, %dma_start3A_81] : memref<2560x2x128xi32, #tpu.memory_space<hbm>> -> memref<1x2x128xi32, #tpu.memory_space<hbm>>
      %dma_start3A_83 = tpu.memref_squeeze %dma_start3A_82 : memref<1x2x128xi32, #tpu.memory_space<hbm>> -> memref<2x128xi32, #tpu.memory_space<hbm>>
      tpu.enqueue_dma source(%dma_start3A_83 : memref<2x128xi32, #tpu.memory_space<hbm>>) target(%arg5 : memref<2x128xi32, #tpu.memory_space<vmem>>) target_semaphore(%arg12 : memref<!tpu.dma_semaphore, #tpu.memory_space<semaphore_mem>>)
      %add3A_84 = arith.constant 1 : i32
      %add3A_85 = arith.addi %mul3A_74, %add3A_84 : i32
      %dma_start3A_86 = arith.constant 0 : i32
      %dma_start3A_87 = arith.constant 0 : i32
      %dma_start3A_88 = tpu.memref_slice %arg3[%add3A_85, %dma_start3A_86, %dma_start3A_87] : memref<2560x2x128xi32, #tpu.memory_space<hbm>> -> memref<1x2x128xi32, #tpu.memory_space<hbm>>
      %dma_start3A_89 = tpu.memref_squeeze %dma_start3A_88 : memref<1x2x128xi32, #tpu.memory_space<hbm>> -> memref<2x128xi32, #tpu.memory_space<hbm>>
      %dma_start3A_90 = arith.constant 0 : i32
      %dma_start3A_91 = arith.constant 0 : i32
      %dma_start3A_92 = tpu.memref_slice %arg3[%add3A_85, %dma_start3A_90, %dma_start3A_91] : memref<2560x2x128xi32, #tpu.memory_space<hbm>> -> memref<1x2x128xi32, #tpu.memory_space<hbm>>
      %dma_start3A_93 = tpu.memref_squeeze %dma_start3A_92 : memref<1x2x128xi32, #tpu.memory_space<hbm>> -> memref<2x128xi32, #tpu.memory_space<hbm>>
      tpu.enqueue_dma source(%dma_start3A_93 : memref<2x128xi32, #tpu.memory_space<hbm>>) target(%arg6 : memref<2x128xi32, #tpu.memory_space<vmem>>) target_semaphore(%arg13 : memref<!tpu.dma_semaphore, #tpu.memory_space<semaphore_mem>>)
      %dma_wait3A = arith.constant 0 : i32
      %dma_wait3A_94 = arith.constant 0 : i32
      %dma_wait3A_95 = arith.constant 0 : i32
      %dma_wait3A_96 = tpu.memref_slice %arg3[%dma_wait3A, %dma_wait3A_94, %dma_wait3A_95] : memref<2560x2x128xi32, #tpu.memory_space<hbm>> -> memref<1x2x128xi32, #tpu.memory_space<hbm>>
      %dma_wait3A_97 = tpu.memref_squeeze %dma_wait3A_96 : memref<1x2x128xi32, #tpu.memory_space<hbm>> -> memref<2x128xi32, #tpu.memory_space<hbm>>
      %dma_wait3A_98 = arith.constant 0 : i32
      %dma_wait3A_99 = arith.constant 0 : i32
      %dma_wait3A_100 = tpu.memref_slice %arg3[%dma_wait3A, %dma_wait3A_98, %dma_wait3A_99] : memref<2560x2x128xi32, #tpu.memory_space<hbm>> -> memref<1x2x128xi32, #tpu.memory_space<hbm>>
      %dma_wait3A_101 = tpu.memref_squeeze %dma_wait3A_100 : memref<1x2x128xi32, #tpu.memory_space<hbm>> -> memref<2x128xi32, #tpu.memory_space<hbm>>
      tpu.wait_dma2 semaphore(%arg12 : memref<!tpu.dma_semaphore, #tpu.memory_space<semaphore_mem>>) src(%dma_wait3A_101 : memref<2x128xi32, #tpu.memory_space<hbm>>) dst(%arg5 : memref<2x128xi32, #tpu.memory_space<vmem>>)
      %dma_start3A_102 = arith.constant 0 : i32
      %dma_start3A_103 = arith.constant 0 : i32
      %dma_start3A_104 = tpu.memref_slice %arg5[%dma_start3A_102, %dma_start3A_103] : memref<2x128xi32, #tpu.memory_space<vmem>> -> memref<1x128xi32, #tpu.memory_space<vmem>>
      %dma_start3A_105 = tpu.memref_squeeze %dma_start3A_104 : memref<1x128xi32, #tpu.memory_space<vmem>> -> memref<128xi32, #tpu.memory_space<vmem>>
      %dma_start3A_106 = arith.constant 0 : i32
      %dma_start3A_107 = arith.constant 0 : i32
      %dma_start3A_108 = tpu.memref_slice %arg2[%dma_start3A_106, %dma_start3A_107] : memref<10240x128xf32, #tpu.memory_space<hbm>> -> memref<10240x128xf32, #tpu.memory_space<hbm>>
      tpu.enqueue_indirect_dma source(%dma_start3A_108 : memref<10240x128xf32, #tpu.memory_space<hbm>>) target(%arg9 : memref<128x128xf32, #tpu.memory_space<vmem>>) offsets(%dma_start3A_105 : memref<128xi32, #tpu.memory_space<vmem>>) semaphore(%arg16 : memref<!tpu.dma_semaphore, #tpu.memory_space<semaphore_mem>>)
      %dma_wait3A_109 = arith.constant 0 : i32
      %dma_wait3A_110 = arith.constant 0 : i32
      %dma_wait3A_111 = tpu.memref_slice %arg5[%dma_wait3A_109, %dma_wait3A_110] : memref<2x128xi32, #tpu.memory_space<vmem>> -> memref<1x128xi32, #tpu.memory_space<vmem>>
      %dma_wait3A_112 = tpu.memref_squeeze %dma_wait3A_111 : memref<1x128xi32, #tpu.memory_space<vmem>> -> memref<128xi32, #tpu.memory_space<vmem>>
      %dma_wait3A_113 = arith.constant 0 : i32
      %dma_wait3A_114 = arith.constant 0 : i32
      %dma_wait3A_115 = tpu.memref_slice %arg2[%dma_wait3A_113, %dma_wait3A_114] : memref<10240x128xf32, #tpu.memory_space<hbm>> -> memref<10240x128xf32, #tpu.memory_space<hbm>>
      tpu.wait_indirect_dma semaphore(%arg16 : memref<!tpu.dma_semaphore, #tpu.memory_space<semaphore_mem>>) src(%dma_wait3A_115 : memref<10240x128xf32, #tpu.memory_space<hbm>>) dst(%arg9 : memref<128x128xf32, #tpu.memory_space<vmem>>)
      %dma_start3A_116 = arith.constant 1 : i32
      %dma_start3A_117 = arith.constant 0 : i32
      %dma_start3A_118 = tpu.memref_slice %arg5[%dma_start3A_116, %dma_start3A_117] : memref<2x128xi32, #tpu.memory_space<vmem>> -> memref<1x128xi32, #tpu.memory_space<vmem>>
      %dma_start3A_119 = tpu.memref_squeeze %dma_start3A_118 : memref<1x128xi32, #tpu.memory_space<vmem>> -> memref<128xi32, #tpu.memory_space<vmem>>
      %dma_start3A_120 = arith.constant 0 : i32
      %dma_start3A_121 = arith.constant 0 : i32
      %dma_start3A_122 = tpu.memref_slice %arg11[%dma_start3A_120, %dma_start3A_121] : memref<10240x128xf32, #tpu.memory_space<vmem_shared>> -> memref<10240x128xf32, #tpu.memory_space<vmem_shared>>
      tpu.enqueue_indirect_dma source(%arg9 : memref<128x128xf32, #tpu.memory_space<vmem>>) target(%dma_start3A_122 : memref<10240x128xf32, #tpu.memory_space<vmem_shared>>) offsets(%dma_start3A_119 : memref<128xi32, #tpu.memory_space<vmem>>) semaphore(%arg18 : memref<!tpu.dma_semaphore, #tpu.memory_space<semaphore_mem>>) {add = true}
      %add3A_123 = arith.constant 2 : i32
      %add3A_124 = arith.addi %mul3A_74, %add3A_123 : i32
      %dma_start3A_125 = arith.constant 0 : i32
      %dma_start3A_126 = arith.constant 0 : i32
      %dma_start3A_127 = tpu.memref_slice %arg3[%add3A_124, %dma_start3A_125, %dma_start3A_126] : memref<2560x2x128xi32, #tpu.memory_space<hbm>> -> memref<1x2x128xi32, #tpu.memory_space<hbm>>
      %dma_start3A_128 = tpu.memref_squeeze %dma_start3A_127 : memref<1x2x128xi32, #tpu.memory_space<hbm>> -> memref<2x128xi32, #tpu.memory_space<hbm>>
      %dma_start3A_129 = arith.constant 0 : i32
      %dma_start3A_130 = arith.constant 0 : i32
      %dma_start3A_131 = tpu.memref_slice %arg3[%add3A_124, %dma_start3A_129, %dma_start3A_130] : memref<2560x2x128xi32, #tpu.memory_space<hbm>> -> memref<1x2x128xi32, #tpu.memory_space<hbm>>
      %dma_start3A_132 = tpu.memref_squeeze %dma_start3A_131 : memref<1x2x128xi32, #tpu.memory_space<hbm>> -> memref<2x128xi32, #tpu.memory_space<hbm>>
      tpu.enqueue_dma source(%dma_start3A_132 : memref<2x128xi32, #tpu.memory_space<hbm>>) target(%arg7 : memref<2x128xi32, #tpu.memory_space<vmem>>) target_semaphore(%arg14 : memref<!tpu.dma_semaphore, #tpu.memory_space<semaphore_mem>>)
      %dma_wait3A_133 = arith.constant 0 : i32
      %dma_wait3A_134 = arith.constant 0 : i32
      %dma_wait3A_135 = arith.constant 0 : i32
      %dma_wait3A_136 = tpu.memref_slice %arg3[%dma_wait3A_133, %dma_wait3A_134, %dma_wait3A_135] : memref<2560x2x128xi32, #tpu.memory_space<hbm>> -> memref<1x2x128xi32, #tpu.memory_space<hbm>>
      %dma_wait3A_137 = tpu.memref_squeeze %dma_wait3A_136 : memref<1x2x128xi32, #tpu.memory_space<hbm>> -> memref<2x128xi32, #tpu.memory_space<hbm>>
      %dma_wait3A_138 = arith.constant 0 : i32
      %dma_wait3A_139 = arith.constant 0 : i32
      %dma_wait3A_140 = tpu.memref_slice %arg3[%dma_wait3A_133, %dma_wait3A_138, %dma_wait3A_139] : memref<2560x2x128xi32, #tpu.memory_space<hbm>> -> memref<1x2x128xi32, #tpu.memory_space<hbm>>
      %dma_wait3A_141 = tpu.memref_squeeze %dma_wait3A_140 : memref<1x2x128xi32, #tpu.memory_space<hbm>> -> memref<2x128xi32, #tpu.memory_space<hbm>>
      tpu.wait_dma2 semaphore(%arg13 : memref<!tpu.dma_semaphore, #tpu.memory_space<semaphore_mem>>) src(%dma_wait3A_141 : memref<2x128xi32, #tpu.memory_space<hbm>>) dst(%arg6 : memref<2x128xi32, #tpu.memory_space<vmem>>)
      %dma_start3A_142 = arith.constant 0 : i32
      %dma_start3A_143 = arith.constant 0 : i32
      %dma_start3A_144 = tpu.memref_slice %arg6[%dma_start3A_142, %dma_start3A_143] : memref<2x128xi32, #tpu.memory_space<vmem>> -> memref<1x128xi32, #tpu.memory_space<vmem>>
      %dma_start3A_145 = tpu.memref_squeeze %dma_start3A_144 : memref<1x128xi32, #tpu.memory_space<vmem>> -> memref<128xi32, #tpu.memory_space<vmem>>
      %dma_start3A_146 = arith.constant 0 : i32
      %dma_start3A_147 = arith.constant 0 : i32
      %dma_start3A_148 = tpu.memref_slice %arg2[%dma_start3A_146, %dma_start3A_147] : memref<10240x128xf32, #tpu.memory_space<hbm>> -> memref<10240x128xf32, #tpu.memory_space<hbm>>
      tpu.enqueue_indirect_dma source(%dma_start3A_148 : memref<10240x128xf32, #tpu.memory_space<hbm>>) target(%arg10 : memref<128x128xf32, #tpu.memory_space<vmem>>) offsets(%dma_start3A_145 : memref<128xi32, #tpu.memory_space<vmem>>) semaphore(%arg17 : memref<!tpu.dma_semaphore, #tpu.memory_space<semaphore_mem>>)
      %dma_wait3A_149 = arith.constant 0 : i32
      %dma_wait3A_150 = arith.constant 0 : i32
      %dma_wait3A_151 = tpu.memref_slice %arg5[%dma_wait3A_149, %dma_wait3A_150] : memref<2x128xi32, #tpu.memory_space<vmem>> -> memref<1x128xi32, #tpu.memory_space<vmem>>
      %dma_wait3A_152 = tpu.memref_squeeze %dma_wait3A_151 : memref<1x128xi32, #tpu.memory_space<vmem>> -> memref<128xi32, #tpu.memory_space<vmem>>
      %dma_wait3A_153 = arith.constant 0 : i32
      %dma_wait3A_154 = arith.constant 0 : i32
      %dma_wait3A_155 = tpu.memref_slice %arg2[%dma_wait3A_153, %dma_wait3A_154] : memref<10240x128xf32, #tpu.memory_space<hbm>> -> memref<10240x128xf32, #tpu.memory_space<hbm>>
      tpu.wait_indirect_dma semaphore(%arg17 : memref<!tpu.dma_semaphore, #tpu.memory_space<semaphore_mem>>) src(%dma_wait3A_155 : memref<10240x128xf32, #tpu.memory_space<hbm>>) dst(%arg10 : memref<128x128xf32, #tpu.memory_space<vmem>>)
      %dma_start3A_156 = arith.constant 1 : i32
      %dma_start3A_157 = arith.constant 0 : i32
      %dma_start3A_158 = tpu.memref_slice %arg6[%dma_start3A_156, %dma_start3A_157] : memref<2x128xi32, #tpu.memory_space<vmem>> -> memref<1x128xi32, #tpu.memory_space<vmem>>
      %dma_start3A_159 = tpu.memref_squeeze %dma_start3A_158 : memref<1x128xi32, #tpu.memory_space<vmem>> -> memref<128xi32, #tpu.memory_space<vmem>>
      %dma_start3A_160 = arith.constant 0 : i32
      %dma_start3A_161 = arith.constant 0 : i32
      %dma_start3A_162 = tpu.memref_slice %arg11[%dma_start3A_160, %dma_start3A_161] : memref<10240x128xf32, #tpu.memory_space<vmem_shared>> -> memref<10240x128xf32, #tpu.memory_space<vmem_shared>>
      tpu.enqueue_indirect_dma source(%arg10 : memref<128x128xf32, #tpu.memory_space<vmem>>) target(%dma_start3A_162 : memref<10240x128xf32, #tpu.memory_space<vmem_shared>>) offsets(%dma_start3A_159 : memref<128xi32, #tpu.memory_space<vmem>>) semaphore(%arg19 : memref<!tpu.dma_semaphore, #tpu.memory_space<semaphore_mem>>) {add = true}
      %dma_wait3A_163 = arith.constant 1 : i32
      %dma_wait3A_164 = arith.constant 0 : i32
      %dma_wait3A_165 = tpu.memref_slice %arg5[%dma_wait3A_163, %dma_wait3A_164] : memref<2x128xi32, #tpu.memory_space<vmem>> -> memref<1x128xi32, #tpu.memory_space<vmem>>
      %dma_wait3A_166 = tpu.memref_squeeze %dma_wait3A_165 : memref<1x128xi32, #tpu.memory_space<vmem>> -> memref<128xi32, #tpu.memory_space<vmem>>
      %dma_wait3A_167 = arith.constant 0 : i32
      %dma_wait3A_168 = arith.constant 0 : i32
      %dma_wait3A_169 = tpu.memref_slice %arg11[%dma_wait3A_167, %dma_wait3A_168] : memref<10240x128xf32, #tpu.memory_space<vmem_shared>> -> memref<10240x128xf32, #tpu.memory_space<vmem_shared>>
      tpu.wait_indirect_dma semaphore(%arg18 : memref<!tpu.dma_semaphore, #tpu.memory_space<semaphore_mem>>) src(%arg9 : memref<128x128xf32, #tpu.memory_space<vmem>>) dst(%dma_wait3A_169 : memref<10240x128xf32, #tpu.memory_space<vmem_shared>>)
      %add3A_170 = arith.constant 3 : i32
      %add3A_171 = arith.addi %mul3A_74, %add3A_170 : i32
      %dma_start3A_172 = arith.constant 0 : i32
      %dma_start3A_173 = arith.constant 0 : i32
      %dma_start3A_174 = tpu.memref_slice %arg3[%add3A_171, %dma_start3A_172, %dma_start3A_173] : memref<2560x2x128xi32, #tpu.memory_space<hbm>> -> memref<1x2x128xi32, #tpu.memory_space<hbm>>
      %dma_start3A_175 = tpu.memref_squeeze %dma_start3A_174 : memref<1x2x128xi32, #tpu.memory_space<hbm>> -> memref<2x128xi32, #tpu.memory_space<hbm>>
      %dma_start3A_176 = arith.constant 0 : i32
      %dma_start3A_177 = arith.constant 0 : i32
      %dma_start3A_178 = tpu.memref_slice %arg3[%add3A_171, %dma_start3A_176, %dma_start3A_177] : memref<2560x2x128xi32, #tpu.memory_space<hbm>> -> memref<1x2x128xi32, #tpu.memory_space<hbm>>
      %dma_start3A_179 = tpu.memref_squeeze %dma_start3A_178 : memref<1x2x128xi32, #tpu.memory_space<hbm>> -> memref<2x128xi32, #tpu.memory_space<hbm>>
      tpu.enqueue_dma source(%dma_start3A_179 : memref<2x128xi32, #tpu.memory_space<hbm>>) target(%arg8 : memref<2x128xi32, #tpu.memory_space<vmem>>) target_semaphore(%arg15 : memref<!tpu.dma_semaphore, #tpu.memory_space<semaphore_mem>>)
      %dma_wait3A_180 = arith.constant 0 : i32
      %dma_wait3A_181 = arith.constant 0 : i32
      %dma_wait3A_182 = arith.constant 0 : i32
      %dma_wait3A_183 = tpu.memref_slice %arg3[%dma_wait3A_180, %dma_wait3A_181, %dma_wait3A_182] : memref<2560x2x128xi32, #tpu.memory_space<hbm>> -> memref<1x2x128xi32, #tpu.memory_space<hbm>>
      %dma_wait3A_184 = tpu.memref_squeeze %dma_wait3A_183 : memref<1x2x128xi32, #tpu.memory_space<hbm>> -> memref<2x128xi32, #tpu.memory_space<hbm>>
      %dma_wait3A_185 = arith.constant 0 : i32
      %dma_wait3A_186 = arith.constant 0 : i32
      %dma_wait3A_187 = tpu.memref_slice %arg3[%dma_wait3A_180, %dma_wait3A_185, %dma_wait3A_186] : memref<2560x2x128xi32, #tpu.memory_space<hbm>> -> memref<1x2x128xi32, #tpu.memory_space<hbm>>
      %dma_wait3A_188 = tpu.memref_squeeze %dma_wait3A_187 : memref<1x2x128xi32, #tpu.memory_space<hbm>> -> memref<2x128xi32, #tpu.memory_space<hbm>>
      tpu.wait_dma2 semaphore(%arg14 : memref<!tpu.dma_semaphore, #tpu.memory_space<semaphore_mem>>) src(%dma_wait3A_188 : memref<2x128xi32, #tpu.memory_space<hbm>>) dst(%arg7 : memref<2x128xi32, #tpu.memory_space<vmem>>)
      %dma_start3A_189 = arith.constant 0 : i32
      %dma_start3A_190 = arith.constant 0 : i32
      %dma_start3A_191 = tpu.memref_slice %arg7[%dma_start3A_189, %dma_start3A_190] : memref<2x128xi32, #tpu.memory_space<vmem>> -> memref<1x128xi32, #tpu.memory_space<vmem>>
      %dma_start3A_192 = tpu.memref_squeeze %dma_start3A_191 : memref<1x128xi32, #tpu.memory_space<vmem>> -> memref<128xi32, #tpu.memory_space<vmem>>
      %dma_start3A_193 = arith.constant 0 : i32
      %dma_start3A_194 = arith.constant 0 : i32
      %dma_start3A_195 = tpu.memref_slice %arg2[%dma_start3A_193, %dma_start3A_194] : memref<10240x128xf32, #tpu.memory_space<hbm>> -> memref<10240x128xf32, #tpu.memory_space<hbm>>
      tpu.enqueue_indirect_dma source(%dma_start3A_195 : memref<10240x128xf32, #tpu.memory_space<hbm>>) target(%arg9 : memref<128x128xf32, #tpu.memory_space<vmem>>) offsets(%dma_start3A_192 : memref<128xi32, #tpu.memory_space<vmem>>) semaphore(%arg16 : memref<!tpu.dma_semaphore, #tpu.memory_space<semaphore_mem>>)
      %scan3A_196 = arith.constant 0 : i32
      %scan3A_197 = arith.constant 0 : i32
      %scan3A_198 = arith.constant 37 : i32
      %scan3A_199 = arith.addi %scan3A_197, %scan3A_198 : i32
      %scan3A_200 = arith.constant 1 : i32
      %scan3A_201 = scf.for %scan3A_268 = %scan3A_197 to %scan3A_199 step %scan3A_200 iter_args(%scan3A_269 = %scan3A_196) -> (i32)  : i32 {
        %add3A_270 = arith.constant 2 : i32
        %add3A_271 = arith.addi %mul3A_74, %add3A_270 : i32
        %mul3A_272 = arith.constant 4 : i32
        %mul3A_273 = arith.muli %scan3A_268, %mul3A_272 : i32
        %add3A_274 = arith.addi %add3A_271, %mul3A_273 : i32
        %add3A_275 = arith.constant 0 : i32
        %add3A_276 = arith.addi %add3A_274, %add3A_275 : i32
        %dma_wait3A_277 = arith.constant 0 : i32
        %dma_wait3A_278 = arith.constant 0 : i32
        %dma_wait3A_279 = tpu.memref_slice %arg5[%dma_wait3A_277, %dma_wait3A_278] : memref<2x128xi32, #tpu.memory_space<vmem>> -> memref<1x128xi32, #tpu.memory_space<vmem>>
        %dma_wait3A_280 = tpu.memref_squeeze %dma_wait3A_279 : memref<1x128xi32, #tpu.memory_space<vmem>> -> memref<128xi32, #tpu.memory_space<vmem>>
        %dma_wait3A_281 = arith.constant 0 : i32
        %dma_wait3A_282 = arith.constant 0 : i32
        %dma_wait3A_283 = tpu.memref_slice %arg2[%dma_wait3A_281, %dma_wait3A_282] : memref<10240x128xf32, #tpu.memory_space<hbm>> -> memref<10240x128xf32, #tpu.memory_space<hbm>>
        tpu.wait_indirect_dma semaphore(%arg16 : memref<!tpu.dma_semaphore, #tpu.memory_space<semaphore_mem>>) src(%dma_wait3A_283 : memref<10240x128xf32, #tpu.memory_space<hbm>>) dst(%arg9 : memref<128x128xf32, #tpu.memory_space<vmem>>)
        %dma_start3A_284 = arith.constant 1 : i32
        %dma_start3A_285 = arith.constant 0 : i32
        %dma_start3A_286 = tpu.memref_slice %arg7[%dma_start3A_284, %dma_start3A_285] : memref<2x128xi32, #tpu.memory_space<vmem>> -> memref<1x128xi32, #tpu.memory_space<vmem>>
        %dma_start3A_287 = tpu.memref_squeeze %dma_start3A_286 : memref<1x128xi32, #tpu.memory_space<vmem>> -> memref<128xi32, #tpu.memory_space<vmem>>
        %dma_start3A_288 = arith.constant 0 : i32
        %dma_start3A_289 = arith.constant 0 : i32
        %dma_start3A_290 = tpu.memref_slice %arg11[%dma_start3A_288, %dma_start3A_289] : memref<10240x128xf32, #tpu.memory_space<vmem_shared>> -> memref<10240x128xf32, #tpu.memory_space<vmem_shared>>
        tpu.enqueue_indirect_dma source(%arg9 : memref<128x128xf32, #tpu.memory_space<vmem>>) target(%dma_start3A_290 : memref<10240x128xf32, #tpu.memory_space<vmem_shared>>) offsets(%dma_start3A_287 : memref<128xi32, #tpu.memory_space<vmem>>) semaphore(%arg18 : memref<!tpu.dma_semaphore, #tpu.memory_space<semaphore_mem>>) {add = true}
        %dma_wait3A_291 = arith.constant 1 : i32
        %dma_wait3A_292 = arith.constant 0 : i32
        %dma_wait3A_293 = tpu.memref_slice %arg5[%dma_wait3A_291, %dma_wait3A_292] : memref<2x128xi32, #tpu.memory_space<vmem>> -> memref<1x128xi32, #tpu.memory_space<vmem>>
        %dma_wait3A_294 = tpu.memref_squeeze %dma_wait3A_293 : memref<1x128xi32, #tpu.memory_space<vmem>> -> memref<128xi32, #tpu.memory_space<vmem>>
        %dma_wait3A_295 = arith.constant 0 : i32
        %dma_wait3A_296 = arith.constant 0 : i32
        %dma_wait3A_297 = tpu.memref_slice %arg11[%dma_wait3A_295, %dma_wait3A_296] : memref<10240x128xf32, #tpu.memory_space<vmem_shared>> -> memref<10240x128xf32, #tpu.memory_space<vmem_shared>>
        tpu.wait_indirect_dma semaphore(%arg19 : memref<!tpu.dma_semaphore, #tpu.memory_space<semaphore_mem>>) src(%arg10 : memref<128x128xf32, #tpu.memory_space<vmem>>) dst(%dma_wait3A_297 : memref<10240x128xf32, #tpu.memory_space<vmem_shared>>)
        %add3A_298 = arith.constant 2 : i32
        %add3A_299 = arith.addi %add3A_276, %add3A_298 : i32
        %dma_start3A_300 = arith.constant 0 : i32
        %dma_start3A_301 = arith.constant 0 : i32
        %dma_start3A_302 = tpu.memref_slice %arg3[%add3A_299, %dma_start3A_300, %dma_start3A_301] : memref<2560x2x128xi32, #tpu.memory_space<hbm>> -> memref<1x2x128xi32, #tpu.memory_space<hbm>>
        %dma_start3A_303 = tpu.memref_squeeze %dma_start3A_302 : memref<1x2x128xi32, #tpu.memory_space<hbm>> -> memref<2x128xi32, #tpu.memory_space<hbm>>
        %dma_start3A_304 = arith.constant 0 : i32
        %dma_start3A_305 = arith.constant 0 : i32
        %dma_start3A_306 = tpu.memref_slice %arg3[%add3A_299, %dma_start3A_304, %dma_start3A_305] : memref<2560x2x128xi32, #tpu.memory_space<hbm>> -> memref<1x2x128xi32, #tpu.memory_space<hbm>>
        %dma_start3A_307 = tpu.memref_squeeze %dma_start3A_306 : memref<1x2x128xi32, #tpu.memory_space<hbm>> -> memref<2x128xi32, #tpu.memory_space<hbm>>
        tpu.enqueue_dma source(%dma_start3A_307 : memref<2x128xi32, #tpu.memory_space<hbm>>) target(%arg5 : memref<2x128xi32, #tpu.memory_space<vmem>>) target_semaphore(%arg12 : memref<!tpu.dma_semaphore, #tpu.memory_space<semaphore_mem>>)
        %dma_wait3A_308 = arith.constant 0 : i32
        %dma_wait3A_309 = arith.constant 0 : i32
        %dma_wait3A_310 = arith.constant 0 : i32
        %dma_wait3A_311 = tpu.memref_slice %arg3[%dma_wait3A_308, %dma_wait3A_309, %dma_wait3A_310] : memref<2560x2x128xi32, #tpu.memory_space<hbm>> -> memref<1x2x128xi32, #tpu.memory_space<hbm>>
        %dma_wait3A_312 = tpu.memref_squeeze %dma_wait3A_311 : memref<1x2x128xi32, #tpu.memory_space<hbm>> -> memref<2x128xi32, #tpu.memory_space<hbm>>
        %dma_wait3A_313 = arith.constant 0 : i32
        %dma_wait3A_314 = arith.constant 0 : i32
        %dma_wait3A_315 = tpu.memref_slice %arg3[%dma_wait3A_308, %dma_wait3A_313, %dma_wait3A_314] : memref<2560x2x128xi32, #tpu.memory_space<hbm>> -> memref<1x2x128xi32, #tpu.memory_space<hbm>>
        %dma_wait3A_316 = tpu.memref_squeeze %dma_wait3A_315 : memref<1x2x128xi32, #tpu.memory_space<hbm>> -> memref<2x128xi32, #tpu.memory_space<hbm>>
        tpu.wait_dma2 semaphore(%arg15 : memref<!tpu.dma_semaphore, #tpu.memory_space<semaphore_mem>>) src(%dma_wait3A_316 : memref<2x128xi32, #tpu.memory_space<hbm>>) dst(%arg8 : memref<2x128xi32, #tpu.memory_space<vmem>>)
        %dma_start3A_317 = arith.constant 0 : i32
        %dma_start3A_318 = arith.constant 0 : i32
        %dma_start3A_319 = tpu.memref_slice %arg8[%dma_start3A_317, %dma_start3A_318] : memref<2x128xi32, #tpu.memory_space<vmem>> -> memref<1x128xi32, #tpu.memory_space<vmem>>
        %dma_start3A_320 = tpu.memref_squeeze %dma_start3A_319 : memref<1x128xi32, #tpu.memory_space<vmem>> -> memref<128xi32, #tpu.memory_space<vmem>>
        %dma_start3A_321 = arith.constant 0 : i32
        %dma_start3A_322 = arith.constant 0 : i32
        %dma_start3A_323 = tpu.memref_slice %arg2[%dma_start3A_321, %dma_start3A_322] : memref<10240x128xf32, #tpu.memory_space<hbm>> -> memref<10240x128xf32, #tpu.memory_space<hbm>>
        tpu.enqueue_indirect_dma source(%dma_start3A_323 : memref<10240x128xf32, #tpu.memory_space<hbm>>) target(%arg10 : memref<128x128xf32, #tpu.memory_space<vmem>>) offsets(%dma_start3A_320 : memref<128xi32, #tpu.memory_space<vmem>>) semaphore(%arg17 : memref<!tpu.dma_semaphore, #tpu.memory_space<semaphore_mem>>)
        %add3A_324 = arith.constant 1 : i32
        %add3A_325 = arith.addi %add3A_274, %add3A_324 : i32
        %dma_wait3A_326 = arith.constant 0 : i32
        %dma_wait3A_327 = arith.constant 0 : i32
        %dma_wait3A_328 = tpu.memref_slice %arg5[%dma_wait3A_326, %dma_wait3A_327] : memref<2x128xi32, #tpu.memory_space<vmem>> -> memref<1x128xi32, #tpu.memory_space<vmem>>
        %dma_wait3A_329 = tpu.memref_squeeze %dma_wait3A_328 : memref<1x128xi32, #tpu.memory_space<vmem>> -> memref<128xi32, #tpu.memory_space<vmem>>
        %dma_wait3A_330 = arith.constant 0 : i32
        %dma_wait3A_331 = arith.constant 0 : i32
        %dma_wait3A_332 = tpu.memref_slice %arg2[%dma_wait3A_330, %dma_wait3A_331] : memref<10240x128xf32, #tpu.memory_space<hbm>> -> memref<10240x128xf32, #tpu.memory_space<hbm>>
        tpu.wait_indirect_dma semaphore(%arg17 : memref<!tpu.dma_semaphore, #tpu.memory_space<semaphore_mem>>) src(%dma_wait3A_332 : memref<10240x128xf32, #tpu.memory_space<hbm>>) dst(%arg10 : memref<128x128xf32, #tpu.memory_space<vmem>>)
        %dma_start3A_333 = arith.constant 1 : i32
        %dma_start3A_334 = arith.constant 0 : i32
        %dma_start3A_335 = tpu.memref_slice %arg8[%dma_start3A_333, %dma_start3A_334] : memref<2x128xi32, #tpu.memory_space<vmem>> -> memref<1x128xi32, #tpu.memory_space<vmem>>
        %dma_start3A_336 = tpu.memref_squeeze %dma_start3A_335 : memref<1x128xi32, #tpu.memory_space<vmem>> -> memref<128xi32, #tpu.memory_space<vmem>>
        %dma_start3A_337 = arith.constant 0 : i32
        %dma_start3A_338 = arith.constant 0 : i32
        %dma_start3A_339 = tpu.memref_slice %arg11[%dma_start3A_337, %dma_start3A_338] : memref<10240x128xf32, #tpu.memory_space<vmem_shared>> -> memref<10240x128xf32, #tpu.memory_space<vmem_shared>>
        tpu.enqueue_indirect_dma source(%arg10 : memref<128x128xf32, #tpu.memory_space<vmem>>) target(%dma_start3A_339 : memref<10240x128xf32, #tpu.memory_space<vmem_shared>>) offsets(%dma_start3A_336 : memref<128xi32, #tpu.memory_space<vmem>>) semaphore(%arg19 : memref<!tpu.dma_semaphore, #tpu.memory_space<semaphore_mem>>) {add = true}
        %dma_wait3A_340 = arith.constant 1 : i32
        %dma_wait3A_341 = arith.constant 0 : i32
        %dma_wait3A_342 = tpu.memref_slice %arg5[%dma_wait3A_340, %dma_wait3A_341] : memref<2x128xi32, #tpu.memory_space<vmem>> -> memref<1x128xi32, #tpu.memory_space<vmem>>
        %dma_wait3A_343 = tpu.memref_squeeze %dma_wait3A_342 : memref<1x128xi32, #tpu.memory_space<vmem>> -> memref<128xi32, #tpu.memory_space<vmem>>
        %dma_wait3A_344 = arith.constant 0 : i32
        %dma_wait3A_345 = arith.constant 0 : i32
        %dma_wait3A_346 = tpu.memref_slice %arg11[%dma_wait3A_344, %dma_wait3A_345] : memref<10240x128xf32, #tpu.memory_space<vmem_shared>> -> memref<10240x128xf32, #tpu.memory_space<vmem_shared>>
        tpu.wait_indirect_dma semaphore(%arg18 : memref<!tpu.dma_semaphore, #tpu.memory_space<semaphore_mem>>) src(%arg9 : memref<128x128xf32, #tpu.memory_space<vmem>>) dst(%dma_wait3A_346 : memref<10240x128xf32, #tpu.memory_space<vmem_shared>>)
        %add3A_347 = arith.constant 2 : i32
        %add3A_348 = arith.addi %add3A_325, %add3A_347 : i32
        %dma_start3A_349 = arith.constant 0 : i32
        %dma_start3A_350 = arith.constant 0 : i32
        %dma_start3A_351 = tpu.memref_slice %arg3[%add3A_348, %dma_start3A_349, %dma_start3A_350] : memref<2560x2x128xi32, #tpu.memory_space<hbm>> -> memref<1x2x128xi32, #tpu.memory_space<hbm>>
        %dma_start3A_352 = tpu.memref_squeeze %dma_start3A_351 : memref<1x2x128xi32, #tpu.memory_space<hbm>> -> memref<2x128xi32, #tpu.memory_space<hbm>>
        %dma_start3A_353 = arith.constant 0 : i32
        %dma_start3A_354 = arith.constant 0 : i32
        %dma_start3A_355 = tpu.memref_slice %arg3[%add3A_348, %dma_start3A_353, %dma_start3A_354] : memref<2560x2x128xi32, #tpu.memory_space<hbm>> -> memref<1x2x128xi32, #tpu.memory_space<hbm>>
        %dma_start3A_356 = tpu.memref_squeeze %dma_start3A_355 : memref<1x2x128xi32, #tpu.memory_space<hbm>> -> memref<2x128xi32, #tpu.memory_space<hbm>>
        tpu.enqueue_dma source(%dma_start3A_356 : memref<2x128xi32, #tpu.memory_space<hbm>>) target(%arg6 : memref<2x128xi32, #tpu.memory_space<vmem>>) target_semaphore(%arg13 : memref<!tpu.dma_semaphore, #tpu.memory_space<semaphore_mem>>)
        %dma_wait3A_357 = arith.constant 0 : i32
        %dma_wait3A_358 = arith.constant 0 : i32
        %dma_wait3A_359 = arith.constant 0 : i32
        %dma_wait3A_360 = tpu.memref_slice %arg3[%dma_wait3A_357, %dma_wait3A_358, %dma_wait3A_359] : memref<2560x2x128xi32, #tpu.memory_space<hbm>> -> memref<1x2x128xi32, #tpu.memory_space<hbm>>
        %dma_wait3A_361 = tpu.memref_squeeze %dma_wait3A_360 : memref<1x2x128xi32, #tpu.memory_space<hbm>> -> memref<2x128xi32, #tpu.memory_space<hbm>>
        %dma_wait3A_362 = arith.constant 0 : i32
        %dma_wait3A_363 = arith.constant 0 : i32
        %dma_wait3A_364 = tpu.memref_slice %arg3[%dma_wait3A_357, %dma_wait3A_362, %dma_wait3A_363] : memref<2560x2x128xi32, #tpu.memory_space<hbm>> -> memref<1x2x128xi32, #tpu.memory_space<hbm>>
        %dma_wait3A_365 = tpu.memref_squeeze %dma_wait3A_364 : memref<1x2x128xi32, #tpu.memory_space<hbm>> -> memref<2x128xi32, #tpu.memory_space<hbm>>
        tpu.wait_dma2 semaphore(%arg12 : memref<!tpu.dma_semaphore, #tpu.memory_space<semaphore_mem>>) src(%dma_wait3A_365 : memref<2x128xi32, #tpu.memory_space<hbm>>) dst(%arg5 : memref<2x128xi32, #tpu.memory_space<vmem>>)
        %dma_start3A_366 = arith.constant 0 : i32
        %dma_start3A_367 = arith.constant 0 : i32
        %dma_start3A_368 = tpu.memref_slice %arg5[%dma_start3A_366, %dma_start3A_367] : memref<2x128xi32, #tpu.memory_space<vmem>> -> memref<1x128xi32, #tpu.memory_space<vmem>>
        %dma_start3A_369 = tpu.memref_squeeze %dma_start3A_368 : memref<1x128xi32, #tpu.memory_space<vmem>> -> memref<128xi32, #tpu.memory_space<vmem>>
        %dma_start3A_370 = arith.constant 0 : i32
        %dma_start3A_371 = arith.constant 0 : i32
        %dma_start3A_372 = tpu.memref_slice %arg2[%dma_start3A_370, %dma_start3A_371] : memref<10240x128xf32, #tpu.memory_space<hbm>> -> memref<10240x128xf32, #tpu.memory_space<hbm>>
        tpu.enqueue_indirect_dma source(%dma_start3A_372 : memref<10240x128xf32, #tpu.memory_space<hbm>>) target(%arg9 : memref<128x128xf32, #tpu.memory_space<vmem>>) offsets(%dma_start3A_369 : memref<128xi32, #tpu.memory_space<vmem>>) semaphore(%arg16 : memref<!tpu.dma_semaphore, #tpu.memory_space<semaphore_mem>>)
        %add3A_373 = arith.constant 2 : i32
        %add3A_374 = arith.addi %add3A_274, %add3A_373 : i32
        %dma_wait3A_375 = arith.constant 0 : i32
        %dma_wait3A_376 = arith.constant 0 : i32
        %dma_wait3A_377 = tpu.memref_slice %arg5[%dma_wait3A_375, %dma_wait3A_376] : memref<2x128xi32, #tpu.memory_space<vmem>> -> memref<1x128xi32, #tpu.memory_space<vmem>>
        %dma_wait3A_378 = tpu.memref_squeeze %dma_wait3A_377 : memref<1x128xi32, #tpu.memory_space<vmem>> -> memref<128xi32, #tpu.memory_space<vmem>>
        %dma_wait3A_379 = arith.constant 0 : i32
        %dma_wait3A_380 = arith.constant 0 : i32
        %dma_wait3A_381 = tpu.memref_slice %arg2[%dma_wait3A_379, %dma_wait3A_380] : memref<10240x128xf32, #tpu.memory_space<hbm>> -> memref<10240x128xf32, #tpu.memory_space<hbm>>
        tpu.wait_indirect_dma semaphore(%arg16 : memref<!tpu.dma_semaphore, #tpu.memory_space<semaphore_mem>>) src(%dma_wait3A_381 : memref<10240x128xf32, #tpu.memory_space<hbm>>) dst(%arg9 : memref<128x128xf32, #tpu.memory_space<vmem>>)
        %dma_start3A_382 = arith.constant 1 : i32
        %dma_start3A_383 = arith.constant 0 : i32
        %dma_start3A_384 = tpu.memref_slice %arg5[%dma_start3A_382, %dma_start3A_383] : memref<2x128xi32, #tpu.memory_space<vmem>> -> memref<1x128xi32, #tpu.memory_space<vmem>>
        %dma_start3A_385 = tpu.memref_squeeze %dma_start3A_384 : memref<1x128xi32, #tpu.memory_space<vmem>> -> memref<128xi32, #tpu.memory_space<vmem>>
        %dma_start3A_386 = arith.constant 0 : i32
        %dma_start3A_387 = arith.constant 0 : i32
        %dma_start3A_388 = tpu.memref_slice %arg11[%dma_start3A_386, %dma_start3A_387] : memref<10240x128xf32, #tpu.memory_space<vmem_shared>> -> memref<10240x128xf32, #tpu.memory_space<vmem_shared>>
        tpu.enqueue_indirect_dma source(%arg9 : memref<128x128xf32, #tpu.memory_space<vmem>>) target(%dma_start3A_388 : memref<10240x128xf32, #tpu.memory_space<vmem_shared>>) offsets(%dma_start3A_385 : memref<128xi32, #tpu.memory_space<vmem>>) semaphore(%arg18 : memref<!tpu.dma_semaphore, #tpu.memory_space<semaphore_mem>>) {add = true}
        %dma_wait3A_389 = arith.constant 1 : i32
        %dma_wait3A_390 = arith.constant 0 : i32
        %dma_wait3A_391 = tpu.memref_slice %arg5[%dma_wait3A_389, %dma_wait3A_390] : memref<2x128xi32, #tpu.memory_space<vmem>> -> memref<1x128xi32, #tpu.memory_space<vmem>>
        %dma_wait3A_392 = tpu.memref_squeeze %dma_wait3A_391 : memref<1x128xi32, #tpu.memory_space<vmem>> -> memref<128xi32, #tpu.memory_space<vmem>>
        %dma_wait3A_393 = arith.constant 0 : i32
        %dma_wait3A_394 = arith.constant 0 : i32
        %dma_wait3A_395 = tpu.memref_slice %arg11[%dma_wait3A_393, %dma_wait3A_394] : memref<10240x128xf32, #tpu.memory_space<vmem_shared>> -> memref<10240x128xf32, #tpu.memory_space<vmem_shared>>
        tpu.wait_indirect_dma semaphore(%arg19 : memref<!tpu.dma_semaphore, #tpu.memory_space<semaphore_mem>>) src(%arg10 : memref<128x128xf32, #tpu.memory_space<vmem>>) dst(%dma_wait3A_395 : memref<10240x128xf32, #tpu.memory_space<vmem_shared>>)
        %add3A_396 = arith.constant 2 : i32
        %add3A_397 = arith.addi %add3A_374, %add3A_396 : i32
        %dma_start3A_398 = arith.constant 0 : i32
        %dma_start3A_399 = arith.constant 0 : i32
        %dma_start3A_400 = tpu.memref_slice %arg3[%add3A_397, %dma_start3A_398, %dma_start3A_399] : memref<2560x2x128xi32, #tpu.memory_space<hbm>> -> memref<1x2x128xi32, #tpu.memory_space<hbm>>
        %dma_start3A_401 = tpu.memref_squeeze %dma_start3A_400 : memref<1x2x128xi32, #tpu.memory_space<hbm>> -> memref<2x128xi32, #tpu.memory_space<hbm>>
        %dma_start3A_402 = arith.constant 0 : i32
        %dma_start3A_403 = arith.constant 0 : i32
        %dma_start3A_404 = tpu.memref_slice %arg3[%add3A_397, %dma_start3A_402, %dma_start3A_403] : memref<2560x2x128xi32, #tpu.memory_space<hbm>> -> memref<1x2x128xi32, #tpu.memory_space<hbm>>
        %dma_start3A_405 = tpu.memref_squeeze %dma_start3A_404 : memref<1x2x128xi32, #tpu.memory_space<hbm>> -> memref<2x128xi32, #tpu.memory_space<hbm>>
        tpu.enqueue_dma source(%dma_start3A_405 : memref<2x128xi32, #tpu.memory_space<hbm>>) target(%arg7 : memref<2x128xi32, #tpu.memory_space<vmem>>) target_semaphore(%arg14 : memref<!tpu.dma_semaphore, #tpu.memory_space<semaphore_mem>>)
        %dma_wait3A_406 = arith.constant 0 : i32
        %dma_wait3A_407 = arith.constant 0 : i32
        %dma_wait3A_408 = arith.constant 0 : i32
        %dma_wait3A_409 = tpu.memref_slice %arg3[%dma_wait3A_406, %dma_wait3A_407, %dma_wait3A_408] : memref<2560x2x128xi32, #tpu.memory_space<hbm>> -> memref<1x2x128xi32, #tpu.memory_space<hbm>>
        %dma_wait3A_410 = tpu.memref_squeeze %dma_wait3A_409 : memref<1x2x128xi32, #tpu.memory_space<hbm>> -> memref<2x128xi32, #tpu.memory_space<hbm>>
        %dma_wait3A_411 = arith.constant 0 : i32
        %dma_wait3A_412 = arith.constant 0 : i32
        %dma_wait3A_413 = tpu.memref_slice %arg3[%dma_wait3A_406, %dma_wait3A_411, %dma_wait3A_412] : memref<2560x2x128xi32, #tpu.memory_space<hbm>> -> memref<1x2x128xi32, #tpu.memory_space<hbm>>
        %dma_wait3A_414 = tpu.memref_squeeze %dma_wait3A_413 : memref<1x2x128xi32, #tpu.memory_space<hbm>> -> memref<2x128xi32, #tpu.memory_space<hbm>>
        tpu.wait_dma2 semaphore(%arg13 : memref<!tpu.dma_semaphore, #tpu.memory_space<semaphore_mem>>) src(%dma_wait3A_414 : memref<2x128xi32, #tpu.memory_space<hbm>>) dst(%arg6 : memref<2x128xi32, #tpu.memory_space<vmem>>)
        %dma_start3A_415 = arith.constant 0 : i32
        %dma_start3A_416 = arith.constant 0 : i32
        %dma_start3A_417 = tpu.memref_slice %arg6[%dma_start3A_415, %dma_start3A_416] : memref<2x128xi32, #tpu.memory_space<vmem>> -> memref<1x128xi32, #tpu.memory_space<vmem>>
        %dma_start3A_418 = tpu.memref_squeeze %dma_start3A_417 : memref<1x128xi32, #tpu.memory_space<vmem>> -> memref<128xi32, #tpu.memory_space<vmem>>
        %dma_start3A_419 = arith.constant 0 : i32
        %dma_start3A_420 = arith.constant 0 : i32
        %dma_start3A_421 = tpu.memref_slice %arg2[%dma_start3A_419, %dma_start3A_420] : memref<10240x128xf32, #tpu.memory_space<hbm>> -> memref<10240x128xf32, #tpu.memory_space<hbm>>
        tpu.enqueue_indirect_dma source(%dma_start3A_421 : memref<10240x128xf32, #tpu.memory_space<hbm>>) target(%arg10 : memref<128x128xf32, #tpu.memory_space<vmem>>) offsets(%dma_start3A_418 : memref<128xi32, #tpu.memory_space<vmem>>) semaphore(%arg17 : memref<!tpu.dma_semaphore, #tpu.memory_space<semaphore_mem>>)
        %add3A_422 = arith.constant 3 : i32
        %add3A_423 = arith.addi %add3A_274, %add3A_422 : i32
        %dma_wait3A_424 = arith.constant 0 : i32
        %dma_wait3A_425 = arith.constant 0 : i32
        %dma_wait3A_426 = tpu.memref_slice %arg5[%dma_wait3A_424, %dma_wait3A_425] : memref<2x128xi32, #tpu.memory_space<vmem>> -> memref<1x128xi32, #tpu.memory_space<vmem>>
        %dma_wait3A_427 = tpu.memref_squeeze %dma_wait3A_426 : memref<1x128xi32, #tpu.memory_space<vmem>> -> memref<128xi32, #tpu.memory_space<vmem>>
        %dma_wait3A_428 = arith.constant 0 : i32
        %dma_wait3A_429 = arith.constant 0 : i32
        %dma_wait3A_430 = tpu.memref_slice %arg2[%dma_wait3A_428, %dma_wait3A_429] : memref<10240x128xf32, #tpu.memory_space<hbm>> -> memref<10240x128xf32, #tpu.memory_space<hbm>>
        tpu.wait_indirect_dma semaphore(%arg17 : memref<!tpu.dma_semaphore, #tpu.memory_space<semaphore_mem>>) src(%dma_wait3A_430 : memref<10240x128xf32, #tpu.memory_space<hbm>>) dst(%arg10 : memref<128x128xf32, #tpu.memory_space<vmem>>)
        %dma_start3A_431 = arith.constant 1 : i32
        %dma_start3A_432 = arith.constant 0 : i32
        %dma_start3A_433 = tpu.memref_slice %arg6[%dma_start3A_431, %dma_start3A_432] : memref<2x128xi32, #tpu.memory_space<vmem>> -> memref<1x128xi32, #tpu.memory_space<vmem>>
        %dma_start3A_434 = tpu.memref_squeeze %dma_start3A_433 : memref<1x128xi32, #tpu.memory_space<vmem>> -> memref<128xi32, #tpu.memory_space<vmem>>
        %dma_start3A_435 = arith.constant 0 : i32
        %dma_start3A_436 = arith.constant 0 : i32
        %dma_start3A_437 = tpu.memref_slice %arg11[%dma_start3A_435, %dma_start3A_436] : memref<10240x128xf32, #tpu.memory_space<vmem_shared>> -> memref<10240x128xf32, #tpu.memory_space<vmem_shared>>
        tpu.enqueue_indirect_dma source(%arg10 : memref<128x128xf32, #tpu.memory_space<vmem>>) target(%dma_start3A_437 : memref<10240x128xf32, #tpu.memory_space<vmem_shared>>) offsets(%dma_start3A_434 : memref<128xi32, #tpu.memory_space<vmem>>) semaphore(%arg19 : memref<!tpu.dma_semaphore, #tpu.memory_space<semaphore_mem>>) {add = true}
        %dma_wait3A_438 = arith.constant 1 : i32
        %dma_wait3A_439 = arith.constant 0 : i32
        %dma_wait3A_440 = tpu.memref_slice %arg5[%dma_wait3A_438, %dma_wait3A_439] : memref<2x128xi32, #tpu.memory_space<vmem>> -> memref<1x128xi32, #tpu.memory_space<vmem>>
        %dma_wait3A_441 = tpu.memref_squeeze %dma_wait3A_440 : memref<1x128xi32, #tpu.memory_space<vmem>> -> memref<128xi32, #tpu.memory_space<vmem>>
        %dma_wait3A_442 = arith.constant 0 : i32
        %dma_wait3A_443 = arith.constant 0 : i32
        %dma_wait3A_444 = tpu.memref_slice %arg11[%dma_wait3A_442, %dma_wait3A_443] : memref<10240x128xf32, #tpu.memory_space<vmem_shared>> -> memref<10240x128xf32, #tpu.memory_space<vmem_shared>>
        tpu.wait_indirect_dma semaphore(%arg18 : memref<!tpu.dma_semaphore, #tpu.memory_space<semaphore_mem>>) src(%arg9 : memref<128x128xf32, #tpu.memory_space<vmem>>) dst(%dma_wait3A_444 : memref<10240x128xf32, #tpu.memory_space<vmem_shared>>)
        %add3A_445 = arith.constant 2 : i32
        %add3A_446 = arith.addi %add3A_423, %add3A_445 : i32
        %dma_start3A_447 = arith.constant 0 : i32
        %dma_start3A_448 = arith.constant 0 : i32
        %dma_start3A_449 = tpu.memref_slice %arg3[%add3A_446, %dma_start3A_447, %dma_start3A_448] : memref<2560x2x128xi32, #tpu.memory_space<hbm>> -> memref<1x2x128xi32, #tpu.memory_space<hbm>>
        %dma_start3A_450 = tpu.memref_squeeze %dma_start3A_449 : memref<1x2x128xi32, #tpu.memory_space<hbm>> -> memref<2x128xi32, #tpu.memory_space<hbm>>
        %dma_start3A_451 = arith.constant 0 : i32
        %dma_start3A_452 = arith.constant 0 : i32
        %dma_start3A_453 = tpu.memref_slice %arg3[%add3A_446, %dma_start3A_451, %dma_start3A_452] : memref<2560x2x128xi32, #tpu.memory_space<hbm>> -> memref<1x2x128xi32, #tpu.memory_space<hbm>>
        %dma_start3A_454 = tpu.memref_squeeze %dma_start3A_453 : memref<1x2x128xi32, #tpu.memory_space<hbm>> -> memref<2x128xi32, #tpu.memory_space<hbm>>
        tpu.enqueue_dma source(%dma_start3A_454 : memref<2x128xi32, #tpu.memory_space<hbm>>) target(%arg8 : memref<2x128xi32, #tpu.memory_space<vmem>>) target_semaphore(%arg15 : memref<!tpu.dma_semaphore, #tpu.memory_space<semaphore_mem>>)
        %dma_wait3A_455 = arith.constant 0 : i32
        %dma_wait3A_456 = arith.constant 0 : i32
        %dma_wait3A_457 = arith.constant 0 : i32
        %dma_wait3A_458 = tpu.memref_slice %arg3[%dma_wait3A_455, %dma_wait3A_456, %dma_wait3A_457] : memref<2560x2x128xi32, #tpu.memory_space<hbm>> -> memref<1x2x128xi32, #tpu.memory_space<hbm>>
        %dma_wait3A_459 = tpu.memref_squeeze %dma_wait3A_458 : memref<1x2x128xi32, #tpu.memory_space<hbm>> -> memref<2x128xi32, #tpu.memory_space<hbm>>
        %dma_wait3A_460 = arith.constant 0 : i32
        %dma_wait3A_461 = arith.constant 0 : i32
        %dma_wait3A_462 = tpu.memref_slice %arg3[%dma_wait3A_455, %dma_wait3A_460, %dma_wait3A_461] : memref<2560x2x128xi32, #tpu.memory_space<hbm>> -> memref<1x2x128xi32, #tpu.memory_space<hbm>>
        %dma_wait3A_463 = tpu.memref_squeeze %dma_wait3A_462 : memref<1x2x128xi32, #tpu.memory_space<hbm>> -> memref<2x128xi32, #tpu.memory_space<hbm>>
        tpu.wait_dma2 semaphore(%arg14 : memref<!tpu.dma_semaphore, #tpu.memory_space<semaphore_mem>>) src(%dma_wait3A_463 : memref<2x128xi32, #tpu.memory_space<hbm>>) dst(%arg7 : memref<2x128xi32, #tpu.memory_space<vmem>>)
        %dma_start3A_464 = arith.constant 0 : i32
        %dma_start3A_465 = arith.constant 0 : i32
        %dma_start3A_466 = tpu.memref_slice %arg7[%dma_start3A_464, %dma_start3A_465] : memref<2x128xi32, #tpu.memory_space<vmem>> -> memref<1x128xi32, #tpu.memory_space<vmem>>
        %dma_start3A_467 = tpu.memref_squeeze %dma_start3A_466 : memref<1x128xi32, #tpu.memory_space<vmem>> -> memref<128xi32, #tpu.memory_space<vmem>>
        %dma_start3A_468 = arith.constant 0 : i32
        %dma_start3A_469 = arith.constant 0 : i32
        %dma_start3A_470 = tpu.memref_slice %arg2[%dma_start3A_468, %dma_start3A_469] : memref<10240x128xf32, #tpu.memory_space<hbm>> -> memref<10240x128xf32, #tpu.memory_space<hbm>>
        tpu.enqueue_indirect_dma source(%dma_start3A_470 : memref<10240x128xf32, #tpu.memory_space<hbm>>) target(%arg9 : memref<128x128xf32, #tpu.memory_space<vmem>>) offsets(%dma_start3A_467 : memref<128xi32, #tpu.memory_space<vmem>>) semaphore(%arg16 : memref<!tpu.dma_semaphore, #tpu.memory_space<semaphore_mem>>)
        %scan3A_471 = arith.constant 0 : i32
        scf.yield %scan3A_471 : i32
      }
      %scan3A_202 = arith.constant 37 : i32
      %dma_wait3A_203 = arith.constant 0 : i32
      %dma_wait3A_204 = arith.constant 0 : i32
      %dma_wait3A_205 = tpu.memref_slice %arg5[%dma_wait3A_203, %dma_wait3A_204] : memref<2x128xi32, #tpu.memory_space<vmem>> -> memref<1x128xi32, #tpu.memory_space<vmem>>
      %dma_wait3A_206 = tpu.memref_squeeze %dma_wait3A_205 : memref<1x128xi32, #tpu.memory_space<vmem>> -> memref<128xi32, #tpu.memory_space<vmem>>
      %dma_wait3A_207 = arith.constant 0 : i32
      %dma_wait3A_208 = arith.constant 0 : i32
      %dma_wait3A_209 = tpu.memref_slice %arg2[%dma_wait3A_207, %dma_wait3A_208] : memref<10240x128xf32, #tpu.memory_space<hbm>> -> memref<10240x128xf32, #tpu.memory_space<hbm>>
      tpu.wait_indirect_dma semaphore(%arg16 : memref<!tpu.dma_semaphore, #tpu.memory_space<semaphore_mem>>) src(%dma_wait3A_209 : memref<10240x128xf32, #tpu.memory_space<hbm>>) dst(%arg9 : memref<128x128xf32, #tpu.memory_space<vmem>>)
      %dma_start3A_210 = arith.constant 1 : i32
      %dma_start3A_211 = arith.constant 0 : i32
      %dma_start3A_212 = tpu.memref_slice %arg7[%dma_start3A_210, %dma_start3A_211] : memref<2x128xi32, #tpu.memory_space<vmem>> -> memref<1x128xi32, #tpu.memory_space<vmem>>
      %dma_start3A_213 = tpu.memref_squeeze %dma_start3A_212 : memref<1x128xi32, #tpu.memory_space<vmem>> -> memref<128xi32, #tpu.memory_space<vmem>>
      %dma_start3A_214 = arith.constant 0 : i32
      %dma_start3A_215 = arith.constant 0 : i32
      %dma_start3A_216 = tpu.memref_slice %arg11[%dma_start3A_214, %dma_start3A_215] : memref<10240x128xf32, #tpu.memory_space<vmem_shared>> -> memref<10240x128xf32, #tpu.memory_space<vmem_shared>>
      tpu.enqueue_indirect_dma source(%arg9 : memref<128x128xf32, #tpu.memory_space<vmem>>) target(%dma_start3A_216 : memref<10240x128xf32, #tpu.memory_space<vmem_shared>>) offsets(%dma_start3A_213 : memref<128xi32, #tpu.memory_space<vmem>>) semaphore(%arg18 : memref<!tpu.dma_semaphore, #tpu.memory_space<semaphore_mem>>) {add = true}
      %dma_wait3A_217 = arith.constant 1 : i32
      %dma_wait3A_218 = arith.constant 0 : i32
      %dma_wait3A_219 = tpu.memref_slice %arg5[%dma_wait3A_217, %dma_wait3A_218] : memref<2x128xi32, #tpu.memory_space<vmem>> -> memref<1x128xi32, #tpu.memory_space<vmem>>
      %dma_wait3A_220 = tpu.memref_squeeze %dma_wait3A_219 : memref<1x128xi32, #tpu.memory_space<vmem>> -> memref<128xi32, #tpu.memory_space<vmem>>
      %dma_wait3A_221 = arith.constant 0 : i32
      %dma_wait3A_222 = arith.constant 0 : i32
      %dma_wait3A_223 = tpu.memref_slice %arg11[%dma_wait3A_221, %dma_wait3A_222] : memref<10240x128xf32, #tpu.memory_space<vmem_shared>> -> memref<10240x128xf32, #tpu.memory_space<vmem_shared>>
      tpu.wait_indirect_dma semaphore(%arg19 : memref<!tpu.dma_semaphore, #tpu.memory_space<semaphore_mem>>) src(%arg10 : memref<128x128xf32, #tpu.memory_space<vmem>>) dst(%dma_wait3A_223 : memref<10240x128xf32, #tpu.memory_space<vmem_shared>>)
      %dma_wait3A_224 = arith.constant 0 : i32
      %dma_wait3A_225 = arith.constant 0 : i32
      %dma_wait3A_226 = arith.constant 0 : i32
      %dma_wait3A_227 = tpu.memref_slice %arg3[%dma_wait3A_224, %dma_wait3A_225, %dma_wait3A_226] : memref<2560x2x128xi32, #tpu.memory_space<hbm>> -> memref<1x2x128xi32, #tpu.memory_space<hbm>>
      %dma_wait3A_228 = tpu.memref_squeeze %dma_wait3A_227 : memref<1x2x128xi32, #tpu.memory_space<hbm>> -> memref<2x128xi32, #tpu.memory_space<hbm>>
      %dma_wait3A_229 = arith.constant 0 : i32
      %dma_wait3A_230 = arith.constant 0 : i32
      %dma_wait3A_231 = tpu.memref_slice %arg3[%dma_wait3A_224, %dma_wait3A_229, %dma_wait3A_230] : memref<2560x2x128xi32, #tpu.memory_space<hbm>> -> memref<1x2x128xi32, #tpu.memory_space<hbm>>
      %dma_wait3A_232 = tpu.memref_squeeze %dma_wait3A_231 : memref<1x2x128xi32, #tpu.memory_space<hbm>> -> memref<2x128xi32, #tpu.memory_space<hbm>>
      tpu.wait_dma2 semaphore(%arg15 : memref<!tpu.dma_semaphore, #tpu.memory_space<semaphore_mem>>) src(%dma_wait3A_232 : memref<2x128xi32, #tpu.memory_space<hbm>>) dst(%arg8 : memref<2x128xi32, #tpu.memory_space<vmem>>)
      %dma_start3A_233 = arith.constant 0 : i32
      %dma_start3A_234 = arith.constant 0 : i32
      %dma_start3A_235 = tpu.memref_slice %arg8[%dma_start3A_233, %dma_start3A_234] : memref<2x128xi32, #tpu.memory_space<vmem>> -> memref<1x128xi32, #tpu.memory_space<vmem>>
      %dma_start3A_236 = tpu.memref_squeeze %dma_start3A_235 : memref<1x128xi32, #tpu.memory_space<vmem>> -> memref<128xi32, #tpu.memory_space<vmem>>
      %dma_start3A_237 = arith.constant 0 : i32
      %dma_start3A_238 = arith.constant 0 : i32
      %dma_start3A_239 = tpu.memref_slice %arg2[%dma_start3A_237, %dma_start3A_238] : memref<10240x128xf32, #tpu.memory_space<hbm>> -> memref<10240x128xf32, #tpu.memory_space<hbm>>
      tpu.enqueue_indirect_dma source(%dma_start3A_239 : memref<10240x128xf32, #tpu.memory_space<hbm>>) target(%arg10 : memref<128x128xf32, #tpu.memory_space<vmem>>) offsets(%dma_start3A_236 : memref<128xi32, #tpu.memory_space<vmem>>) semaphore(%arg17 : memref<!tpu.dma_semaphore, #tpu.memory_space<semaphore_mem>>)
      %dma_wait3A_240 = arith.constant 0 : i32
      %dma_wait3A_241 = arith.constant 0 : i32
      %dma_wait3A_242 = tpu.memref_slice %arg5[%dma_wait3A_240, %dma_wait3A_241] : memref<2x128xi32, #tpu.memory_space<vmem>> -> memref<1x128xi32, #tpu.memory_space<vmem>>
      %dma_wait3A_243 = tpu.memref_squeeze %dma_wait3A_242 : memref<1x128xi32, #tpu.memory_space<vmem>> -> memref<128xi32, #tpu.memory_space<vmem>>
      %dma_wait3A_244 = arith.constant 0 : i32
      %dma_wait3A_245 = arith.constant 0 : i32
      %dma_wait3A_246 = tpu.memref_slice %arg2[%dma_wait3A_244, %dma_wait3A_245] : memref<10240x128xf32, #tpu.memory_space<hbm>> -> memref<10240x128xf32, #tpu.memory_space<hbm>>
      tpu.wait_indirect_dma semaphore(%arg17 : memref<!tpu.dma_semaphore, #tpu.memory_space<semaphore_mem>>) src(%dma_wait3A_246 : memref<10240x128xf32, #tpu.memory_space<hbm>>) dst(%arg10 : memref<128x128xf32, #tpu.memory_space<vmem>>)
      %dma_start3A_247 = arith.constant 1 : i32
      %dma_start3A_248 = arith.constant 0 : i32
      %dma_start3A_249 = tpu.memref_slice %arg8[%dma_start3A_247, %dma_start3A_248] : memref<2x128xi32, #tpu.memory_space<vmem>> -> memref<1x128xi32, #tpu.memory_space<vmem>>
      %dma_start3A_250 = tpu.memref_squeeze %dma_start3A_249 : memref<1x128xi32, #tpu.memory_space<vmem>> -> memref<128xi32, #tpu.memory_space<vmem>>
      %dma_start3A_251 = arith.constant 0 : i32
      %dma_start3A_252 = arith.constant 0 : i32
      %dma_start3A_253 = tpu.memref_slice %arg11[%dma_start3A_251, %dma_start3A_252] : memref<10240x128xf32, #tpu.memory_space<vmem_shared>> -> memref<10240x128xf32, #tpu.memory_space<vmem_shared>>
      tpu.enqueue_indirect_dma source(%arg10 : memref<128x128xf32, #tpu.memory_space<vmem>>) target(%dma_start3A_253 : memref<10240x128xf32, #tpu.memory_space<vmem_shared>>) offsets(%dma_start3A_250 : memref<128xi32, #tpu.memory_space<vmem>>) semaphore(%arg19 : memref<!tpu.dma_semaphore, #tpu.memory_space<semaphore_mem>>) {add = true}
      %dma_wait3A_254 = arith.constant 1 : i32
      %dma_wait3A_255 = arith.constant 0 : i32
      %dma_wait3A_256 = tpu.memref_slice %arg5[%dma_wait3A_254, %dma_wait3A_255] : memref<2x128xi32, #tpu.memory_space<vmem>> -> memref<1x128xi32, #tpu.memory_space<vmem>>
      %dma_wait3A_257 = tpu.memref_squeeze %dma_wait3A_256 : memref<1x128xi32, #tpu.memory_space<vmem>> -> memref<128xi32, #tpu.memory_space<vmem>>
      %dma_wait3A_258 = arith.constant 0 : i32
      %dma_wait3A_259 = arith.constant 0 : i32
      %dma_wait3A_260 = tpu.memref_slice %arg11[%dma_wait3A_258, %dma_wait3A_259] : memref<10240x128xf32, #tpu.memory_space<vmem_shared>> -> memref<10240x128xf32, #tpu.memory_space<vmem_shared>>
      tpu.wait_indirect_dma semaphore(%arg18 : memref<!tpu.dma_semaphore, #tpu.memory_space<semaphore_mem>>) src(%arg9 : memref<128x128xf32, #tpu.memory_space<vmem>>) dst(%dma_wait3A_260 : memref<10240x128xf32, #tpu.memory_space<vmem_shared>>)
      %dma_wait3A_261 = arith.constant 1 : i32
      %dma_wait3A_262 = arith.constant 0 : i32
      %dma_wait3A_263 = tpu.memref_slice %arg5[%dma_wait3A_261, %dma_wait3A_262] : memref<2x128xi32, #tpu.memory_space<vmem>> -> memref<1x128xi32, #tpu.memory_space<vmem>>
      %dma_wait3A_264 = tpu.memref_squeeze %dma_wait3A_263 : memref<1x128xi32, #tpu.memory_space<vmem>> -> memref<128xi32, #tpu.memory_space<vmem>>
      %dma_wait3A_265 = arith.constant 0 : i32
      %dma_wait3A_266 = arith.constant 0 : i32
      %dma_wait3A_267 = tpu.memref_slice %arg11[%dma_wait3A_265, %dma_wait3A_266] : memref<10240x128xf32, #tpu.memory_space<vmem_shared>> -> memref<10240x128xf32, #tpu.memory_space<vmem_shared>>
      tpu.wait_indirect_dma semaphore(%arg19 : memref<!tpu.dma_semaphore, #tpu.memory_space<semaphore_mem>>) src(%arg10 : memref<128x128xf32, #tpu.memory_space<vmem>>) dst(%dma_wait3A_267 : memref<10240x128xf32, #tpu.memory_space<vmem_shared>>)
    } else {
    }
    %eq3A_27 = arith.constant 1 : i32
    %eq3A_28 = arith.cmpi eq, %arg0, %eq3A_27 : i32
    %convert_element_type3A_29 = arith.extui %eq3A_28 : i1 to i32
    %cond3A_30 = arith.constant 0 : i32
    %cond3A_31 = arith.cmpi ne, %convert_element_type3A_29, %cond3A_30 : i32
    scf.if %cond3A_31 {
      %mul3A_73 = arith.constant 8 : i32
      %mul3A_74 = arith.muli %arg1, %mul3A_73 : i32
      %add3A_75 = arith.constant 2432 : i32
      %add3A_76 = arith.addi %add3A_75, %mul3A_74 : i32
      %add3A_77 = arith.constant 0 : i32
      %add3A_78 = arith.addi %add3A_76, %add3A_77 : i32
      %dma_start3A = arith.constant 0 : i32
      %dma_start3A_79 = arith.constant 0 : i32
      %dma_start3A_80 = tpu.memref_slice %arg3[%add3A_78, %dma_start3A, %dma_start3A_79] : memref<2560x2x128xi32, #tpu.memory_space<hbm>> -> memref<1x2x128xi32, #tpu.memory_space<hbm>>
      %dma_start3A_81 = tpu.memref_squeeze %dma_start3A_80 : memref<1x2x128xi32, #tpu.memory_space<hbm>> -> memref<2x128xi32, #tpu.memory_space<hbm>>
      %dma_start3A_82 = arith.constant 0 : i32
      %dma_start3A_83 = arith.constant 0 : i32
      %dma_start3A_84 = tpu.memref_slice %arg3[%add3A_78, %dma_start3A_82, %dma_start3A_83] : memref<2560x2x128xi32, #tpu.memory_space<hbm>> -> memref<1x2x128xi32, #tpu.memory_space<hbm>>
      %dma_start3A_85 = tpu.memref_squeeze %dma_start3A_84 : memref<1x2x128xi32, #tpu.memory_space<hbm>> -> memref<2x128xi32, #tpu.memory_space<hbm>>
      tpu.enqueue_dma source(%dma_start3A_85 : memref<2x128xi32, #tpu.memory_space<hbm>>) target(%arg5 : memref<2x128xi32, #tpu.memory_space<vmem>>) target_semaphore(%arg12 : memref<!tpu.dma_semaphore, #tpu.memory_space<semaphore_mem>>)
      %add3A_86 = arith.constant 1 : i32
      %add3A_87 = arith.addi %add3A_76, %add3A_86 : i32
      %dma_start3A_88 = arith.constant 0 : i32
      %dma_start3A_89 = arith.constant 0 : i32
      %dma_start3A_90 = tpu.memref_slice %arg3[%add3A_87, %dma_start3A_88, %dma_start3A_89] : memref<2560x2x128xi32, #tpu.memory_space<hbm>> -> memref<1x2x128xi32, #tpu.memory_space<hbm>>
      %dma_start3A_91 = tpu.memref_squeeze %dma_start3A_90 : memref<1x2x128xi32, #tpu.memory_space<hbm>> -> memref<2x128xi32, #tpu.memory_space<hbm>>
      %dma_start3A_92 = arith.constant 0 : i32
      %dma_start3A_93 = arith.constant 0 : i32
      %dma_start3A_94 = tpu.memref_slice %arg3[%add3A_87, %dma_start3A_92, %dma_start3A_93] : memref<2560x2x128xi32, #tpu.memory_space<hbm>> -> memref<1x2x128xi32, #tpu.memory_space<hbm>>
      %dma_start3A_95 = tpu.memref_squeeze %dma_start3A_94 : memref<1x2x128xi32, #tpu.memory_space<hbm>> -> memref<2x128xi32, #tpu.memory_space<hbm>>
      tpu.enqueue_dma source(%dma_start3A_95 : memref<2x128xi32, #tpu.memory_space<hbm>>) target(%arg6 : memref<2x128xi32, #tpu.memory_space<vmem>>) target_semaphore(%arg13 : memref<!tpu.dma_semaphore, #tpu.memory_space<semaphore_mem>>)
      %dma_wait3A = arith.constant 0 : i32
      %dma_wait3A_96 = arith.constant 0 : i32
      %dma_wait3A_97 = arith.constant 0 : i32
      %dma_wait3A_98 = tpu.memref_slice %arg3[%dma_wait3A, %dma_wait3A_96, %dma_wait3A_97] : memref<2560x2x128xi32, #tpu.memory_space<hbm>> -> memref<1x2x128xi32, #tpu.memory_space<hbm>>
      %dma_wait3A_99 = tpu.memref_squeeze %dma_wait3A_98 : memref<1x2x128xi32, #tpu.memory_space<hbm>> -> memref<2x128xi32, #tpu.memory_space<hbm>>
      %dma_wait3A_100 = arith.constant 0 : i32
      %dma_wait3A_101 = arith.constant 0 : i32
      %dma_wait3A_102 = tpu.memref_slice %arg3[%dma_wait3A, %dma_wait3A_100, %dma_wait3A_101] : memref<2560x2x128xi32, #tpu.memory_space<hbm>> -> memref<1x2x128xi32, #tpu.memory_space<hbm>>
      %dma_wait3A_103 = tpu.memref_squeeze %dma_wait3A_102 : memref<1x2x128xi32, #tpu.memory_space<hbm>> -> memref<2x128xi32, #tpu.memory_space<hbm>>
      tpu.wait_dma2 semaphore(%arg12 : memref<!tpu.dma_semaphore, #tpu.memory_space<semaphore_mem>>) src(%dma_wait3A_103 : memref<2x128xi32, #tpu.memory_space<hbm>>) dst(%arg5 : memref<2x128xi32, #tpu.memory_space<vmem>>)
      %dma_start3A_104 = arith.constant 0 : i32
      %dma_start3A_105 = arith.constant 0 : i32
      %dma_start3A_106 = tpu.memref_slice %arg5[%dma_start3A_104, %dma_start3A_105] : memref<2x128xi32, #tpu.memory_space<vmem>> -> memref<1x128xi32, #tpu.memory_space<vmem>>
      %dma_start3A_107 = tpu.memref_squeeze %dma_start3A_106 : memref<1x128xi32, #tpu.memory_space<vmem>> -> memref<128xi32, #tpu.memory_space<vmem>>
      %dma_start3A_108 = arith.constant 0 : i32
      %dma_start3A_109 = arith.constant 0 : i32
      %dma_start3A_110 = tpu.memref_slice %arg2[%dma_start3A_108, %dma_start3A_109] : memref<10240x128xf32, #tpu.memory_space<hbm>> -> memref<10240x128xf32, #tpu.memory_space<hbm>>
      tpu.enqueue_indirect_dma source(%dma_start3A_110 : memref<10240x128xf32, #tpu.memory_space<hbm>>) target(%arg9 : memref<128x128xf32, #tpu.memory_space<vmem>>) offsets(%dma_start3A_107 : memref<128xi32, #tpu.memory_space<vmem>>) semaphore(%arg16 : memref<!tpu.dma_semaphore, #tpu.memory_space<semaphore_mem>>)
      %dma_wait3A_111 = arith.constant 0 : i32
      %dma_wait3A_112 = arith.constant 0 : i32
      %dma_wait3A_113 = tpu.memref_slice %arg5[%dma_wait3A_111, %dma_wait3A_112] : memref<2x128xi32, #tpu.memory_space<vmem>> -> memref<1x128xi32, #tpu.memory_space<vmem>>
      %dma_wait3A_114 = tpu.memref_squeeze %dma_wait3A_113 : memref<1x128xi32, #tpu.memory_space<vmem>> -> memref<128xi32, #tpu.memory_space<vmem>>
      %dma_wait3A_115 = arith.constant 0 : i32
      %dma_wait3A_116 = arith.constant 0 : i32
      %dma_wait3A_117 = tpu.memref_slice %arg2[%dma_wait3A_115, %dma_wait3A_116] : memref<10240x128xf32, #tpu.memory_space<hbm>> -> memref<10240x128xf32, #tpu.memory_space<hbm>>
      tpu.wait_indirect_dma semaphore(%arg16 : memref<!tpu.dma_semaphore, #tpu.memory_space<semaphore_mem>>) src(%dma_wait3A_117 : memref<10240x128xf32, #tpu.memory_space<hbm>>) dst(%arg9 : memref<128x128xf32, #tpu.memory_space<vmem>>)
      %dma_start3A_118 = arith.constant 1 : i32
      %dma_start3A_119 = arith.constant 0 : i32
      %dma_start3A_120 = tpu.memref_slice %arg5[%dma_start3A_118, %dma_start3A_119] : memref<2x128xi32, #tpu.memory_space<vmem>> -> memref<1x128xi32, #tpu.memory_space<vmem>>
      %dma_start3A_121 = tpu.memref_squeeze %dma_start3A_120 : memref<1x128xi32, #tpu.memory_space<vmem>> -> memref<128xi32, #tpu.memory_space<vmem>>
      %dma_start3A_122 = arith.constant 0 : i32
      %dma_start3A_123 = arith.constant 0 : i32
      %dma_start3A_124 = tpu.memref_slice %arg11[%dma_start3A_122, %dma_start3A_123] : memref<10240x128xf32, #tpu.memory_space<vmem_shared>> -> memref<10240x128xf32, #tpu.memory_space<vmem_shared>>
      tpu.enqueue_indirect_dma source(%arg9 : memref<128x128xf32, #tpu.memory_space<vmem>>) target(%dma_start3A_124 : memref<10240x128xf32, #tpu.memory_space<vmem_shared>>) offsets(%dma_start3A_121 : memref<128xi32, #tpu.memory_space<vmem>>) semaphore(%arg18 : memref<!tpu.dma_semaphore, #tpu.memory_space<semaphore_mem>>) {add = true}
      %add3A_125 = arith.constant 2 : i32
      %add3A_126 = arith.addi %add3A_76, %add3A_125 : i32
      %dma_start3A_127 = arith.constant 0 : i32
      %dma_start3A_128 = arith.constant 0 : i32
      %dma_start3A_129 = tpu.memref_slice %arg3[%add3A_126, %dma_start3A_127, %dma_start3A_128] : memref<2560x2x128xi32, #tpu.memory_space<hbm>> -> memref<1x2x128xi32, #tpu.memory_space<hbm>>
      %dma_start3A_130 = tpu.memref_squeeze %dma_start3A_129 : memref<1x2x128xi32, #tpu.memory_space<hbm>> -> memref<2x128xi32, #tpu.memory_space<hbm>>
      %dma_start3A_131 = arith.constant 0 : i32
      %dma_start3A_132 = arith.constant 0 : i32
      %dma_start3A_133 = tpu.memref_slice %arg3[%add3A_126, %dma_start3A_131, %dma_start3A_132] : memref<2560x2x128xi32, #tpu.memory_space<hbm>> -> memref<1x2x128xi32, #tpu.memory_space<hbm>>
      %dma_start3A_134 = tpu.memref_squeeze %dma_start3A_133 : memref<1x2x128xi32, #tpu.memory_space<hbm>> -> memref<2x128xi32, #tpu.memory_space<hbm>>
      tpu.enqueue_dma source(%dma_start3A_134 : memref<2x128xi32, #tpu.memory_space<hbm>>) target(%arg7 : memref<2x128xi32, #tpu.memory_space<vmem>>) target_semaphore(%arg14 : memref<!tpu.dma_semaphore, #tpu.memory_space<semaphore_mem>>)
      %dma_wait3A_135 = arith.constant 0 : i32
      %dma_wait3A_136 = arith.constant 0 : i32
      %dma_wait3A_137 = arith.constant 0 : i32
      %dma_wait3A_138 = tpu.memref_slice %arg3[%dma_wait3A_135, %dma_wait3A_136, %dma_wait3A_137] : memref<2560x2x128xi32, #tpu.memory_space<hbm>> -> memref<1x2x128xi32, #tpu.memory_space<hbm>>
      %dma_wait3A_139 = tpu.memref_squeeze %dma_wait3A_138 : memref<1x2x128xi32, #tpu.memory_space<hbm>> -> memref<2x128xi32, #tpu.memory_space<hbm>>
      %dma_wait3A_140 = arith.constant 0 : i32
      %dma_wait3A_141 = arith.constant 0 : i32
      %dma_wait3A_142 = tpu.memref_slice %arg3[%dma_wait3A_135, %dma_wait3A_140, %dma_wait3A_141] : memref<2560x2x128xi32, #tpu.memory_space<hbm>> -> memref<1x2x128xi32, #tpu.memory_space<hbm>>
      %dma_wait3A_143 = tpu.memref_squeeze %dma_wait3A_142 : memref<1x2x128xi32, #tpu.memory_space<hbm>> -> memref<2x128xi32, #tpu.memory_space<hbm>>
      tpu.wait_dma2 semaphore(%arg13 : memref<!tpu.dma_semaphore, #tpu.memory_space<semaphore_mem>>) src(%dma_wait3A_143 : memref<2x128xi32, #tpu.memory_space<hbm>>) dst(%arg6 : memref<2x128xi32, #tpu.memory_space<vmem>>)
      %dma_start3A_144 = arith.constant 0 : i32
      %dma_start3A_145 = arith.constant 0 : i32
      %dma_start3A_146 = tpu.memref_slice %arg6[%dma_start3A_144, %dma_start3A_145] : memref<2x128xi32, #tpu.memory_space<vmem>> -> memref<1x128xi32, #tpu.memory_space<vmem>>
      %dma_start3A_147 = tpu.memref_squeeze %dma_start3A_146 : memref<1x128xi32, #tpu.memory_space<vmem>> -> memref<128xi32, #tpu.memory_space<vmem>>
      %dma_start3A_148 = arith.constant 0 : i32
      %dma_start3A_149 = arith.constant 0 : i32
      %dma_start3A_150 = tpu.memref_slice %arg2[%dma_start3A_148, %dma_start3A_149] : memref<10240x128xf32, #tpu.memory_space<hbm>> -> memref<10240x128xf32, #tpu.memory_space<hbm>>
      tpu.enqueue_indirect_dma source(%dma_start3A_150 : memref<10240x128xf32, #tpu.memory_space<hbm>>) target(%arg10 : memref<128x128xf32, #tpu.memory_space<vmem>>) offsets(%dma_start3A_147 : memref<128xi32, #tpu.memory_space<vmem>>) semaphore(%arg17 : memref<!tpu.dma_semaphore, #tpu.memory_space<semaphore_mem>>)
      %dma_wait3A_151 = arith.constant 0 : i32
      %dma_wait3A_152 = arith.constant 0 : i32
      %dma_wait3A_153 = tpu.memref_slice %arg5[%dma_wait3A_151, %dma_wait3A_152] : memref<2x128xi32, #tpu.memory_space<vmem>> -> memref<1x128xi32, #tpu.memory_space<vmem>>
      %dma_wait3A_154 = tpu.memref_squeeze %dma_wait3A_153 : memref<1x128xi32, #tpu.memory_space<vmem>> -> memref<128xi32, #tpu.memory_space<vmem>>
      %dma_wait3A_155 = arith.constant 0 : i32
      %dma_wait3A_156 = arith.constant 0 : i32
      %dma_wait3A_157 = tpu.memref_slice %arg2[%dma_wait3A_155, %dma_wait3A_156] : memref<10240x128xf32, #tpu.memory_space<hbm>> -> memref<10240x128xf32, #tpu.memory_space<hbm>>
      tpu.wait_indirect_dma semaphore(%arg17 : memref<!tpu.dma_semaphore, #tpu.memory_space<semaphore_mem>>) src(%dma_wait3A_157 : memref<10240x128xf32, #tpu.memory_space<hbm>>) dst(%arg10 : memref<128x128xf32, #tpu.memory_space<vmem>>)
      %dma_start3A_158 = arith.constant 1 : i32
      %dma_start3A_159 = arith.constant 0 : i32
      %dma_start3A_160 = tpu.memref_slice %arg6[%dma_start3A_158, %dma_start3A_159] : memref<2x128xi32, #tpu.memory_space<vmem>> -> memref<1x128xi32, #tpu.memory_space<vmem>>
      %dma_start3A_161 = tpu.memref_squeeze %dma_start3A_160 : memref<1x128xi32, #tpu.memory_space<vmem>> -> memref<128xi32, #tpu.memory_space<vmem>>
      %dma_start3A_162 = arith.constant 0 : i32
      %dma_start3A_163 = arith.constant 0 : i32
      %dma_start3A_164 = tpu.memref_slice %arg11[%dma_start3A_162, %dma_start3A_163] : memref<10240x128xf32, #tpu.memory_space<vmem_shared>> -> memref<10240x128xf32, #tpu.memory_space<vmem_shared>>
      tpu.enqueue_indirect_dma source(%arg10 : memref<128x128xf32, #tpu.memory_space<vmem>>) target(%dma_start3A_164 : memref<10240x128xf32, #tpu.memory_space<vmem_shared>>) offsets(%dma_start3A_161 : memref<128xi32, #tpu.memory_space<vmem>>) semaphore(%arg19 : memref<!tpu.dma_semaphore, #tpu.memory_space<semaphore_mem>>) {add = true}
      %dma_wait3A_165 = arith.constant 1 : i32
      %dma_wait3A_166 = arith.constant 0 : i32
      %dma_wait3A_167 = tpu.memref_slice %arg5[%dma_wait3A_165, %dma_wait3A_166] : memref<2x128xi32, #tpu.memory_space<vmem>> -> memref<1x128xi32, #tpu.memory_space<vmem>>
      %dma_wait3A_168 = tpu.memref_squeeze %dma_wait3A_167 : memref<1x128xi32, #tpu.memory_space<vmem>> -> memref<128xi32, #tpu.memory_space<vmem>>
      %dma_wait3A_169 = arith.constant 0 : i32
      %dma_wait3A_170 = arith.constant 0 : i32
      %dma_wait3A_171 = tpu.memref_slice %arg11[%dma_wait3A_169, %dma_wait3A_170] : memref<10240x128xf32, #tpu.memory_space<vmem_shared>> -> memref<10240x128xf32, #tpu.memory_space<vmem_shared>>
      tpu.wait_indirect_dma semaphore(%arg18 : memref<!tpu.dma_semaphore, #tpu.memory_space<semaphore_mem>>) src(%arg9 : memref<128x128xf32, #tpu.memory_space<vmem>>) dst(%dma_wait3A_171 : memref<10240x128xf32, #tpu.memory_space<vmem_shared>>)
      %add3A_172 = arith.constant 3 : i32
      %add3A_173 = arith.addi %add3A_76, %add3A_172 : i32
      %dma_start3A_174 = arith.constant 0 : i32
      %dma_start3A_175 = arith.constant 0 : i32
      %dma_start3A_176 = tpu.memref_slice %arg3[%add3A_173, %dma_start3A_174, %dma_start3A_175] : memref<2560x2x128xi32, #tpu.memory_space<hbm>> -> memref<1x2x128xi32, #tpu.memory_space<hbm>>
      %dma_start3A_177 = tpu.memref_squeeze %dma_start3A_176 : memref<1x2x128xi32, #tpu.memory_space<hbm>> -> memref<2x128xi32, #tpu.memory_space<hbm>>
      %dma_start3A_178 = arith.constant 0 : i32
      %dma_start3A_179 = arith.constant 0 : i32
      %dma_start3A_180 = tpu.memref_slice %arg3[%add3A_173, %dma_start3A_178, %dma_start3A_179] : memref<2560x2x128xi32, #tpu.memory_space<hbm>> -> memref<1x2x128xi32, #tpu.memory_space<hbm>>
      %dma_start3A_181 = tpu.memref_squeeze %dma_start3A_180 : memref<1x2x128xi32, #tpu.memory_space<hbm>> -> memref<2x128xi32, #tpu.memory_space<hbm>>
      tpu.enqueue_dma source(%dma_start3A_181 : memref<2x128xi32, #tpu.memory_space<hbm>>) target(%arg8 : memref<2x128xi32, #tpu.memory_space<vmem>>) target_semaphore(%arg15 : memref<!tpu.dma_semaphore, #tpu.memory_space<semaphore_mem>>)
      %dma_wait3A_182 = arith.constant 0 : i32
      %dma_wait3A_183 = arith.constant 0 : i32
      %dma_wait3A_184 = arith.constant 0 : i32
      %dma_wait3A_185 = tpu.memref_slice %arg3[%dma_wait3A_182, %dma_wait3A_183, %dma_wait3A_184] : memref<2560x2x128xi32, #tpu.memory_space<hbm>> -> memref<1x2x128xi32, #tpu.memory_space<hbm>>
      %dma_wait3A_186 = tpu.memref_squeeze %dma_wait3A_185 : memref<1x2x128xi32, #tpu.memory_space<hbm>> -> memref<2x128xi32, #tpu.memory_space<hbm>>
      %dma_wait3A_187 = arith.constant 0 : i32
      %dma_wait3A_188 = arith.constant 0 : i32
      %dma_wait3A_189 = tpu.memref_slice %arg3[%dma_wait3A_182, %dma_wait3A_187, %dma_wait3A_188] : memref<2560x2x128xi32, #tpu.memory_space<hbm>> -> memref<1x2x128xi32, #tpu.memory_space<hbm>>
      %dma_wait3A_190 = tpu.memref_squeeze %dma_wait3A_189 : memref<1x2x128xi32, #tpu.memory_space<hbm>> -> memref<2x128xi32, #tpu.memory_space<hbm>>
      tpu.wait_dma2 semaphore(%arg14 : memref<!tpu.dma_semaphore, #tpu.memory_space<semaphore_mem>>) src(%dma_wait3A_190 : memref<2x128xi32, #tpu.memory_space<hbm>>) dst(%arg7 : memref<2x128xi32, #tpu.memory_space<vmem>>)
      %dma_start3A_191 = arith.constant 0 : i32
      %dma_start3A_192 = arith.constant 0 : i32
      %dma_start3A_193 = tpu.memref_slice %arg7[%dma_start3A_191, %dma_start3A_192] : memref<2x128xi32, #tpu.memory_space<vmem>> -> memref<1x128xi32, #tpu.memory_space<vmem>>
      %dma_start3A_194 = tpu.memref_squeeze %dma_start3A_193 : memref<1x128xi32, #tpu.memory_space<vmem>> -> memref<128xi32, #tpu.memory_space<vmem>>
      %dma_start3A_195 = arith.constant 0 : i32
      %dma_start3A_196 = arith.constant 0 : i32
      %dma_start3A_197 = tpu.memref_slice %arg2[%dma_start3A_195, %dma_start3A_196] : memref<10240x128xf32, #tpu.memory_space<hbm>> -> memref<10240x128xf32, #tpu.memory_space<hbm>>
      tpu.enqueue_indirect_dma source(%dma_start3A_197 : memref<10240x128xf32, #tpu.memory_space<hbm>>) target(%arg9 : memref<128x128xf32, #tpu.memory_space<vmem>>) offsets(%dma_start3A_194 : memref<128xi32, #tpu.memory_space<vmem>>) semaphore(%arg16 : memref<!tpu.dma_semaphore, #tpu.memory_space<semaphore_mem>>)
      %scan3A_198 = arith.constant 0 : i32
      %scan3A_199 = arith.constant 0 : i32
      %add3A_200 = arith.constant 2 : i32
      %add3A_201 = arith.addi %add3A_76, %add3A_200 : i32
      %mul3A_202 = arith.constant 4 : i32
      %mul3A_203 = arith.muli %scan3A_199, %mul3A_202 : i32
      %add3A_204 = arith.addi %add3A_201, %mul3A_203 : i32
      %add3A_205 = arith.constant 0 : i32
      %add3A_206 = arith.addi %add3A_204, %add3A_205 : i32
      %dma_wait3A_207 = arith.constant 0 : i32
      %dma_wait3A_208 = arith.constant 0 : i32
      %dma_wait3A_209 = tpu.memref_slice %arg5[%dma_wait3A_207, %dma_wait3A_208] : memref<2x128xi32, #tpu.memory_space<vmem>> -> memref<1x128xi32, #tpu.memory_space<vmem>>
      %dma_wait3A_210 = tpu.memref_squeeze %dma_wait3A_209 : memref<1x128xi32, #tpu.memory_space<vmem>> -> memref<128xi32, #tpu.memory_space<vmem>>
      %dma_wait3A_211 = arith.constant 0 : i32
      %dma_wait3A_212 = arith.constant 0 : i32
      %dma_wait3A_213 = tpu.memref_slice %arg2[%dma_wait3A_211, %dma_wait3A_212] : memref<10240x128xf32, #tpu.memory_space<hbm>> -> memref<10240x128xf32, #tpu.memory_space<hbm>>
      tpu.wait_indirect_dma semaphore(%arg16 : memref<!tpu.dma_semaphore, #tpu.memory_space<semaphore_mem>>) src(%dma_wait3A_213 : memref<10240x128xf32, #tpu.memory_space<hbm>>) dst(%arg9 : memref<128x128xf32, #tpu.memory_space<vmem>>)
      %dma_start3A_214 = arith.constant 1 : i32
      %dma_start3A_215 = arith.constant 0 : i32
      %dma_start3A_216 = tpu.memref_slice %arg7[%dma_start3A_214, %dma_start3A_215] : memref<2x128xi32, #tpu.memory_space<vmem>> -> memref<1x128xi32, #tpu.memory_space<vmem>>
      %dma_start3A_217 = tpu.memref_squeeze %dma_start3A_216 : memref<1x128xi32, #tpu.memory_space<vmem>> -> memref<128xi32, #tpu.memory_space<vmem>>
      %dma_start3A_218 = arith.constant 0 : i32
      %dma_start3A_219 = arith.constant 0 : i32
      %dma_start3A_220 = tpu.memref_slice %arg11[%dma_start3A_218, %dma_start3A_219] : memref<10240x128xf32, #tpu.memory_space<vmem_shared>> -> memref<10240x128xf32, #tpu.memory_space<vmem_shared>>
      tpu.enqueue_indirect_dma source(%arg9 : memref<128x128xf32, #tpu.memory_space<vmem>>) target(%dma_start3A_220 : memref<10240x128xf32, #tpu.memory_space<vmem_shared>>) offsets(%dma_start3A_217 : memref<128xi32, #tpu.memory_space<vmem>>) semaphore(%arg18 : memref<!tpu.dma_semaphore, #tpu.memory_space<semaphore_mem>>) {add = true}
      %dma_wait3A_221 = arith.constant 1 : i32
      %dma_wait3A_222 = arith.constant 0 : i32
      %dma_wait3A_223 = tpu.memref_slice %arg5[%dma_wait3A_221, %dma_wait3A_222] : memref<2x128xi32, #tpu.memory_space<vmem>> -> memref<1x128xi32, #tpu.memory_space<vmem>>
      %dma_wait3A_224 = tpu.memref_squeeze %dma_wait3A_223 : memref<1x128xi32, #tpu.memory_space<vmem>> -> memref<128xi32, #tpu.memory_space<vmem>>
      %dma_wait3A_225 = arith.constant 0 : i32
      %dma_wait3A_226 = arith.constant 0 : i32
      %dma_wait3A_227 = tpu.memref_slice %arg11[%dma_wait3A_225, %dma_wait3A_226] : memref<10240x128xf32, #tpu.memory_space<vmem_shared>> -> memref<10240x128xf32, #tpu.memory_space<vmem_shared>>
      tpu.wait_indirect_dma semaphore(%arg19 : memref<!tpu.dma_semaphore, #tpu.memory_space<semaphore_mem>>) src(%arg10 : memref<128x128xf32, #tpu.memory_space<vmem>>) dst(%dma_wait3A_227 : memref<10240x128xf32, #tpu.memory_space<vmem_shared>>)
      %add3A_228 = arith.constant 2 : i32
      %add3A_229 = arith.addi %add3A_206, %add3A_228 : i32
      %dma_start3A_230 = arith.constant 0 : i32
      %dma_start3A_231 = arith.constant 0 : i32
      %dma_start3A_232 = tpu.memref_slice %arg3[%add3A_229, %dma_start3A_230, %dma_start3A_231] : memref<2560x2x128xi32, #tpu.memory_space<hbm>> -> memref<1x2x128xi32, #tpu.memory_space<hbm>>
      %dma_start3A_233 = tpu.memref_squeeze %dma_start3A_232 : memref<1x2x128xi32, #tpu.memory_space<hbm>> -> memref<2x128xi32, #tpu.memory_space<hbm>>
      %dma_start3A_234 = arith.constant 0 : i32
      %dma_start3A_235 = arith.constant 0 : i32
      %dma_start3A_236 = tpu.memref_slice %arg3[%add3A_229, %dma_start3A_234, %dma_start3A_235] : memref<2560x2x128xi32, #tpu.memory_space<hbm>> -> memref<1x2x128xi32, #tpu.memory_space<hbm>>
      %dma_start3A_237 = tpu.memref_squeeze %dma_start3A_236 : memref<1x2x128xi32, #tpu.memory_space<hbm>> -> memref<2x128xi32, #tpu.memory_space<hbm>>
      tpu.enqueue_dma source(%dma_start3A_237 : memref<2x128xi32, #tpu.memory_space<hbm>>) target(%arg5 : memref<2x128xi32, #tpu.memory_space<vmem>>) target_semaphore(%arg12 : memref<!tpu.dma_semaphore, #tpu.memory_space<semaphore_mem>>)
      %dma_wait3A_238 = arith.constant 0 : i32
      %dma_wait3A_239 = arith.constant 0 : i32
      %dma_wait3A_240 = arith.constant 0 : i32
      %dma_wait3A_241 = tpu.memref_slice %arg3[%dma_wait3A_238, %dma_wait3A_239, %dma_wait3A_240] : memref<2560x2x128xi32, #tpu.memory_space<hbm>> -> memref<1x2x128xi32, #tpu.memory_space<hbm>>
      %dma_wait3A_242 = tpu.memref_squeeze %dma_wait3A_241 : memref<1x2x128xi32, #tpu.memory_space<hbm>> -> memref<2x128xi32, #tpu.memory_space<hbm>>
      %dma_wait3A_243 = arith.constant 0 : i32
      %dma_wait3A_244 = arith.constant 0 : i32
      %dma_wait3A_245 = tpu.memref_slice %arg3[%dma_wait3A_238, %dma_wait3A_243, %dma_wait3A_244] : memref<2560x2x128xi32, #tpu.memory_space<hbm>> -> memref<1x2x128xi32, #tpu.memory_space<hbm>>
      %dma_wait3A_246 = tpu.memref_squeeze %dma_wait3A_245 : memref<1x2x128xi32, #tpu.memory_space<hbm>> -> memref<2x128xi32, #tpu.memory_space<hbm>>
      tpu.wait_dma2 semaphore(%arg15 : memref<!tpu.dma_semaphore, #tpu.memory_space<semaphore_mem>>) src(%dma_wait3A_246 : memref<2x128xi32, #tpu.memory_space<hbm>>) dst(%arg8 : memref<2x128xi32, #tpu.memory_space<vmem>>)
      %dma_start3A_247 = arith.constant 0 : i32
      %dma_start3A_248 = arith.constant 0 : i32
      %dma_start3A_249 = tpu.memref_slice %arg8[%dma_start3A_247, %dma_start3A_248] : memref<2x128xi32, #tpu.memory_space<vmem>> -> memref<1x128xi32, #tpu.memory_space<vmem>>
      %dma_start3A_250 = tpu.memref_squeeze %dma_start3A_249 : memref<1x128xi32, #tpu.memory_space<vmem>> -> memref<128xi32, #tpu.memory_space<vmem>>
      %dma_start3A_251 = arith.constant 0 : i32
      %dma_start3A_252 = arith.constant 0 : i32
      %dma_start3A_253 = tpu.memref_slice %arg2[%dma_start3A_251, %dma_start3A_252] : memref<10240x128xf32, #tpu.memory_space<hbm>> -> memref<10240x128xf32, #tpu.memory_space<hbm>>
      tpu.enqueue_indirect_dma source(%dma_start3A_253 : memref<10240x128xf32, #tpu.memory_space<hbm>>) target(%arg10 : memref<128x128xf32, #tpu.memory_space<vmem>>) offsets(%dma_start3A_250 : memref<128xi32, #tpu.memory_space<vmem>>) semaphore(%arg17 : memref<!tpu.dma_semaphore, #tpu.memory_space<semaphore_mem>>)
      %add3A_254 = arith.constant 1 : i32
      %add3A_255 = arith.addi %add3A_204, %add3A_254 : i32
      %dma_wait3A_256 = arith.constant 0 : i32
      %dma_wait3A_257 = arith.constant 0 : i32
      %dma_wait3A_258 = tpu.memref_slice %arg5[%dma_wait3A_256, %dma_wait3A_257] : memref<2x128xi32, #tpu.memory_space<vmem>> -> memref<1x128xi32, #tpu.memory_space<vmem>>
      %dma_wait3A_259 = tpu.memref_squeeze %dma_wait3A_258 : memref<1x128xi32, #tpu.memory_space<vmem>> -> memref<128xi32, #tpu.memory_space<vmem>>
      %dma_wait3A_260 = arith.constant 0 : i32
      %dma_wait3A_261 = arith.constant 0 : i32
      %dma_wait3A_262 = tpu.memref_slice %arg2[%dma_wait3A_260, %dma_wait3A_261] : memref<10240x128xf32, #tpu.memory_space<hbm>> -> memref<10240x128xf32, #tpu.memory_space<hbm>>
      tpu.wait_indirect_dma semaphore(%arg17 : memref<!tpu.dma_semaphore, #tpu.memory_space<semaphore_mem>>) src(%dma_wait3A_262 : memref<10240x128xf32, #tpu.memory_space<hbm>>) dst(%arg10 : memref<128x128xf32, #tpu.memory_space<vmem>>)
      %dma_start3A_263 = arith.constant 1 : i32
      %dma_start3A_264 = arith.constant 0 : i32
      %dma_start3A_265 = tpu.memref_slice %arg8[%dma_start3A_263, %dma_start3A_264] : memref<2x128xi32, #tpu.memory_space<vmem>> -> memref<1x128xi32, #tpu.memory_space<vmem>>
      %dma_start3A_266 = tpu.memref_squeeze %dma_start3A_265 : memref<1x128xi32, #tpu.memory_space<vmem>> -> memref<128xi32, #tpu.memory_space<vmem>>
      %dma_start3A_267 = arith.constant 0 : i32
      %dma_start3A_268 = arith.constant 0 : i32
      %dma_start3A_269 = tpu.memref_slice %arg11[%dma_start3A_267, %dma_start3A_268] : memref<10240x128xf32, #tpu.memory_space<vmem_shared>> -> memref<10240x128xf32, #tpu.memory_space<vmem_shared>>
      tpu.enqueue_indirect_dma source(%arg10 : memref<128x128xf32, #tpu.memory_space<vmem>>) target(%dma_start3A_269 : memref<10240x128xf32, #tpu.memory_space<vmem_shared>>) offsets(%dma_start3A_266 : memref<128xi32, #tpu.memory_space<vmem>>) semaphore(%arg19 : memref<!tpu.dma_semaphore, #tpu.memory_space<semaphore_mem>>) {add = true}
      %dma_wait3A_270 = arith.constant 1 : i32
      %dma_wait3A_271 = arith.constant 0 : i32
      %dma_wait3A_272 = tpu.memref_slice %arg5[%dma_wait3A_270, %dma_wait3A_271] : memref<2x128xi32, #tpu.memory_space<vmem>> -> memref<1x128xi32, #tpu.memory_space<vmem>>
      %dma_wait3A_273 = tpu.memref_squeeze %dma_wait3A_272 : memref<1x128xi32, #tpu.memory_space<vmem>> -> memref<128xi32, #tpu.memory_space<vmem>>
      %dma_wait3A_274 = arith.constant 0 : i32
      %dma_wait3A_275 = arith.constant 0 : i32
      %dma_wait3A_276 = tpu.memref_slice %arg11[%dma_wait3A_274, %dma_wait3A_275] : memref<10240x128xf32, #tpu.memory_space<vmem_shared>> -> memref<10240x128xf32, #tpu.memory_space<vmem_shared>>
      tpu.wait_indirect_dma semaphore(%arg18 : memref<!tpu.dma_semaphore, #tpu.memory_space<semaphore_mem>>) src(%arg9 : memref<128x128xf32, #tpu.memory_space<vmem>>) dst(%dma_wait3A_276 : memref<10240x128xf32, #tpu.memory_space<vmem_shared>>)
      %add3A_277 = arith.constant 2 : i32
      %add3A_278 = arith.addi %add3A_255, %add3A_277 : i32
      %dma_start3A_279 = arith.constant 0 : i32
      %dma_start3A_280 = arith.constant 0 : i32
      %dma_start3A_281 = tpu.memref_slice %arg3[%add3A_278, %dma_start3A_279, %dma_start3A_280] : memref<2560x2x128xi32, #tpu.memory_space<hbm>> -> memref<1x2x128xi32, #tpu.memory_space<hbm>>
      %dma_start3A_282 = tpu.memref_squeeze %dma_start3A_281 : memref<1x2x128xi32, #tpu.memory_space<hbm>> -> memref<2x128xi32, #tpu.memory_space<hbm>>
      %dma_start3A_283 = arith.constant 0 : i32
      %dma_start3A_284 = arith.constant 0 : i32
      %dma_start3A_285 = tpu.memref_slice %arg3[%add3A_278, %dma_start3A_283, %dma_start3A_284] : memref<2560x2x128xi32, #tpu.memory_space<hbm>> -> memref<1x2x128xi32, #tpu.memory_space<hbm>>
      %dma_start3A_286 = tpu.memref_squeeze %dma_start3A_285 : memref<1x2x128xi32, #tpu.memory_space<hbm>> -> memref<2x128xi32, #tpu.memory_space<hbm>>
      tpu.enqueue_dma source(%dma_start3A_286 : memref<2x128xi32, #tpu.memory_space<hbm>>) target(%arg6 : memref<2x128xi32, #tpu.memory_space<vmem>>) target_semaphore(%arg13 : memref<!tpu.dma_semaphore, #tpu.memory_space<semaphore_mem>>)
      %dma_wait3A_287 = arith.constant 0 : i32
      %dma_wait3A_288 = arith.constant 0 : i32
      %dma_wait3A_289 = arith.constant 0 : i32
      %dma_wait3A_290 = tpu.memref_slice %arg3[%dma_wait3A_287, %dma_wait3A_288, %dma_wait3A_289] : memref<2560x2x128xi32, #tpu.memory_space<hbm>> -> memref<1x2x128xi32, #tpu.memory_space<hbm>>
      %dma_wait3A_291 = tpu.memref_squeeze %dma_wait3A_290 : memref<1x2x128xi32, #tpu.memory_space<hbm>> -> memref<2x128xi32, #tpu.memory_space<hbm>>
      %dma_wait3A_292 = arith.constant 0 : i32
      %dma_wait3A_293 = arith.constant 0 : i32
      %dma_wait3A_294 = tpu.memref_slice %arg3[%dma_wait3A_287, %dma_wait3A_292, %dma_wait3A_293] : memref<2560x2x128xi32, #tpu.memory_space<hbm>> -> memref<1x2x128xi32, #tpu.memory_space<hbm>>
      %dma_wait3A_295 = tpu.memref_squeeze %dma_wait3A_294 : memref<1x2x128xi32, #tpu.memory_space<hbm>> -> memref<2x128xi32, #tpu.memory_space<hbm>>
      tpu.wait_dma2 semaphore(%arg12 : memref<!tpu.dma_semaphore, #tpu.memory_space<semaphore_mem>>) src(%dma_wait3A_295 : memref<2x128xi32, #tpu.memory_space<hbm>>) dst(%arg5 : memref<2x128xi32, #tpu.memory_space<vmem>>)
      %dma_start3A_296 = arith.constant 0 : i32
      %dma_start3A_297 = arith.constant 0 : i32
      %dma_start3A_298 = tpu.memref_slice %arg5[%dma_start3A_296, %dma_start3A_297] : memref<2x128xi32, #tpu.memory_space<vmem>> -> memref<1x128xi32, #tpu.memory_space<vmem>>
      %dma_start3A_299 = tpu.memref_squeeze %dma_start3A_298 : memref<1x128xi32, #tpu.memory_space<vmem>> -> memref<128xi32, #tpu.memory_space<vmem>>
      %dma_start3A_300 = arith.constant 0 : i32
      %dma_start3A_301 = arith.constant 0 : i32
      %dma_start3A_302 = tpu.memref_slice %arg2[%dma_start3A_300, %dma_start3A_301] : memref<10240x128xf32, #tpu.memory_space<hbm>> -> memref<10240x128xf32, #tpu.memory_space<hbm>>
      tpu.enqueue_indirect_dma source(%dma_start3A_302 : memref<10240x128xf32, #tpu.memory_space<hbm>>) target(%arg9 : memref<128x128xf32, #tpu.memory_space<vmem>>) offsets(%dma_start3A_299 : memref<128xi32, #tpu.memory_space<vmem>>) semaphore(%arg16 : memref<!tpu.dma_semaphore, #tpu.memory_space<semaphore_mem>>)
      %add3A_303 = arith.constant 2 : i32
      %add3A_304 = arith.addi %add3A_204, %add3A_303 : i32
      %dma_wait3A_305 = arith.constant 0 : i32
      %dma_wait3A_306 = arith.constant 0 : i32
      %dma_wait3A_307 = tpu.memref_slice %arg5[%dma_wait3A_305, %dma_wait3A_306] : memref<2x128xi32, #tpu.memory_space<vmem>> -> memref<1x128xi32, #tpu.memory_space<vmem>>
      %dma_wait3A_308 = tpu.memref_squeeze %dma_wait3A_307 : memref<1x128xi32, #tpu.memory_space<vmem>> -> memref<128xi32, #tpu.memory_space<vmem>>
      %dma_wait3A_309 = arith.constant 0 : i32
      %dma_wait3A_310 = arith.constant 0 : i32
      %dma_wait3A_311 = tpu.memref_slice %arg2[%dma_wait3A_309, %dma_wait3A_310] : memref<10240x128xf32, #tpu.memory_space<hbm>> -> memref<10240x128xf32, #tpu.memory_space<hbm>>
      tpu.wait_indirect_dma semaphore(%arg16 : memref<!tpu.dma_semaphore, #tpu.memory_space<semaphore_mem>>) src(%dma_wait3A_311 : memref<10240x128xf32, #tpu.memory_space<hbm>>) dst(%arg9 : memref<128x128xf32, #tpu.memory_space<vmem>>)
      %dma_start3A_312 = arith.constant 1 : i32
      %dma_start3A_313 = arith.constant 0 : i32
      %dma_start3A_314 = tpu.memref_slice %arg5[%dma_start3A_312, %dma_start3A_313] : memref<2x128xi32, #tpu.memory_space<vmem>> -> memref<1x128xi32, #tpu.memory_space<vmem>>
      %dma_start3A_315 = tpu.memref_squeeze %dma_start3A_314 : memref<1x128xi32, #tpu.memory_space<vmem>> -> memref<128xi32, #tpu.memory_space<vmem>>
      %dma_start3A_316 = arith.constant 0 : i32
      %dma_start3A_317 = arith.constant 0 : i32
      %dma_start3A_318 = tpu.memref_slice %arg11[%dma_start3A_316, %dma_start3A_317] : memref<10240x128xf32, #tpu.memory_space<vmem_shared>> -> memref<10240x128xf32, #tpu.memory_space<vmem_shared>>
      tpu.enqueue_indirect_dma source(%arg9 : memref<128x128xf32, #tpu.memory_space<vmem>>) target(%dma_start3A_318 : memref<10240x128xf32, #tpu.memory_space<vmem_shared>>) offsets(%dma_start3A_315 : memref<128xi32, #tpu.memory_space<vmem>>) semaphore(%arg18 : memref<!tpu.dma_semaphore, #tpu.memory_space<semaphore_mem>>) {add = true}
      %dma_wait3A_319 = arith.constant 1 : i32
      %dma_wait3A_320 = arith.constant 0 : i32
      %dma_wait3A_321 = tpu.memref_slice %arg5[%dma_wait3A_319, %dma_wait3A_320] : memref<2x128xi32, #tpu.memory_space<vmem>> -> memref<1x128xi32, #tpu.memory_space<vmem>>
      %dma_wait3A_322 = tpu.memref_squeeze %dma_wait3A_321 : memref<1x128xi32, #tpu.memory_space<vmem>> -> memref<128xi32, #tpu.memory_space<vmem>>
      %dma_wait3A_323 = arith.constant 0 : i32
      %dma_wait3A_324 = arith.constant 0 : i32
      %dma_wait3A_325 = tpu.memref_slice %arg11[%dma_wait3A_323, %dma_wait3A_324] : memref<10240x128xf32, #tpu.memory_space<vmem_shared>> -> memref<10240x128xf32, #tpu.memory_space<vmem_shared>>
      tpu.wait_indirect_dma semaphore(%arg19 : memref<!tpu.dma_semaphore, #tpu.memory_space<semaphore_mem>>) src(%arg10 : memref<128x128xf32, #tpu.memory_space<vmem>>) dst(%dma_wait3A_325 : memref<10240x128xf32, #tpu.memory_space<vmem_shared>>)
      %add3A_326 = arith.constant 2 : i32
      %add3A_327 = arith.addi %add3A_304, %add3A_326 : i32
      %dma_start3A_328 = arith.constant 0 : i32
      %dma_start3A_329 = arith.constant 0 : i32
      %dma_start3A_330 = tpu.memref_slice %arg3[%add3A_327, %dma_start3A_328, %dma_start3A_329] : memref<2560x2x128xi32, #tpu.memory_space<hbm>> -> memref<1x2x128xi32, #tpu.memory_space<hbm>>
      %dma_start3A_331 = tpu.memref_squeeze %dma_start3A_330 : memref<1x2x128xi32, #tpu.memory_space<hbm>> -> memref<2x128xi32, #tpu.memory_space<hbm>>
      %dma_start3A_332 = arith.constant 0 : i32
      %dma_start3A_333 = arith.constant 0 : i32
      %dma_start3A_334 = tpu.memref_slice %arg3[%add3A_327, %dma_start3A_332, %dma_start3A_333] : memref<2560x2x128xi32, #tpu.memory_space<hbm>> -> memref<1x2x128xi32, #tpu.memory_space<hbm>>
      %dma_start3A_335 = tpu.memref_squeeze %dma_start3A_334 : memref<1x2x128xi32, #tpu.memory_space<hbm>> -> memref<2x128xi32, #tpu.memory_space<hbm>>
      tpu.enqueue_dma source(%dma_start3A_335 : memref<2x128xi32, #tpu.memory_space<hbm>>) target(%arg7 : memref<2x128xi32, #tpu.memory_space<vmem>>) target_semaphore(%arg14 : memref<!tpu.dma_semaphore, #tpu.memory_space<semaphore_mem>>)
      %dma_wait3A_336 = arith.constant 0 : i32
      %dma_wait3A_337 = arith.constant 0 : i32
      %dma_wait3A_338 = arith.constant 0 : i32
      %dma_wait3A_339 = tpu.memref_slice %arg3[%dma_wait3A_336, %dma_wait3A_337, %dma_wait3A_338] : memref<2560x2x128xi32, #tpu.memory_space<hbm>> -> memref<1x2x128xi32, #tpu.memory_space<hbm>>
      %dma_wait3A_340 = tpu.memref_squeeze %dma_wait3A_339 : memref<1x2x128xi32, #tpu.memory_space<hbm>> -> memref<2x128xi32, #tpu.memory_space<hbm>>
      %dma_wait3A_341 = arith.constant 0 : i32
      %dma_wait3A_342 = arith.constant 0 : i32
      %dma_wait3A_343 = tpu.memref_slice %arg3[%dma_wait3A_336, %dma_wait3A_341, %dma_wait3A_342] : memref<2560x2x128xi32, #tpu.memory_space<hbm>> -> memref<1x2x128xi32, #tpu.memory_space<hbm>>
      %dma_wait3A_344 = tpu.memref_squeeze %dma_wait3A_343 : memref<1x2x128xi32, #tpu.memory_space<hbm>> -> memref<2x128xi32, #tpu.memory_space<hbm>>
      tpu.wait_dma2 semaphore(%arg13 : memref<!tpu.dma_semaphore, #tpu.memory_space<semaphore_mem>>) src(%dma_wait3A_344 : memref<2x128xi32, #tpu.memory_space<hbm>>) dst(%arg6 : memref<2x128xi32, #tpu.memory_space<vmem>>)
      %dma_start3A_345 = arith.constant 0 : i32
      %dma_start3A_346 = arith.constant 0 : i32
      %dma_start3A_347 = tpu.memref_slice %arg6[%dma_start3A_345, %dma_start3A_346] : memref<2x128xi32, #tpu.memory_space<vmem>> -> memref<1x128xi32, #tpu.memory_space<vmem>>
      %dma_start3A_348 = tpu.memref_squeeze %dma_start3A_347 : memref<1x128xi32, #tpu.memory_space<vmem>> -> memref<128xi32, #tpu.memory_space<vmem>>
      %dma_start3A_349 = arith.constant 0 : i32
      %dma_start3A_350 = arith.constant 0 : i32
      %dma_start3A_351 = tpu.memref_slice %arg2[%dma_start3A_349, %dma_start3A_350] : memref<10240x128xf32, #tpu.memory_space<hbm>> -> memref<10240x128xf32, #tpu.memory_space<hbm>>
      tpu.enqueue_indirect_dma source(%dma_start3A_351 : memref<10240x128xf32, #tpu.memory_space<hbm>>) target(%arg10 : memref<128x128xf32, #tpu.memory_space<vmem>>) offsets(%dma_start3A_348 : memref<128xi32, #tpu.memory_space<vmem>>) semaphore(%arg17 : memref<!tpu.dma_semaphore, #tpu.memory_space<semaphore_mem>>)
      %add3A_352 = arith.constant 3 : i32
      %add3A_353 = arith.addi %add3A_204, %add3A_352 : i32
      %dma_wait3A_354 = arith.constant 0 : i32
      %dma_wait3A_355 = arith.constant 0 : i32
      %dma_wait3A_356 = tpu.memref_slice %arg5[%dma_wait3A_354, %dma_wait3A_355] : memref<2x128xi32, #tpu.memory_space<vmem>> -> memref<1x128xi32, #tpu.memory_space<vmem>>
      %dma_wait3A_357 = tpu.memref_squeeze %dma_wait3A_356 : memref<1x128xi32, #tpu.memory_space<vmem>> -> memref<128xi32, #tpu.memory_space<vmem>>
      %dma_wait3A_358 = arith.constant 0 : i32
      %dma_wait3A_359 = arith.constant 0 : i32
      %dma_wait3A_360 = tpu.memref_slice %arg2[%dma_wait3A_358, %dma_wait3A_359] : memref<10240x128xf32, #tpu.memory_space<hbm>> -> memref<10240x128xf32, #tpu.memory_space<hbm>>
      tpu.wait_indirect_dma semaphore(%arg17 : memref<!tpu.dma_semaphore, #tpu.memory_space<semaphore_mem>>) src(%dma_wait3A_360 : memref<10240x128xf32, #tpu.memory_space<hbm>>) dst(%arg10 : memref<128x128xf32, #tpu.memory_space<vmem>>)
      %dma_start3A_361 = arith.constant 1 : i32
      %dma_start3A_362 = arith.constant 0 : i32
      %dma_start3A_363 = tpu.memref_slice %arg6[%dma_start3A_361, %dma_start3A_362] : memref<2x128xi32, #tpu.memory_space<vmem>> -> memref<1x128xi32, #tpu.memory_space<vmem>>
      %dma_start3A_364 = tpu.memref_squeeze %dma_start3A_363 : memref<1x128xi32, #tpu.memory_space<vmem>> -> memref<128xi32, #tpu.memory_space<vmem>>
      %dma_start3A_365 = arith.constant 0 : i32
      %dma_start3A_366 = arith.constant 0 : i32
      %dma_start3A_367 = tpu.memref_slice %arg11[%dma_start3A_365, %dma_start3A_366] : memref<10240x128xf32, #tpu.memory_space<vmem_shared>> -> memref<10240x128xf32, #tpu.memory_space<vmem_shared>>
      tpu.enqueue_indirect_dma source(%arg10 : memref<128x128xf32, #tpu.memory_space<vmem>>) target(%dma_start3A_367 : memref<10240x128xf32, #tpu.memory_space<vmem_shared>>) offsets(%dma_start3A_364 : memref<128xi32, #tpu.memory_space<vmem>>) semaphore(%arg19 : memref<!tpu.dma_semaphore, #tpu.memory_space<semaphore_mem>>) {add = true}
      %dma_wait3A_368 = arith.constant 1 : i32
      %dma_wait3A_369 = arith.constant 0 : i32
      %dma_wait3A_370 = tpu.memref_slice %arg5[%dma_wait3A_368, %dma_wait3A_369] : memref<2x128xi32, #tpu.memory_space<vmem>> -> memref<1x128xi32, #tpu.memory_space<vmem>>
      %dma_wait3A_371 = tpu.memref_squeeze %dma_wait3A_370 : memref<1x128xi32, #tpu.memory_space<vmem>> -> memref<128xi32, #tpu.memory_space<vmem>>
      %dma_wait3A_372 = arith.constant 0 : i32
      %dma_wait3A_373 = arith.constant 0 : i32
      %dma_wait3A_374 = tpu.memref_slice %arg11[%dma_wait3A_372, %dma_wait3A_373] : memref<10240x128xf32, #tpu.memory_space<vmem_shared>> -> memref<10240x128xf32, #tpu.memory_space<vmem_shared>>
      tpu.wait_indirect_dma semaphore(%arg18 : memref<!tpu.dma_semaphore, #tpu.memory_space<semaphore_mem>>) src(%arg9 : memref<128x128xf32, #tpu.memory_space<vmem>>) dst(%dma_wait3A_374 : memref<10240x128xf32, #tpu.memory_space<vmem_shared>>)
      %add3A_375 = arith.constant 2 : i32
      %add3A_376 = arith.addi %add3A_353, %add3A_375 : i32
      %dma_start3A_377 = arith.constant 0 : i32
      %dma_start3A_378 = arith.constant 0 : i32
      %dma_start3A_379 = tpu.memref_slice %arg3[%add3A_376, %dma_start3A_377, %dma_start3A_378] : memref<2560x2x128xi32, #tpu.memory_space<hbm>> -> memref<1x2x128xi32, #tpu.memory_space<hbm>>
      %dma_start3A_380 = tpu.memref_squeeze %dma_start3A_379 : memref<1x2x128xi32, #tpu.memory_space<hbm>> -> memref<2x128xi32, #tpu.memory_space<hbm>>
      %dma_start3A_381 = arith.constant 0 : i32
      %dma_start3A_382 = arith.constant 0 : i32
      %dma_start3A_383 = tpu.memref_slice %arg3[%add3A_376, %dma_start3A_381, %dma_start3A_382] : memref<2560x2x128xi32, #tpu.memory_space<hbm>> -> memref<1x2x128xi32, #tpu.memory_space<hbm>>
      %dma_start3A_384 = tpu.memref_squeeze %dma_start3A_383 : memref<1x2x128xi32, #tpu.memory_space<hbm>> -> memref<2x128xi32, #tpu.memory_space<hbm>>
      tpu.enqueue_dma source(%dma_start3A_384 : memref<2x128xi32, #tpu.memory_space<hbm>>) target(%arg8 : memref<2x128xi32, #tpu.memory_space<vmem>>) target_semaphore(%arg15 : memref<!tpu.dma_semaphore, #tpu.memory_space<semaphore_mem>>)
      %dma_wait3A_385 = arith.constant 0 : i32
      %dma_wait3A_386 = arith.constant 0 : i32
      %dma_wait3A_387 = arith.constant 0 : i32
      %dma_wait3A_388 = tpu.memref_slice %arg3[%dma_wait3A_385, %dma_wait3A_386, %dma_wait3A_387] : memref<2560x2x128xi32, #tpu.memory_space<hbm>> -> memref<1x2x128xi32, #tpu.memory_space<hbm>>
      %dma_wait3A_389 = tpu.memref_squeeze %dma_wait3A_388 : memref<1x2x128xi32, #tpu.memory_space<hbm>> -> memref<2x128xi32, #tpu.memory_space<hbm>>
      %dma_wait3A_390 = arith.constant 0 : i32
      %dma_wait3A_391 = arith.constant 0 : i32
      %dma_wait3A_392 = tpu.memref_slice %arg3[%dma_wait3A_385, %dma_wait3A_390, %dma_wait3A_391] : memref<2560x2x128xi32, #tpu.memory_space<hbm>> -> memref<1x2x128xi32, #tpu.memory_space<hbm>>
      %dma_wait3A_393 = tpu.memref_squeeze %dma_wait3A_392 : memref<1x2x128xi32, #tpu.memory_space<hbm>> -> memref<2x128xi32, #tpu.memory_space<hbm>>
      tpu.wait_dma2 semaphore(%arg14 : memref<!tpu.dma_semaphore, #tpu.memory_space<semaphore_mem>>) src(%dma_wait3A_393 : memref<2x128xi32, #tpu.memory_space<hbm>>) dst(%arg7 : memref<2x128xi32, #tpu.memory_space<vmem>>)
      %dma_start3A_394 = arith.constant 0 : i32
      %dma_start3A_395 = arith.constant 0 : i32
      %dma_start3A_396 = tpu.memref_slice %arg7[%dma_start3A_394, %dma_start3A_395] : memref<2x128xi32, #tpu.memory_space<vmem>> -> memref<1x128xi32, #tpu.memory_space<vmem>>
      %dma_start3A_397 = tpu.memref_squeeze %dma_start3A_396 : memref<1x128xi32, #tpu.memory_space<vmem>> -> memref<128xi32, #tpu.memory_space<vmem>>
      %dma_start3A_398 = arith.constant 0 : i32
      %dma_start3A_399 = arith.constant 0 : i32
      %dma_start3A_400 = tpu.memref_slice %arg2[%dma_start3A_398, %dma_start3A_399] : memref<10240x128xf32, #tpu.memory_space<hbm>> -> memref<10240x128xf32, #tpu.memory_space<hbm>>
      tpu.enqueue_indirect_dma source(%dma_start3A_400 : memref<10240x128xf32, #tpu.memory_space<hbm>>) target(%arg9 : memref<128x128xf32, #tpu.memory_space<vmem>>) offsets(%dma_start3A_397 : memref<128xi32, #tpu.memory_space<vmem>>) semaphore(%arg16 : memref<!tpu.dma_semaphore, #tpu.memory_space<semaphore_mem>>)
      %scan3A_401 = arith.constant 0 : i32
      %scan3A_402 = arith.constant 1 : i32
      %dma_wait3A_403 = arith.constant 0 : i32
      %dma_wait3A_404 = arith.constant 0 : i32
      %dma_wait3A_405 = tpu.memref_slice %arg5[%dma_wait3A_403, %dma_wait3A_404] : memref<2x128xi32, #tpu.memory_space<vmem>> -> memref<1x128xi32, #tpu.memory_space<vmem>>
      %dma_wait3A_406 = tpu.memref_squeeze %dma_wait3A_405 : memref<1x128xi32, #tpu.memory_space<vmem>> -> memref<128xi32, #tpu.memory_space<vmem>>
      %dma_wait3A_407 = arith.constant 0 : i32
      %dma_wait3A_408 = arith.constant 0 : i32
      %dma_wait3A_409 = tpu.memref_slice %arg2[%dma_wait3A_407, %dma_wait3A_408] : memref<10240x128xf32, #tpu.memory_space<hbm>> -> memref<10240x128xf32, #tpu.memory_space<hbm>>
      tpu.wait_indirect_dma semaphore(%arg16 : memref<!tpu.dma_semaphore, #tpu.memory_space<semaphore_mem>>) src(%dma_wait3A_409 : memref<10240x128xf32, #tpu.memory_space<hbm>>) dst(%arg9 : memref<128x128xf32, #tpu.memory_space<vmem>>)
      %dma_start3A_410 = arith.constant 1 : i32
      %dma_start3A_411 = arith.constant 0 : i32
      %dma_start3A_412 = tpu.memref_slice %arg7[%dma_start3A_410, %dma_start3A_411] : memref<2x128xi32, #tpu.memory_space<vmem>> -> memref<1x128xi32, #tpu.memory_space<vmem>>
      %dma_start3A_413 = tpu.memref_squeeze %dma_start3A_412 : memref<1x128xi32, #tpu.memory_space<vmem>> -> memref<128xi32, #tpu.memory_space<vmem>>
      %dma_start3A_414 = arith.constant 0 : i32
      %dma_start3A_415 = arith.constant 0 : i32
      %dma_start3A_416 = tpu.memref_slice %arg11[%dma_start3A_414, %dma_start3A_415] : memref<10240x128xf32, #tpu.memory_space<vmem_shared>> -> memref<10240x128xf32, #tpu.memory_space<vmem_shared>>
      tpu.enqueue_indirect_dma source(%arg9 : memref<128x128xf32, #tpu.memory_space<vmem>>) target(%dma_start3A_416 : memref<10240x128xf32, #tpu.memory_space<vmem_shared>>) offsets(%dma_start3A_413 : memref<128xi32, #tpu.memory_space<vmem>>) semaphore(%arg18 : memref<!tpu.dma_semaphore, #tpu.memory_space<semaphore_mem>>) {add = true}
      %dma_wait3A_417 = arith.constant 1 : i32
      %dma_wait3A_418 = arith.constant 0 : i32
      %dma_wait3A_419 = tpu.memref_slice %arg5[%dma_wait3A_417, %dma_wait3A_418] : memref<2x128xi32, #tpu.memory_space<vmem>> -> memref<1x128xi32, #tpu.memory_space<vmem>>
      %dma_wait3A_420 = tpu.memref_squeeze %dma_wait3A_419 : memref<1x128xi32, #tpu.memory_space<vmem>> -> memref<128xi32, #tpu.memory_space<vmem>>
      %dma_wait3A_421 = arith.constant 0 : i32
      %dma_wait3A_422 = arith.constant 0 : i32
      %dma_wait3A_423 = tpu.memref_slice %arg11[%dma_wait3A_421, %dma_wait3A_422] : memref<10240x128xf32, #tpu.memory_space<vmem_shared>> -> memref<10240x128xf32, #tpu.memory_space<vmem_shared>>
      tpu.wait_indirect_dma semaphore(%arg19 : memref<!tpu.dma_semaphore, #tpu.memory_space<semaphore_mem>>) src(%arg10 : memref<128x128xf32, #tpu.memory_space<vmem>>) dst(%dma_wait3A_423 : memref<10240x128xf32, #tpu.memory_space<vmem_shared>>)
      %dma_wait3A_424 = arith.constant 0 : i32
      %dma_wait3A_425 = arith.constant 0 : i32
      %dma_wait3A_426 = arith.constant 0 : i32
      %dma_wait3A_427 = tpu.memref_slice %arg3[%dma_wait3A_424, %dma_wait3A_425, %dma_wait3A_426] : memref<2560x2x128xi32, #tpu.memory_space<hbm>> -> memref<1x2x128xi32, #tpu.memory_space<hbm>>
      %dma_wait3A_428 = tpu.memref_squeeze %dma_wait3A_427 : memref<1x2x128xi32, #tpu.memory_space<hbm>> -> memref<2x128xi32, #tpu.memory_space<hbm>>
      %dma_wait3A_429 = arith.constant 0 : i32
      %dma_wait3A_430 = arith.constant 0 : i32
      %dma_wait3A_431 = tpu.memref_slice %arg3[%dma_wait3A_424, %dma_wait3A_429, %dma_wait3A_430] : memref<2560x2x128xi32, #tpu.memory_space<hbm>> -> memref<1x2x128xi32, #tpu.memory_space<hbm>>
      %dma_wait3A_432 = tpu.memref_squeeze %dma_wait3A_431 : memref<1x2x128xi32, #tpu.memory_space<hbm>> -> memref<2x128xi32, #tpu.memory_space<hbm>>
      tpu.wait_dma2 semaphore(%arg15 : memref<!tpu.dma_semaphore, #tpu.memory_space<semaphore_mem>>) src(%dma_wait3A_432 : memref<2x128xi32, #tpu.memory_space<hbm>>) dst(%arg8 : memref<2x128xi32, #tpu.memory_space<vmem>>)
      %dma_start3A_433 = arith.constant 0 : i32
      %dma_start3A_434 = arith.constant 0 : i32
      %dma_start3A_435 = tpu.memref_slice %arg8[%dma_start3A_433, %dma_start3A_434] : memref<2x128xi32, #tpu.memory_space<vmem>> -> memref<1x128xi32, #tpu.memory_space<vmem>>
      %dma_start3A_436 = tpu.memref_squeeze %dma_start3A_435 : memref<1x128xi32, #tpu.memory_space<vmem>> -> memref<128xi32, #tpu.memory_space<vmem>>
      %dma_start3A_437 = arith.constant 0 : i32
      %dma_start3A_438 = arith.constant 0 : i32
      %dma_start3A_439 = tpu.memref_slice %arg2[%dma_start3A_437, %dma_start3A_438] : memref<10240x128xf32, #tpu.memory_space<hbm>> -> memref<10240x128xf32, #tpu.memory_space<hbm>>
      tpu.enqueue_indirect_dma source(%dma_start3A_439 : memref<10240x128xf32, #tpu.memory_space<hbm>>) target(%arg10 : memref<128x128xf32, #tpu.memory_space<vmem>>) offsets(%dma_start3A_436 : memref<128xi32, #tpu.memory_space<vmem>>) semaphore(%arg17 : memref<!tpu.dma_semaphore, #tpu.memory_space<semaphore_mem>>)
      %dma_wait3A_440 = arith.constant 0 : i32
      %dma_wait3A_441 = arith.constant 0 : i32
      %dma_wait3A_442 = tpu.memref_slice %arg5[%dma_wait3A_440, %dma_wait3A_441] : memref<2x128xi32, #tpu.memory_space<vmem>> -> memref<1x128xi32, #tpu.memory_space<vmem>>
      %dma_wait3A_443 = tpu.memref_squeeze %dma_wait3A_442 : memref<1x128xi32, #tpu.memory_space<vmem>> -> memref<128xi32, #tpu.memory_space<vmem>>
      %dma_wait3A_444 = arith.constant 0 : i32
      %dma_wait3A_445 = arith.constant 0 : i32
      %dma_wait3A_446 = tpu.memref_slice %arg2[%dma_wait3A_444, %dma_wait3A_445] : memref<10240x128xf32, #tpu.memory_space<hbm>> -> memref<10240x128xf32, #tpu.memory_space<hbm>>
      tpu.wait_indirect_dma semaphore(%arg17 : memref<!tpu.dma_semaphore, #tpu.memory_space<semaphore_mem>>) src(%dma_wait3A_446 : memref<10240x128xf32, #tpu.memory_space<hbm>>) dst(%arg10 : memref<128x128xf32, #tpu.memory_space<vmem>>)
      %dma_start3A_447 = arith.constant 1 : i32
      %dma_start3A_448 = arith.constant 0 : i32
      %dma_start3A_449 = tpu.memref_slice %arg8[%dma_start3A_447, %dma_start3A_448] : memref<2x128xi32, #tpu.memory_space<vmem>> -> memref<1x128xi32, #tpu.memory_space<vmem>>
      %dma_start3A_450 = tpu.memref_squeeze %dma_start3A_449 : memref<1x128xi32, #tpu.memory_space<vmem>> -> memref<128xi32, #tpu.memory_space<vmem>>
      %dma_start3A_451 = arith.constant 0 : i32
      %dma_start3A_452 = arith.constant 0 : i32
      %dma_start3A_453 = tpu.memref_slice %arg11[%dma_start3A_451, %dma_start3A_452] : memref<10240x128xf32, #tpu.memory_space<vmem_shared>> -> memref<10240x128xf32, #tpu.memory_space<vmem_shared>>
      tpu.enqueue_indirect_dma source(%arg10 : memref<128x128xf32, #tpu.memory_space<vmem>>) target(%dma_start3A_453 : memref<10240x128xf32, #tpu.memory_space<vmem_shared>>) offsets(%dma_start3A_450 : memref<128xi32, #tpu.memory_space<vmem>>) semaphore(%arg19 : memref<!tpu.dma_semaphore, #tpu.memory_space<semaphore_mem>>) {add = true}
      %dma_wait3A_454 = arith.constant 1 : i32
      %dma_wait3A_455 = arith.constant 0 : i32
      %dma_wait3A_456 = tpu.memref_slice %arg5[%dma_wait3A_454, %dma_wait3A_455] : memref<2x128xi32, #tpu.memory_space<vmem>> -> memref<1x128xi32, #tpu.memory_space<vmem>>
      %dma_wait3A_457 = tpu.memref_squeeze %dma_wait3A_456 : memref<1x128xi32, #tpu.memory_space<vmem>> -> memref<128xi32, #tpu.memory_space<vmem>>
      %dma_wait3A_458 = arith.constant 0 : i32
      %dma_wait3A_459 = arith.constant 0 : i32
      %dma_wait3A_460 = tpu.memref_slice %arg11[%dma_wait3A_458, %dma_wait3A_459] : memref<10240x128xf32, #tpu.memory_space<vmem_shared>> -> memref<10240x128xf32, #tpu.memory_space<vmem_shared>>
      tpu.wait_indirect_dma semaphore(%arg18 : memref<!tpu.dma_semaphore, #tpu.memory_space<semaphore_mem>>) src(%arg9 : memref<128x128xf32, #tpu.memory_space<vmem>>) dst(%dma_wait3A_460 : memref<10240x128xf32, #tpu.memory_space<vmem_shared>>)
      %dma_wait3A_461 = arith.constant 1 : i32
      %dma_wait3A_462 = arith.constant 0 : i32
      %dma_wait3A_463 = tpu.memref_slice %arg5[%dma_wait3A_461, %dma_wait3A_462] : memref<2x128xi32, #tpu.memory_space<vmem>> -> memref<1x128xi32, #tpu.memory_space<vmem>>
      %dma_wait3A_464 = tpu.memref_squeeze %dma_wait3A_463 : memref<1x128xi32, #tpu.memory_space<vmem>> -> memref<128xi32, #tpu.memory_space<vmem>>
      %dma_wait3A_465 = arith.constant 0 : i32
      %dma_wait3A_466 = arith.constant 0 : i32
      %dma_wait3A_467 = tpu.memref_slice %arg11[%dma_wait3A_465, %dma_wait3A_466] : memref<10240x128xf32, #tpu.memory_space<vmem_shared>> -> memref<10240x128xf32, #tpu.memory_space<vmem_shared>>
      tpu.wait_indirect_dma semaphore(%arg19 : memref<!tpu.dma_semaphore, #tpu.memory_space<semaphore_mem>>) src(%arg10 : memref<128x128xf32, #tpu.memory_space<vmem>>) dst(%dma_wait3A_467 : memref<10240x128xf32, #tpu.memory_space<vmem_shared>>)
    } else {
    }
    %barrier3A_32 = arith.constant 0 : index
    tpu.barrier barrier_id(%barrier3A_32)
    %mul3A_33 = arith.constant 640 : i32
    %mul3A_34 = arith.muli %arg1, %mul3A_33 : i32
    %add3A_35 = arith.constant 0 : i32
    %add3A_36 = arith.addi %mul3A_34, %add3A_35 : i32
    %mul3A_37 = arith.constant 640 : i32
    %mul3A_38 = arith.muli %arg1, %mul3A_37 : i32
    %add3A_39 = arith.constant 0 : i32
    %add3A_40 = arith.addi %mul3A_38, %add3A_39 : i32
    "tpu.region"() ({
      %run_scoped3A = tpu.sem_alloc : memref<!tpu.dma_semaphore, #tpu.memory_space<semaphore_mem>>
      %dma_start3A = arith.constant 0 : i32
      %dma_start3A_73 = tpu.memref_slice %arg4[%arg0, %add3A_40, %dma_start3A] : memref<2x10240x128xf32, #tpu.memory_space<hbm>> -> memref<1x128x128xf32, #tpu.memory_space<hbm>>
      %dma_start3A_74 = tpu.memref_squeeze %dma_start3A_73 : memref<1x128x128xf32, #tpu.memory_space<hbm>> -> memref<128x128xf32, #tpu.memory_space<hbm>>
      %dma_start3A_75 = arith.constant 0 : i32
      %dma_start3A_76 = tpu.memref_slice %arg11[%add3A_36, %dma_start3A_75] : memref<10240x128xf32, #tpu.memory_space<vmem_shared>> -> memref<128x128xf32, #tpu.memory_space<vmem_shared>>
      tpu.enqueue_dma source(%dma_start3A_76 : memref<128x128xf32, #tpu.memory_space<vmem_shared>>) target(%dma_start3A_74 : memref<128x128xf32, #tpu.memory_space<hbm>>) target_semaphore(%run_scoped3A : memref<!tpu.dma_semaphore, #tpu.memory_space<semaphore_mem>>)
      %dma_wait3A = arith.constant 0 : i32
      %dma_wait3A_77 = tpu.memref_slice %arg4[%arg0, %add3A_40, %dma_wait3A] : memref<2x10240x128xf32, #tpu.memory_space<hbm>> -> memref<1x128x128xf32, #tpu.memory_space<hbm>>
      %dma_wait3A_78 = tpu.memref_squeeze %dma_wait3A_77 : memref<1x128x128xf32, #tpu.memory_space<hbm>> -> memref<128x128xf32, #tpu.memory_space<hbm>>
      %dma_wait3A_79 = arith.constant 0 : i32
      %dma_wait3A_80 = tpu.memref_slice %arg11[%add3A_36, %dma_wait3A_79] : memref<10240x128xf32, #tpu.memory_space<vmem_shared>> -> memref<128x128xf32, #tpu.memory_space<vmem_shared>>
      tpu.wait_dma2 semaphore(%run_scoped3A : memref<!tpu.dma_semaphore, #tpu.memory_space<semaphore_mem>>) src(%dma_wait3A_80 : memref<128x128xf32, #tpu.memory_space<vmem_shared>>) dst(%dma_wait3A_78 : memref<128x128xf32, #tpu.memory_space<hbm>>)
      tpu.yield
    }) : () -> ()
    %mul3A_41 = arith.constant 640 : i32
    %mul3A_42 = arith.muli %arg1, %mul3A_41 : i32
    %add3A_43 = arith.constant 128 : i32
    %add3A_44 = arith.addi %mul3A_42, %add3A_43 : i32
    %mul3A_45 = arith.constant 640 : i32
    %mul3A_46 = arith.muli %arg1, %mul3A_45 : i32
    %add3A_47 = arith.constant 128 : i32
    %add3A_48 = arith.addi %mul3A_46, %add3A_47 : i32
    "tpu.region"() ({
      %run_scoped3A = tpu.sem_alloc : memref<!tpu.dma_semaphore, #tpu.memory_space<semaphore_mem>>
      %dma_start3A = arith.constant 0 : i32
      %dma_start3A_73 = tpu.memref_slice %arg4[%arg0, %add3A_48, %dma_start3A] : memref<2x10240x128xf32, #tpu.memory_space<hbm>> -> memref<1x128x128xf32, #tpu.memory_space<hbm>>
      %dma_start3A_74 = tpu.memref_squeeze %dma_start3A_73 : memref<1x128x128xf32, #tpu.memory_space<hbm>> -> memref<128x128xf32, #tpu.memory_space<hbm>>
      %dma_start3A_75 = arith.constant 0 : i32
      %dma_start3A_76 = tpu.memref_slice %arg11[%add3A_44, %dma_start3A_75] : memref<10240x128xf32, #tpu.memory_space<vmem_shared>> -> memref<128x128xf32, #tpu.memory_space<vmem_shared>>
      tpu.enqueue_dma source(%dma_start3A_76 : memref<128x128xf32, #tpu.memory_space<vmem_shared>>) target(%dma_start3A_74 : memref<128x128xf32, #tpu.memory_space<hbm>>) target_semaphore(%run_scoped3A : memref<!tpu.dma_semaphore, #tpu.memory_space<semaphore_mem>>)
      %dma_wait3A = arith.constant 0 : i32
      %dma_wait3A_77 = tpu.memref_slice %arg4[%arg0, %add3A_48, %dma_wait3A] : memref<2x10240x128xf32, #tpu.memory_space<hbm>> -> memref<1x128x128xf32, #tpu.memory_space<hbm>>
      %dma_wait3A_78 = tpu.memref_squeeze %dma_wait3A_77 : memref<1x128x128xf32, #tpu.memory_space<hbm>> -> memref<128x128xf32, #tpu.memory_space<hbm>>
      %dma_wait3A_79 = arith.constant 0 : i32
      %dma_wait3A_80 = tpu.memref_slice %arg11[%add3A_44, %dma_wait3A_79] : memref<10240x128xf32, #tpu.memory_space<vmem_shared>> -> memref<128x128xf32, #tpu.memory_space<vmem_shared>>
      tpu.wait_dma2 semaphore(%run_scoped3A : memref<!tpu.dma_semaphore, #tpu.memory_space<semaphore_mem>>) src(%dma_wait3A_80 : memref<128x128xf32, #tpu.memory_space<vmem_shared>>) dst(%dma_wait3A_78 : memref<128x128xf32, #tpu.memory_space<hbm>>)
      tpu.yield
    }) : () -> ()
    %mul3A_49 = arith.constant 640 : i32
    %mul3A_50 = arith.muli %arg1, %mul3A_49 : i32
    %add3A_51 = arith.constant 256 : i32
    %add3A_52 = arith.addi %mul3A_50, %add3A_51 : i32
    %mul3A_53 = arith.constant 640 : i32
    %mul3A_54 = arith.muli %arg1, %mul3A_53 : i32
    %add3A_55 = arith.constant 256 : i32
    %add3A_56 = arith.addi %mul3A_54, %add3A_55 : i32
    "tpu.region"() ({
      %run_scoped3A = tpu.sem_alloc : memref<!tpu.dma_semaphore, #tpu.memory_space<semaphore_mem>>
      %dma_start3A = arith.constant 0 : i32
      %dma_start3A_73 = tpu.memref_slice %arg4[%arg0, %add3A_56, %dma_start3A] : memref<2x10240x128xf32, #tpu.memory_space<hbm>> -> memref<1x128x128xf32, #tpu.memory_space<hbm>>
      %dma_start3A_74 = tpu.memref_squeeze %dma_start3A_73 : memref<1x128x128xf32, #tpu.memory_space<hbm>> -> memref<128x128xf32, #tpu.memory_space<hbm>>
      %dma_start3A_75 = arith.constant 0 : i32
      %dma_start3A_76 = tpu.memref_slice %arg11[%add3A_52, %dma_start3A_75] : memref<10240x128xf32, #tpu.memory_space<vmem_shared>> -> memref<128x128xf32, #tpu.memory_space<vmem_shared>>
      tpu.enqueue_dma source(%dma_start3A_76 : memref<128x128xf32, #tpu.memory_space<vmem_shared>>) target(%dma_start3A_74 : memref<128x128xf32, #tpu.memory_space<hbm>>) target_semaphore(%run_scoped3A : memref<!tpu.dma_semaphore, #tpu.memory_space<semaphore_mem>>)
      %dma_wait3A = arith.constant 0 : i32
      %dma_wait3A_77 = tpu.memref_slice %arg4[%arg0, %add3A_56, %dma_wait3A] : memref<2x10240x128xf32, #tpu.memory_space<hbm>> -> memref<1x128x128xf32, #tpu.memory_space<hbm>>
      %dma_wait3A_78 = tpu.memref_squeeze %dma_wait3A_77 : memref<1x128x128xf32, #tpu.memory_space<hbm>> -> memref<128x128xf32, #tpu.memory_space<hbm>>
      %dma_wait3A_79 = arith.constant 0 : i32
      %dma_wait3A_80 = tpu.memref_slice %arg11[%add3A_52, %dma_wait3A_79] : memref<10240x128xf32, #tpu.memory_space<vmem_shared>> -> memref<128x128xf32, #tpu.memory_space<vmem_shared>>
      tpu.wait_dma2 semaphore(%run_scoped3A : memref<!tpu.dma_semaphore, #tpu.memory_space<semaphore_mem>>) src(%dma_wait3A_80 : memref<128x128xf32, #tpu.memory_space<vmem_shared>>) dst(%dma_wait3A_78 : memref<128x128xf32, #tpu.memory_space<hbm>>)
      tpu.yield
    }) : () -> ()
    %mul3A_57 = arith.constant 640 : i32
    %mul3A_58 = arith.muli %arg1, %mul3A_57 : i32
    %add3A_59 = arith.constant 384 : i32
    %add3A_60 = arith.addi %mul3A_58, %add3A_59 : i32
    %mul3A_61 = arith.constant 640 : i32
    %mul3A_62 = arith.muli %arg1, %mul3A_61 : i32
    %add3A_63 = arith.constant 384 : i32
    %add3A_64 = arith.addi %mul3A_62, %add3A_63 : i32
    "tpu.region"() ({
      %run_scoped3A = tpu.sem_alloc : memref<!tpu.dma_semaphore, #tpu.memory_space<semaphore_mem>>
      %dma_start3A = arith.constant 0 : i32
      %dma_start3A_73 = tpu.memref_slice %arg4[%arg0, %add3A_64, %dma_start3A] : memref<2x10240x128xf32, #tpu.memory_space<hbm>> -> memref<1x128x128xf32, #tpu.memory_space<hbm>>
      %dma_start3A_74 = tpu.memref_squeeze %dma_start3A_73 : memref<1x128x128xf32, #tpu.memory_space<hbm>> -> memref<128x128xf32, #tpu.memory_space<hbm>>
      %dma_start3A_75 = arith.constant 0 : i32
      %dma_start3A_76 = tpu.memref_slice %arg11[%add3A_60, %dma_start3A_75] : memref<10240x128xf32, #tpu.memory_space<vmem_shared>> -> memref<128x128xf32, #tpu.memory_space<vmem_shared>>
      tpu.enqueue_dma source(%dma_start3A_76 : memref<128x128xf32, #tpu.memory_space<vmem_shared>>) target(%dma_start3A_74 : memref<128x128xf32, #tpu.memory_space<hbm>>) target_semaphore(%run_scoped3A : memref<!tpu.dma_semaphore, #tpu.memory_space<semaphore_mem>>)
      %dma_wait3A = arith.constant 0 : i32
      %dma_wait3A_77 = tpu.memref_slice %arg4[%arg0, %add3A_64, %dma_wait3A] : memref<2x10240x128xf32, #tpu.memory_space<hbm>> -> memref<1x128x128xf32, #tpu.memory_space<hbm>>
      %dma_wait3A_78 = tpu.memref_squeeze %dma_wait3A_77 : memref<1x128x128xf32, #tpu.memory_space<hbm>> -> memref<128x128xf32, #tpu.memory_space<hbm>>
      %dma_wait3A_79 = arith.constant 0 : i32
      %dma_wait3A_80 = tpu.memref_slice %arg11[%add3A_60, %dma_wait3A_79] : memref<10240x128xf32, #tpu.memory_space<vmem_shared>> -> memref<128x128xf32, #tpu.memory_space<vmem_shared>>
      tpu.wait_dma2 semaphore(%run_scoped3A : memref<!tpu.dma_semaphore, #tpu.memory_space<semaphore_mem>>) src(%dma_wait3A_80 : memref<128x128xf32, #tpu.memory_space<vmem_shared>>) dst(%dma_wait3A_78 : memref<128x128xf32, #tpu.memory_space<hbm>>)
      tpu.yield
    }) : () -> ()
    %mul3A_65 = arith.constant 640 : i32
    %mul3A_66 = arith.muli %arg1, %mul3A_65 : i32
    %add3A_67 = arith.constant 512 : i32
    %add3A_68 = arith.addi %mul3A_66, %add3A_67 : i32
    %mul3A_69 = arith.constant 640 : i32
    %mul3A_70 = arith.muli %arg1, %mul3A_69 : i32
    %add3A_71 = arith.constant 512 : i32
    %add3A_72 = arith.addi %mul3A_70, %add3A_71 : i32
    "tpu.region"() ({
      %run_scoped3A = tpu.sem_alloc : memref<!tpu.dma_semaphore, #tpu.memory_space<semaphore_mem>>
      %dma_start3A = arith.constant 0 : i32
      %dma_start3A_73 = tpu.memref_slice %arg4[%arg0, %add3A_72, %dma_start3A] : memref<2x10240x128xf32, #tpu.memory_space<hbm>> -> memref<1x128x128xf32, #tpu.memory_space<hbm>>
      %dma_start3A_74 = tpu.memref_squeeze %dma_start3A_73 : memref<1x128x128xf32, #tpu.memory_space<hbm>> -> memref<128x128xf32, #tpu.memory_space<hbm>>
      %dma_start3A_75 = arith.constant 0 : i32
      %dma_start3A_76 = tpu.memref_slice %arg11[%add3A_68, %dma_start3A_75] : memref<10240x128xf32, #tpu.memory_space<vmem_shared>> -> memref<128x128xf32, #tpu.memory_space<vmem_shared>>
      tpu.enqueue_dma source(%dma_start3A_76 : memref<128x128xf32, #tpu.memory_space<vmem_shared>>) target(%dma_start3A_74 : memref<128x128xf32, #tpu.memory_space<hbm>>) target_semaphore(%run_scoped3A : memref<!tpu.dma_semaphore, #tpu.memory_space<semaphore_mem>>)
      %dma_wait3A = arith.constant 0 : i32
      %dma_wait3A_77 = tpu.memref_slice %arg4[%arg0, %add3A_72, %dma_wait3A] : memref<2x10240x128xf32, #tpu.memory_space<hbm>> -> memref<1x128x128xf32, #tpu.memory_space<hbm>>
      %dma_wait3A_78 = tpu.memref_squeeze %dma_wait3A_77 : memref<1x128x128xf32, #tpu.memory_space<hbm>> -> memref<128x128xf32, #tpu.memory_space<hbm>>
      %dma_wait3A_79 = arith.constant 0 : i32
      %dma_wait3A_80 = tpu.memref_slice %arg11[%add3A_68, %dma_wait3A_79] : memref<10240x128xf32, #tpu.memory_space<vmem_shared>> -> memref<128x128xf32, #tpu.memory_space<vmem_shared>>
      tpu.wait_dma2 semaphore(%run_scoped3A : memref<!tpu.dma_semaphore, #tpu.memory_space<semaphore_mem>>) src(%dma_wait3A_80 : memref<128x128xf32, #tpu.memory_space<vmem_shared>>) dst(%dma_wait3A_78 : memref<128x128xf32, #tpu.memory_space<hbm>>)
      tpu.yield
    }) : () -> ()
    return
  }
}

#map = affine_map<(d0, d1) -> (0, 0, 0)>
#map1 = affine_map<(d0, d1) -> (0, 0)>
module attributes {stable_mosaic.version = 14 : i64} {
  func.func @_deg_kernel(%arg0: i32, %arg1: i32, %arg2: memref<32x80x128xi32, #tpu.memory_space<hbm>>, %arg3: memref<2x10240xf32, #tpu.memory_space<hbm>>, %arg4: memref<80x128xi32, #tpu.memory_space<vmem>>, %arg5: memref<128xf32, #tpu.memory_space<vmem>>, %arg6: memref<640xf32, #tpu.memory_space<vmem>>, %arg7: memref<10240xf32, #tpu.memory_space<vmem_shared>>) attributes {dimension_semantics = [#tpu.dimension_semantics<core_parallel>, #tpu.dimension_semantics<subcore_parallel>], iteration_bounds = array<i64: 2, 16>, scalar_prefetch = 0 : i64, scratch_operands = 4 : i64, tpu.core_type = #tpu.core_type<sc_vector_subcore>, window_params = [{transform_indices = #map}, {transform_indices = #map1}]} {
    %mul3A = arith.constant 16 : i32
    %mul3A_0 = arith.muli %arg0, %mul3A : i32
    %add3A = arith.addi %mul3A_0, %arg1 : i32
    %broadcast_in_dim3A = arith.constant 1.000000e+00 : f32
    %broadcast_in_dim3A_1 = vector.broadcast %broadcast_in_dim3A : f32 to vector<16xf32>
    %broadcast_in_dim3A_2 = arith.constant 0.000000e+00 : f32
    %broadcast_in_dim3A_3 = vector.broadcast %broadcast_in_dim3A_2 : f32 to vector<16xf32>
    %swap3A = arith.constant 0 : index
    %swap3A_4 = tpu.vector_load %arg5[%swap3A] {strides = array<i32>} : memref<128xf32, #tpu.memory_space<vmem>>, vector<16xf32>,
    %swap3A_5 = vector.shape_cast %swap3A_4 : vector<16xf32> to vector<16xf32>
    %swap3A_6 = vector.shape_cast %broadcast_in_dim3A_1 : vector<16xf32> to vector<16xf32>
    tpu.vector_store %arg5[%swap3A], %swap3A_6 {strides = array<i32>} : memref<128xf32, #tpu.memory_space<vmem>>, vector<16xf32>,
    %swap3A_7 = arith.constant 16 : index
    %swap3A_8 = tpu.vector_load %arg5[%swap3A_7] {strides = array<i32>} : memref<128xf32, #tpu.memory_space<vmem>>, vector<16xf32>,
    %swap3A_9 = vector.shape_cast %swap3A_8 : vector<16xf32> to vector<16xf32>
    %swap3A_10 = vector.shape_cast %broadcast_in_dim3A_1 : vector<16xf32> to vector<16xf32>
    tpu.vector_store %arg5[%swap3A_7], %swap3A_10 {strides = array<i32>} : memref<128xf32, #tpu.memory_space<vmem>>, vector<16xf32>,
    %swap3A_11 = arith.constant 32 : index
    %swap3A_12 = tpu.vector_load %arg5[%swap3A_11] {strides = array<i32>} : memref<128xf32, #tpu.memory_space<vmem>>, vector<16xf32>,
    %swap3A_13 = vector.shape_cast %swap3A_12 : vector<16xf32> to vector<16xf32>
    %swap3A_14 = vector.shape_cast %broadcast_in_dim3A_1 : vector<16xf32> to vector<16xf32>
    tpu.vector_store %arg5[%swap3A_11], %swap3A_14 {strides = array<i32>} : memref<128xf32, #tpu.memory_space<vmem>>, vector<16xf32>,
    %swap3A_15 = arith.constant 48 : index
    %swap3A_16 = tpu.vector_load %arg5[%swap3A_15] {strides = array<i32>} : memref<128xf32, #tpu.memory_space<vmem>>, vector<16xf32>,
    %swap3A_17 = vector.shape_cast %swap3A_16 : vector<16xf32> to vector<16xf32>
    %swap3A_18 = vector.shape_cast %broadcast_in_dim3A_1 : vector<16xf32> to vector<16xf32>
    tpu.vector_store %arg5[%swap3A_15], %swap3A_18 {strides = array<i32>} : memref<128xf32, #tpu.memory_space<vmem>>, vector<16xf32>,
    %swap3A_19 = arith.constant 64 : index
    %swap3A_20 = tpu.vector_load %arg5[%swap3A_19] {strides = array<i32>} : memref<128xf32, #tpu.memory_space<vmem>>, vector<16xf32>,
    %swap3A_21 = vector.shape_cast %swap3A_20 : vector<16xf32> to vector<16xf32>
    %swap3A_22 = vector.shape_cast %broadcast_in_dim3A_1 : vector<16xf32> to vector<16xf32>
    tpu.vector_store %arg5[%swap3A_19], %swap3A_22 {strides = array<i32>} : memref<128xf32, #tpu.memory_space<vmem>>, vector<16xf32>,
    %swap3A_23 = arith.constant 80 : index
    %swap3A_24 = tpu.vector_load %arg5[%swap3A_23] {strides = array<i32>} : memref<128xf32, #tpu.memory_space<vmem>>, vector<16xf32>,
    %swap3A_25 = vector.shape_cast %swap3A_24 : vector<16xf32> to vector<16xf32>
    %swap3A_26 = vector.shape_cast %broadcast_in_dim3A_1 : vector<16xf32> to vector<16xf32>
    tpu.vector_store %arg5[%swap3A_23], %swap3A_26 {strides = array<i32>} : memref<128xf32, #tpu.memory_space<vmem>>, vector<16xf32>,
    %swap3A_27 = arith.constant 96 : index
    %swap3A_28 = tpu.vector_load %arg5[%swap3A_27] {strides = array<i32>} : memref<128xf32, #tpu.memory_space<vmem>>, vector<16xf32>,
    %swap3A_29 = vector.shape_cast %swap3A_28 : vector<16xf32> to vector<16xf32>
    %swap3A_30 = vector.shape_cast %broadcast_in_dim3A_1 : vector<16xf32> to vector<16xf32>
    tpu.vector_store %arg5[%swap3A_27], %swap3A_30 {strides = array<i32>} : memref<128xf32, #tpu.memory_space<vmem>>, vector<16xf32>,
    %swap3A_31 = arith.constant 112 : index
    %swap3A_32 = tpu.vector_load %arg5[%swap3A_31] {strides = array<i32>} : memref<128xf32, #tpu.memory_space<vmem>>, vector<16xf32>,
    %swap3A_33 = vector.shape_cast %swap3A_32 : vector<16xf32> to vector<16xf32>
    %swap3A_34 = vector.shape_cast %broadcast_in_dim3A_1 : vector<16xf32> to vector<16xf32>
    tpu.vector_store %arg5[%swap3A_31], %swap3A_34 {strides = array<i32>} : memref<128xf32, #tpu.memory_space<vmem>>, vector<16xf32>,
    %scan3A = arith.constant 0 : i32
    %scan3A_35 = arith.constant 0 : i32
    %scan3A_36 = arith.constant 40 : i32
    %scan3A_37 = arith.addi %scan3A_35, %scan3A_36 : i32
    %scan3A_38 = arith.constant 1 : i32
    %scan3A_39 = scf.for %scan3A_55 = %scan3A_35 to %scan3A_37 step %scan3A_38 iter_args(%scan3A_56 = %scan3A) -> (i32)  : i32 {
      %mul3A_57 = arith.constant 16 : i32
      %mul3A_58 = arith.muli %scan3A_55, %mul3A_57 : i32
      %swap3A_59 = arith.index_cast %mul3A_58 : i32 to index
      %swap3A_60 = tpu.vector_load %arg6[%swap3A_59] {strides = array<i32>} : memref<640xf32, #tpu.memory_space<vmem>>, vector<16xf32>,
      %swap3A_61 = vector.shape_cast %swap3A_60 : vector<16xf32> to vector<16xf32>
      %swap3A_62 = vector.shape_cast %broadcast_in_dim3A_3 : vector<16xf32> to vector<16xf32>
      tpu.vector_store %arg6[%swap3A_59], %swap3A_62 {strides = array<i32>} : memref<640xf32, #tpu.memory_space<vmem>>, vector<16xf32>,
      %scan3A_63 = arith.constant 0 : i32
      scf.yield %scan3A_63 : i32
    }
    %scan3A_40 = arith.constant 40 : i32
    %mul3A_41 = arith.constant 640 : i32
    %mul3A_42 = arith.muli %arg1, %mul3A_41 : i32
    "tpu.region"() ({
      %run_scoped3A = tpu.sem_alloc : memref<!tpu.dma_semaphore, #tpu.memory_space<semaphore_mem>>
      %dma_start3A = tpu.memref_slice %arg7[%mul3A_42] : memref<10240xf32, #tpu.memory_space<vmem_shared>> -> memref<640xf32, #tpu.memory_space<vmem_shared>>
      %dma_start3A_55 = tpu.memref_slice %arg7[%mul3A_42] : memref<10240xf32, #tpu.memory_space<vmem_shared>> -> memref<640xf32, #tpu.memory_space<vmem_shared>>
      tpu.enqueue_dma source(%arg6 : memref<640xf32, #tpu.memory_space<vmem>>) target(%dma_start3A_55 : memref<640xf32, #tpu.memory_space<vmem_shared>>) target_semaphore(%run_scoped3A : memref<!tpu.dma_semaphore, #tpu.memory_space<semaphore_mem>>)
      %dma_wait3A = tpu.memref_slice %arg7[%mul3A_42] : memref<10240xf32, #tpu.memory_space<vmem_shared>> -> memref<640xf32, #tpu.memory_space<vmem_shared>>
      %dma_wait3A_56 = tpu.memref_slice %arg7[%mul3A_42] : memref<10240xf32, #tpu.memory_space<vmem_shared>> -> memref<640xf32, #tpu.memory_space<vmem_shared>>
      tpu.wait_dma2 semaphore(%run_scoped3A : memref<!tpu.dma_semaphore, #tpu.memory_space<semaphore_mem>>) src(%arg6 : memref<640xf32, #tpu.memory_space<vmem>>) dst(%dma_wait3A_56 : memref<640xf32, #tpu.memory_space<vmem_shared>>)
      tpu.yield
    }) : () -> ()
    "tpu.region"() ({
      %run_scoped3A = tpu.sem_alloc : memref<!tpu.dma_semaphore, #tpu.memory_space<semaphore_mem>>
      %dma_start3A = arith.constant 0 : i32
      %dma_start3A_55 = arith.constant 0 : i32
      %dma_start3A_56 = tpu.memref_slice %arg2[%add3A, %dma_start3A, %dma_start3A_55] : memref<32x80x128xi32, #tpu.memory_space<hbm>> -> memref<1x80x128xi32, #tpu.memory_space<hbm>>
      %dma_start3A_57 = tpu.memref_squeeze %dma_start3A_56 : memref<1x80x128xi32, #tpu.memory_space<hbm>> -> memref<80x128xi32, #tpu.memory_space<hbm>>
      %dma_start3A_58 = arith.constant 0 : i32
      %dma_start3A_59 = arith.constant 0 : i32
      %dma_start3A_60 = tpu.memref_slice %arg2[%add3A, %dma_start3A_58, %dma_start3A_59] : memref<32x80x128xi32, #tpu.memory_space<hbm>> -> memref<1x80x128xi32, #tpu.memory_space<hbm>>
      %dma_start3A_61 = tpu.memref_squeeze %dma_start3A_60 : memref<1x80x128xi32, #tpu.memory_space<hbm>> -> memref<80x128xi32, #tpu.memory_space<hbm>>
      tpu.enqueue_dma source(%dma_start3A_61 : memref<80x128xi32, #tpu.memory_space<hbm>>) target(%arg4 : memref<80x128xi32, #tpu.memory_space<vmem>>) target_semaphore(%run_scoped3A : memref<!tpu.dma_semaphore, #tpu.memory_space<semaphore_mem>>)
      %dma_wait3A = arith.constant 0 : i32
      %dma_wait3A_62 = arith.constant 0 : i32
      %dma_wait3A_63 = tpu.memref_slice %arg2[%add3A, %dma_wait3A, %dma_wait3A_62] : memref<32x80x128xi32, #tpu.memory_space<hbm>> -> memref<1x80x128xi32, #tpu.memory_space<hbm>>
      %dma_wait3A_64 = tpu.memref_squeeze %dma_wait3A_63 : memref<1x80x128xi32, #tpu.memory_space<hbm>> -> memref<80x128xi32, #tpu.memory_space<hbm>>
      %dma_wait3A_65 = arith.constant 0 : i32
      %dma_wait3A_66 = arith.constant 0 : i32
      %dma_wait3A_67 = tpu.memref_slice %arg2[%add3A, %dma_wait3A_65, %dma_wait3A_66] : memref<32x80x128xi32, #tpu.memory_space<hbm>> -> memref<1x80x128xi32, #tpu.memory_space<hbm>>
      %dma_wait3A_68 = tpu.memref_squeeze %dma_wait3A_67 : memref<1x80x128xi32, #tpu.memory_space<hbm>> -> memref<80x128xi32, #tpu.memory_space<hbm>>
      tpu.wait_dma2 semaphore(%run_scoped3A : memref<!tpu.dma_semaphore, #tpu.memory_space<semaphore_mem>>) src(%dma_wait3A_68 : memref<80x128xi32, #tpu.memory_space<hbm>>) dst(%arg4 : memref<80x128xi32, #tpu.memory_space<vmem>>)
      tpu.yield
    }) : () -> ()
    %barrier3A = arith.constant 0 : index
    tpu.barrier barrier_id(%barrier3A)
    %scan3A_43 = arith.constant 0 : i32
    %scan3A_44 = arith.constant 0 : i32
    %scan3A_45 = arith.constant 80 : i32
    %scan3A_46 = arith.addi %scan3A_44, %scan3A_45 : i32
    %scan3A_47 = arith.constant 1 : i32
    %scan3A_48 = scf.for %scan3A_55 = %scan3A_44 to %scan3A_46 step %scan3A_47 iter_args(%scan3A_56 = %scan3A_43) -> (i32)  : i32 {
      "tpu.region"() ({
        %run_scoped3A = tpu.sem_alloc : memref<!tpu.dma_semaphore, #tpu.memory_space<semaphore_mem>>
        %dma_start3A = arith.constant 0 : i32
        %dma_start3A_58 = tpu.memref_slice %arg4[%scan3A_55, %dma_start3A] : memref<80x128xi32, #tpu.memory_space<vmem>> -> memref<1x128xi32, #tpu.memory_space<vmem>>
        %dma_start3A_59 = tpu.memref_squeeze %dma_start3A_58 : memref<1x128xi32, #tpu.memory_space<vmem>> -> memref<128xi32, #tpu.memory_space<vmem>>
        %dma_start3A_60 = arith.constant 0 : i32
        %dma_start3A_61 = tpu.memref_slice %arg7[%dma_start3A_60] : memref<10240xf32, #tpu.memory_space<vmem_shared>> -> memref<10240xf32, #tpu.memory_space<vmem_shared>>
        tpu.enqueue_indirect_dma source(%arg5 : memref<128xf32, #tpu.memory_space<vmem>>) target(%dma_start3A_61 : memref<10240xf32, #tpu.memory_space<vmem_shared>>) offsets(%dma_start3A_59 : memref<128xi32, #tpu.memory_space<vmem>>) semaphore(%run_scoped3A : memref<!tpu.dma_semaphore, #tpu.memory_space<semaphore_mem>>) {add = true}
        %dma_wait3A = arith.constant 0 : i32
        %dma_wait3A_62 = tpu.memref_slice %arg4[%scan3A_55, %dma_wait3A] : memref<80x128xi32, #tpu.memory_space<vmem>> -> memref<1x128xi32, #tpu.memory_space<vmem>>
        %dma_wait3A_63 = tpu.memref_squeeze %dma_wait3A_62 : memref<1x128xi32, #tpu.memory_space<vmem>> -> memref<128xi32, #tpu.memory_space<vmem>>
        %dma_wait3A_64 = arith.constant 0 : i32
        %dma_wait3A_65 = tpu.memref_slice %arg7[%dma_wait3A_64] : memref<10240xf32, #tpu.memory_space<vmem_shared>> -> memref<10240xf32, #tpu.memory_space<vmem_shared>>
        tpu.wait_indirect_dma semaphore(%run_scoped3A : memref<!tpu.dma_semaphore, #tpu.memory_space<semaphore_mem>>) src(%arg5 : memref<128xf32, #tpu.memory_space<vmem>>) dst(%dma_wait3A_65 : memref<10240xf32, #tpu.memory_space<vmem_shared>>)
        tpu.yield
      }) : () -> ()
      %scan3A_57 = arith.constant 0 : i32
      scf.yield %scan3A_57 : i32
    }
    %scan3A_49 = arith.constant 80 : i32
    %barrier3A_50 = arith.constant 0 : index
    tpu.barrier barrier_id(%barrier3A_50)
    %mul3A_51 = arith.constant 640 : i32
    %mul3A_52 = arith.muli %arg1, %mul3A_51 : i32
    %mul3A_53 = arith.constant 640 : i32
    %mul3A_54 = arith.muli %arg1, %mul3A_53 : i32
    "tpu.region"() ({
      %run_scoped3A = tpu.sem_alloc : memref<!tpu.dma_semaphore, #tpu.memory_space<semaphore_mem>>
      %dma_start3A = tpu.memref_slice %arg3[%arg0, %mul3A_54] : memref<2x10240xf32, #tpu.memory_space<hbm>> -> memref<1x640xf32, #tpu.memory_space<hbm>>
      %dma_start3A_55 = tpu.memref_squeeze %dma_start3A : memref<1x640xf32, #tpu.memory_space<hbm>> -> memref<640xf32, #tpu.memory_space<hbm>>
      %dma_start3A_56 = tpu.memref_slice %arg7[%mul3A_52] : memref<10240xf32, #tpu.memory_space<vmem_shared>> -> memref<640xf32, #tpu.memory_space<vmem_shared>>
      tpu.enqueue_dma source(%dma_start3A_56 : memref<640xf32, #tpu.memory_space<vmem_shared>>) target(%dma_start3A_55 : memref<640xf32, #tpu.memory_space<hbm>>) target_semaphore(%run_scoped3A : memref<!tpu.dma_semaphore, #tpu.memory_space<semaphore_mem>>)
      %dma_wait3A = tpu.memref_slice %arg3[%arg0, %mul3A_54] : memref<2x10240xf32, #tpu.memory_space<hbm>> -> memref<1x640xf32, #tpu.memory_space<hbm>>
      %dma_wait3A_57 = tpu.memref_squeeze %dma_wait3A : memref<1x640xf32, #tpu.memory_space<hbm>> -> memref<640xf32, #tpu.memory_space<hbm>>
      %dma_wait3A_58 = tpu.memref_slice %arg7[%mul3A_52] : memref<10240xf32, #tpu.memory_space<vmem_shared>> -> memref<640xf32, #tpu.memory_space<vmem_shared>>
      tpu.wait_dma2 semaphore(%run_scoped3A : memref<!tpu.dma_semaphore, #tpu.memory_space<semaphore_mem>>) src(%dma_wait3A_58 : memref<640xf32, #tpu.memory_space<vmem_shared>>) dst(%dma_wait3A_57 : memref<640xf32, #tpu.memory_space<hbm>>)
      tpu.yield
    }) : () -> ()
    return
  }
}

module attributes {stable_mosaic.version = 14 : i64} {
  func.func @_prescale_body(%arg0: memref<2x10240xf32, #tpu.memory_space<vmem>>, %arg1: memref<10240x128xf32, #tpu.memory_space<vmem>>, %arg2: memref<10240x128xf32, #tpu.memory_space<vmem>>, %arg3: memref<10240x1xf32, #tpu.memory_space<vmem>>) attributes {dimension_semantics = [], scalar_prefetch = 0 : i64, scratch_operands = 0 : i64, tpu.core_type = #tpu.core_type<tc>} {
    %get3A = arith.constant 0 : index
    %get3A_0 = arith.constant 0 : index
    %get3A_1 = vector.load %arg0[%get3A, %get3A_0] : memref<2x10240xf32, #tpu.memory_space<vmem>>, vector<1x10240xf32>
    %get3A_2 = vector.shape_cast %get3A_1 : vector<1x10240xf32> to vector<10240xf32>
    %get3A_3 = arith.constant 1 : index
    %get3A_4 = arith.constant 0 : index
    %get3A_5 = vector.load %arg0[%get3A_3, %get3A_4] : memref<2x10240xf32, #tpu.memory_space<vmem>>, vector<1x10240xf32>
    %get3A_6 = vector.shape_cast %get3A_5 : vector<1x10240xf32> to vector<10240xf32>
    %add3A = arith.addf %get3A_2, %get3A_6 : vector<10240xf32>
    %add3A_7 = arith.constant 1.000000e+00 : f32
    %add3A_8 = vector.broadcast %add3A_7 : f32 to vector<10240xf32>
    %add3A_9 = arith.addf %add3A, %add3A_8 : vector<10240xf32>
    %rsqrt3A = math.rsqrt %add3A_9 : vector<10240xf32>
    %broadcast_in_dim3A = vector.shape_cast %rsqrt3A : vector<10240xf32> to vector<10240x1xf32>
    %swap3A = arith.constant 0 : index
    %swap3A_10 = arith.constant 0 : index
    %swap3A_11 = vector.load %arg3[%swap3A, %swap3A_10] : memref<10240x1xf32, #tpu.memory_space<vmem>>, vector<10240x1xf32>
    tpu.vector_store %arg3[%swap3A, %swap3A_10], %broadcast_in_dim3A {strides = array<i32>} : memref<10240x1xf32, #tpu.memory_space<vmem>>, vector<10240x1xf32>,
    %get3A_12 = arith.constant 0 : index
    %get3A_13 = arith.constant 0 : index
    %get3A_14 = vector.load %arg1[%get3A_12, %get3A_13] : memref<10240x128xf32, #tpu.memory_space<vmem>>, vector<10240x128xf32>
    %mul3A = vector.broadcast %broadcast_in_dim3A : vector<10240x1xf32> to vector<10240x128xf32>
    %mul3A_15 = arith.mulf %get3A_14, %mul3A : vector<10240x128xf32>
    %swap3A_16 = arith.constant 0 : index
    %swap3A_17 = arith.constant 0 : index
    %swap3A_18 = vector.load %arg2[%swap3A_16, %swap3A_17] : memref<10240x128xf32, #tpu.memory_space<vmem>>, vector<10240x128xf32>
    tpu.vector_store %arg2[%swap3A_16, %swap3A_17], %mul3A_15 {strides = array<i32>} : memref<10240x128xf32, #tpu.memory_space<vmem>>, vector<10240x128xf32>,
    return
  }
}

module attributes {stable_mosaic.version = 14 : i64} {
  func.func @_final_body(%arg0: i32, %arg1: memref<2x1000x128xf32, #tpu.memory_space<vmem>>, %arg2: memref<1000x128xf32, #tpu.memory_space<vmem>>, %arg3: memref<1000x1xf32, #tpu.memory_space<vmem>>, %arg4: memref<128x128xf32, #tpu.memory_space<vmem>>, %arg5: memref<1x128xf32, #tpu.memory_space<vmem>>, %arg6: memref<1000x128xf32, #tpu.memory_space<vmem>>) attributes {dimension_semantics = [#tpu.dimension_semantics<arbitrary>], iteration_bounds = array<i64: 10>, scalar_prefetch = 0 : i64, scratch_operands = 0 : i64, tpu.core_type = #tpu.core_type<tc>, window_params = [{transform_indices = @transform_0, window_bounds = array<i64: 2, 1000, 128>}, {transform_indices = @transform_1, window_bounds = array<i64: 1000, 128>}, {transform_indices = @transform_2, window_bounds = array<i64: 1000, 1>}, {pipeline_mode = #tpu.pipeline_mode<synchronous>, transform_indices = @transform_3, window_bounds = array<i64: 128, 128>}, {pipeline_mode = #tpu.pipeline_mode<synchronous>, transform_indices = @transform_4, window_bounds = array<i64: 1, 128>}, {transform_indices = @transform_5, window_bounds = array<i64: 1000, 128>}]} {
    %get3A = arith.constant 0 : index
    %get3A_0 = arith.constant 0 : index
    %get3A_1 = arith.constant 0 : index
    %get3A_2 = vector.load %arg1[%get3A, %get3A_0, %get3A_1] : memref<2x1000x128xf32, #tpu.memory_space<vmem>>, vector<1x1000x128xf32>
    %get3A_3 = vector.shape_cast %get3A_2 : vector<1x1000x128xf32> to vector<1000x128xf32>
    %get3A_4 = arith.constant 1 : index
    %get3A_5 = arith.constant 0 : index
    %get3A_6 = arith.constant 0 : index
    %get3A_7 = vector.load %arg1[%get3A_4, %get3A_5, %get3A_6] : memref<2x1000x128xf32, #tpu.memory_space<vmem>>, vector<1x1000x128xf32>
    %get3A_8 = vector.shape_cast %get3A_7 : vector<1x1000x128xf32> to vector<1000x128xf32>
    %add3A = arith.addf %get3A_3, %get3A_8 : vector<1000x128xf32>
    %get3A_9 = arith.constant 0 : index
    %get3A_10 = arith.constant 0 : index
    %get3A_11 = vector.load %arg2[%get3A_9, %get3A_10] : memref<1000x128xf32, #tpu.memory_space<vmem>>, vector<1000x128xf32>
    %add3A_12 = arith.addf %add3A, %get3A_11 : vector<1000x128xf32>
    %get3A_13 = arith.constant 0 : index
    %get3A_14 = arith.constant 0 : index
    %get3A_15 = vector.load %arg3[%get3A_13, %get3A_14] : memref<1000x1xf32, #tpu.memory_space<vmem>>, vector<1000x1xf32>
    %mul3A = vector.broadcast %get3A_15 : vector<1000x1xf32> to vector<1000x128xf32>
    %mul3A_16 = arith.mulf %add3A_12, %mul3A : vector<1000x128xf32>
    %get3A_17 = arith.constant 0 : index
    %get3A_18 = arith.constant 0 : index
    %get3A_19 = vector.load %arg4[%get3A_17, %get3A_18] : memref<128x128xf32, #tpu.memory_space<vmem>>, vector<128x128xf32>
    %dot_general3A = arith.constant dense<0.000000e+00> : vector<1000x128xf32>
    %dot_general3A_20 = tpu.matmul %mul3A_16, %get3A_19, %dot_general3A {dimension_numbers = #tpu.dot_dimension_numbers<[1], [0], [0], [1], [0, 0, 1, 1], [], []>, transpose_lhs_hint = false} : vector<1000x128xf32>, vector<128x128xf32>, vector<1000x128xf32> -> vector<1000x128xf32>
    %get3A_21 = arith.constant 0 : index
    %get3A_22 = arith.constant 0 : index
    %get3A_23 = vector.load %arg5[%get3A_21, %get3A_22] : memref<1x128xf32, #tpu.memory_space<vmem>>, vector<1x128xf32>
    %add3A_24 = vector.broadcast %get3A_23 : vector<1x128xf32> to vector<1000x128xf32>
    %add3A_25 = arith.addf %dot_general3A_20, %add3A_24 : vector<1000x128xf32>
    %swap3A = arith.constant 0 : index
    %swap3A_26 = arith.constant 0 : index
    %swap3A_27 = vector.load %arg6[%swap3A, %swap3A_26] : memref<1000x128xf32, #tpu.memory_space<vmem>>, vector<1000x128xf32>
    tpu.vector_store %arg6[%swap3A, %swap3A_26], %add3A_25 {strides = array<i32>} : memref<1000x128xf32, #tpu.memory_space<vmem>>, vector<1000x128xf32>,
    return
  }
  func.func @transform_0(%arg0: i32) -> (i32, i32, i32) {
    %c0_i32 = arith.constant 0 : i32
    %c0_i32_0 = arith.constant 0 : i32
    %c0_i32_1 = arith.constant 0 : i32
    return %c0_i32, %arg0, %c0_i32_0 : i32, i32, i32
  }
  func.func @transform_1(%arg0: i32) -> (i32, i32) {
    %c0_i32 = arith.constant 0 : i32
    %c0_i32_0 = arith.constant 0 : i32
    return %arg0, %c0_i32 : i32, i32
  }
  func.func @transform_2(%arg0: i32) -> (i32, i32) {
    %c0_i32 = arith.constant 0 : i32
    %c0_i32_0 = arith.constant 0 : i32
    return %arg0, %c0_i32 : i32, i32
  }
  func.func @transform_3(%arg0: i32) -> (i32, i32) {
    %c0_i32 = arith.constant 0 : i32
    %c0_i32_0 = arith.constant 0 : i32
    %c0_i32_1 = arith.constant 0 : i32
    return %c0_i32, %c0_i32_0 : i32, i32
  }
  func.func @transform_4(%arg0: i32) -> (i32, i32) {
    %c0_i32 = arith.constant 0 : i32
    %c0_i32_0 = arith.constant 0 : i32
    %c0_i32_1 = arith.constant 0 : i32
    return %c0_i32, %c0_i32_0 : i32, i32
  }
  func.func @transform_5(%arg0: i32) -> (i32, i32) {
    %c0_i32 = arith.constant 0 : i32
    %c0_i32_0 = arith.constant 0 : i32
    return %arg0, %c0_i32 : i32, i32
  }
}

</mosaic_0001>

<sc_bundles>
// kernel: kernel.6.cloned.1.call-start
scs
__scs_entry_jumppad:
0x0: {  	(pc) =	sbr.rel $0x88, $3  }
0x1: {  	(tag) =	ssettag $0x0;
	lr =	simm.s32 $0x1  }
0x2: {  	[smem:$0x3F9D] =	sst lr;
	_ =	strace $0xD0000000  }
0x3: {  	_ = 	snop  }
0x4: {  	_ = 	snop  }
0x5: {  	_ = 	snop  }
0x6: {  	_ = 	snop  }
0x7: {  	_ = 	snop  }
__scs_overlays_trampoline_lowered:
0x8: {  	[smem:$0x3FAC] =	sst s0  }
0x9: {  	[smem:$0x3FAD] =	sst s1  }
0xa: {  	[smem:$0x3FAE] =	sst s2  }
0xb: {  	[smem:$0x3FAF] =	sst s3  }
0xc: {  	[smem:$0x3FB0] =	sst s4  }
0xd: {  	[smem:$0x3FB1] =	sst s5  }
0xe: {  	[smem:$0x3FB2] =	sst s6  }
0xf: {  	[smem:$0x3FB3] =	sst s7  }
0x10: {  	[smem:$0x3FB4] =	sst s8  }
0x11: {  	[smem:$0x3FB5] =	sst s9;
	s0 =	simm.s32 @!p0 $0x0  }
0x12: {  	s1 =	sld [smem:$0x3F9B];
	s0 =	simm.s32 @p0 $0x1  }
0x13: {  	[smem:$0x3FB6] =	sst s0;
	s0 =	simm.s32 @!p1 $0x0  }
0x14: {  	s2 =	sld [smem:$0x3F9A];
	s0 =	simm.s32 @p1 $0x1  }
0x15: {  	[smem:$0x3FB7] =	sst s0;
	s0 =	simm.s32 @!p2 $0x0  }
0x16: {  	s3 =	sld [smem:$0x3FDB];
	s0 =	simm.s32 @p2 $0x1  }
0x17: {  	s4 =	simm.s32 $0x1BF5;
	[smem:$0x3FB9] =	sst s0  }
0x18: {  	s0 =	sld [smem:$0x3F9C];
	_ =	swait.ge [sflag:s4], $0x0  }
0x19: {  	s7 =	sld [smem:$0x3F9D]  }
0x1a: {  	s8 =	sadd.s32 $0xFFFFE003, lr  }
0x1b: {  	s9 =	sadd.s32 $0xFFFFFEF7, lr;
	s5 =	simm.s32 $0xFFFFFFFF;
	p2 =	slt.u32 s8, $0xFFFFF086  }
0x1c: {  	p1 =	slt.u32 s9, $0xF7A;
	s5 =	simm.s32 @!p2 $0x0  }
0x1d: {  	s5 =	simm.s32 @p1 $0x1;
	p0 =	seq.s32 s7, s2  }
0x1e: {  	s7 =	smul.u32 @!p0 $0xF7A, s2;
	p2 =	seq.s32 @!p0 s5, $0x0  }
0x1f: {  	s9 =	smul.u32 $0xF7A, s1;
	s8 =	simm.s32 @!p0 $0x1BF5;
	p2 =	por !p2, p0  }
0x20: {  	[sflag:s8] =	ssyncset.s32 @!p0 $0xFFFFF086;
	s6 =	sadd.s32 @!p0 s3, s7;
	s7 =	simm.s32 @!p0 $0x108  }
0x21: {  	s3 =	sadd.s32 s3, s9;
	s6 =	sadd.s32 @!p0 $0x88, s6;
	s7 =	simm.s32 @p2 $0x1082  }
0x22: {  	[simem:s7], [sflag:s8] =	dma.local @!p0 [hbm:s6], $0xF7A  }
0x23: {  	s9 =	sor.u32 $0xD0000000, s2;
	s6 =	simm.s32 $0x108;
	_ =	swait.ge @!p0 [sflag:s8], $0x0  }
0x24: {  	s3 =	sadd.s32 $0x88, s3;
	s6 =	simm.s32 @!p1 $0x1082;
	[sflag:s4] =	ssyncset.s32 $0xFFFFF086  }
0x25: {  	[simem:s6], [sflag:s4] =	dma.local [hbm:s3], $0xF7A  }
0x26: {  	[smem:$0x3F9D] =	sst s1;
	(tag) =	ssettag s2;
	_ =	strace s9  }
0x27: {  	s1 =	sld [smem:$0x3FAD]  }
0x28: {  	s2 =	sld [smem:$0x3FAE]  }
0x29: {  	s4 =	sld [smem:$0x3FB0]  }
0x2a: {  	p0 =	seq.s32 s5, $0x0;
	s5 =	sld [smem:$0x3FB1]  }
0x2b: {  	s6 =	sld [smem:$0x3FB2]  }
0x2c: {  	s7 =	sld [smem:$0x3FB3]  }
0x2d: {  	s3 =	simm.s32 $0x108;
	s8 =	sld [smem:$0x3FB4]  }
0x2e: {  	s3 =	simm.s32 @!p0 $0x1082;
	s9 =	sld [smem:$0x3FB5]  }
0x2f: {  	lr =	sadd.s32 s0, s3;
	s0 =	sld [smem:$0x3FAC]  }
0x30: {  	s3 =	sld [smem:$0x3FAF]  }
0x31: {  	[smem:$0x3FB8] =	sst s10  }
0x32: {  	s10 =	sld [smem:$0x3FB6];
	_ =	sdelay $0x3  }
0x33: {  	p0 =	seq.s32 s10, $0x1;
	s10 =	sld [smem:$0x3FB8];
	_ =	sdelay $0x3  }
0x34: {  	[smem:$0x3FB8] =	sst s10  }
0x35: {  	s10 =	sld [smem:$0x3FB7];
	_ =	sdelay $0x3  }
0x36: {  	p1 =	seq.s32 s10, $0x1;
	s10 =	sld [smem:$0x3FB8];
	_ =	sdelay $0x3  }
0x37: {  	[smem:$0x3FB8] =	sst s10  }
0x38: {  	s10 =	sld [smem:$0x3FB9]  }
0x39: {  	_ = 	snop;
	(pc) =	sbr.ind lr, $3  }
0x3a: {  	_ = 	snop  }
0x3b: {  	_ = 	snop  }
0x3c: {  	p2 =	seq.s32 s10, $0x1;
	s10 =	sld [smem:$0x3FB8]  }
0x3d: {  	_ =	shalt  }
0x3e: {  	_ =	shalt  }
0x3f: {  	_ =	shalt  }
0x40: {  	_ =	shalt  }
0x41: {  	_ =	shalt  }
0x42: {  	_ =	shalt  }
0x43: {  	_ =	shalt  }
0x44: {  	_ =	shalt  }
0x45: {  	_ =	shalt  }
0x46: {  	_ =	shalt  }
0x47: {  	_ =	shalt  }
0x48: {  	_ =	shalt  }
0x49: {  	_ =	shalt  }
0x4a: {  	_ =	shalt  }
0x4b: {  	_ =	shalt  }
0x4c: {  	_ =	shalt  }
0x4d: {  	_ =	shalt  }
0x4e: {  	_ =	shalt  }
0x4f: {  	_ =	shalt  }
0x50: {  	_ =	shalt  }
0x51: {  	_ =	shalt  }
0x52: {  	_ =	shalt  }
0x53: {  	_ =	shalt  }
0x54: {  	_ =	shalt  }
0x55: {  	_ =	shalt  }
0x56: {  	_ =	shalt  }
0x57: {  	_ =	shalt  }
0x58: {  	_ =	shalt  }
0x59: {  	_ =	shalt  }
0x5a: {  	_ =	shalt  }
0x5b: {  	_ =	shalt  }
0x5c: {  	_ =	shalt  }
0x5d: {  	_ =	shalt  }
0x5e: {  	_ =	shalt  }
0x5f: {  	_ =	shalt  }
0x60: {  	_ =	shalt  }
0x61: {  	_ =	shalt  }
0x62: {  	_ =	shalt  }
0x63: {  	_ =	shalt  }
0x64: {  	_ =	shalt  }
0x65: {  	_ =	shalt  }
0x66: {  	_ =	shalt  }
0x67: {  	_ =	shalt  }
0x68: {  	_ =	shalt  }
0x69: {  	_ =	shalt  }
0x6a: {  	_ =	shalt  }
0x6b: {  	_ =	shalt  }
0x6c: {  	_ =	shalt  }
0x6d: {  	_ =	shalt  }
0x6e: {  	_ =	shalt  }
0x6f: {  	_ =	shalt  }
0x70: {  	_ =	shalt  }
0x71: {  	_ =	shalt  }
0x72: {  	_ =	shalt  }
0x73: {  	_ =	shalt  }
0x74: {  	_ =	shalt  }
0x75: {  	_ =	shalt  }
0x76: {  	_ =	shalt  }
0x77: {  	_ =	shalt  }
0x78: {  	_ =	shalt  }
0x79: {  	_ =	shalt  }
0x7a: {  	_ =	shalt  }
0x7b: {  	_ =	shalt  }
0x7c: {  	_ =	shalt  }
0x7d: {  	_ =	shalt  }
0x7e: {  	_ =	shalt  }
0x7f: {  	_ =	shalt  }
0x80: {  	_ =	shalt  }
0x81: {  	_ =	shalt  }
0x82: {  	_ =	shalt  }
0x83: {  	_ =	shalt  }
0x84: {  	_ =	shalt  }
0x85: {  	_ =	shalt  }
0x86: {  	_ =	shalt  }
0x87: {  	_ =	shalt  }
.Lfunc_end0:
.L_simem_size_0:
called_computation_lowered:
.L_overlay_start_0:
0x88: {  	s2 =	sld [smem:$0x3FD9]  }
0x89: {  	s3 =	sld [smem:$0x3FFE];
	_ =	sdelay $0x1  }
0x8a: {  	s1 =	srdreg.scid  }
0x8b: {  	s0 =	sand.u32 $0x1, s1  }
0x8c: {  	s16 =	sshll.u32 s0, $0xA;
	s2 =	sadd.s32 s3, s2  }
0x8d: {  	s2 =	sadd.s32 s2, s16  }
0x8e: {  	[smem:$0x3FC4] =	sst s2  }
0x8f: {  	_ = 	snop  }
0x90: {  	(tm) =	ssettm $0x1  }
0x91: {  	s17 =	sld [smem:$0x3FFB];
	_ =	sdelay $0x3  }
0x92: {  	_ =	strace s17  }
0x93: {  	s2 =	sld [smem:$0x3FFC];
	_ =	sdelay $0x3  }
0x94: {  	_ =	strace s2  }
0x95: {  	s2 =	sld [smem:$0x3FFD];
	_ =	sdelay $0x3  }
0x96: {  	_ =	strace s2  }
0x97: {  	_ =	strace $0x8FFFFFFF  }
0x98: {  	s18 =	sld [smem:$0x3FDB];
	_ =	sdelay $0x1  }
0x99: {  	s19 =	simm.s32 $_scs_section_size  }
0x9a: {  	s4 =	simm.s32 $_size__tile_overlayer_lowered;
	s5 =	simm.s32 $_tile_overlayer_lowered  }
0x9b: {  	s22 =	simm.s32 $0x1BFF;
	s21 =	sshll.u32 s5, $0x1;
	s2 =	sadd.s32 s19, s18  }
0x9c: {  	s6 =	simm.s32 $0x0;
	s20 =	sshll.u32 s4, $0x1;
	s4 =	sadd.s32 s21, s2  }
0x9d: {  	[timem:s6], [sflag:s22] =	dma.local [hbm:s4], s20  }
0x9e: {  	_ =	swait.ge [sflag:s22], s20  }
0x9f: {  	s3 =	ssub.s32 $0x0, s20;
	[sflag:s22] =	ssyncset.done $0x0  }
0xa0: {  	[sflag:s22] =	ssyncadd.s32 s3;
	_ =	sdelay $0x1  }
0xa1: {  	s23 =	simm.s32 $0x1B8B  }
0xa2: {  	_ =	swait.ge [sflag:s23], $0x1  }
0xa3: {  	[sflag:s23] =	ssyncset.done $0x0  }
0xa4: {  	s25 =	simm.s32 $0x1B8E;
	s24 =	sld [smem:$0x3FFE];
	[sflag:s23] =	ssyncadd.s32 $0xFFFFFFFF  }
0xa5: {  	s26 =	simm.s32 $execute0_lowered;
	[smem:$0x3FD2] =	sst s25  }
0xa6: {  	s4 =	sshll.u32 s26, $0x1;
	_ =	strace $0x80000046;
	[dreg:$0x1] =	wrdreg $0xFFFFFFFF  }
0xa7: {  	s28 =	simm.s32 $_size_execute0_lowered;
	s2 =	sadd.s32 s2, s4;
	[dreg:$0x0] =	wrdreg $0x0  }
0xa8: {  	s4 =	sshll.u32 s28, $0x1;
	[dreg:$0x2] =	wrdreg s2  }
0xa9: {  	[dreg:$0x3] =	wrdreg s4  }
0xaa: {  	[dreg:$0x4] =	wrdreg $0xC0  }
0xab: {  	_ =	task [dreg:s6], $0x5FFFF  }
0xac: {  	[dreg:$0x1] =	wrdreg $0xFFFFFFFF  }
0xad: {  	[dreg:$0x0] =	wrdreg $0x60  }
0xae: {  	[dreg:$0x2] =	wrdreg s24  }
0xaf: {  	[dreg:$0x3] =	wrdreg $0x2B000  }
0xb0: {  	[dreg:$0x4] =	wrdreg $0x9  }
0xb1: {  	_ =	task.clear_ibuf [dreg:s6], $0x5FFFF;
	_ =	strace $0x90000046  }
0xb2: {  	s29 =	simm.s32 $0x9;
	_ =	strace $0x80000048  }
0xb3: {  	_ =	swait.ge [sflag:s29], $0x1  }
0xb4: {  	[sflag:s29] =	ssyncadd.s32 $0xFFFFFFFF  }
0xb5: {  	_ =	strace $0x90000048  }
0xb6: {  	_ =	sfence  }
0xb7: {  	s30 =	sld [smem:$0x0];
	_ =	sdelay $0x2  }
0xb8: {  	s31 =	sshll.u32 s1, $0xD;
	s1 =	sshrl.u32 s1, $0x2  }
0xb9: {  	s3 =	sand.u32 $0x4000, s31;
	s1 =	sadd.s32 s1, s30  }
0xba: {  	s0 =	sor.u32 s3, s0;
	s1 =	sshll.u32 s1, $0x11  }
0xbb: {  	s0 =	sor.u32 s1, s0  }
0xbc: {  	s0 =	sadd.s32 $0x8F2B, s0  }
0xbd: {  	[sflag:s0] =	ssyncadd.remote.s32 $0x1  }
0xbe: {  	_ =	sfence.sel $0xFFFF  }
0xbf: {  	[dreg:$0x0] =	wrdreg $0xFFFFFFFF;
	(pc) =	sbr.abs _section_cstart, $3  }
0xc0: {  	[dreg:$0x1] =	wrdreg $0xFFFFFFFF  }
0xc1: {  	_ =	task.clear_ibuf [dreg:s6], $0x2FFFF;
	_ =	strace $0x9FFFFFFF  }
0xc2: {  	(tm) =	ssettm $0x7FFFFFFF  }
0xc3: {  	_ =	shalt  }
tec
execute0_lowered:
.L_overlay_start_1:
0x0: {  	(tag) =	ssettag $0x1  }
0x1: {  	s4 =	rddreg [dreg:$0x0];
	s0 =	srdreg.scid  }
0x2: {  	s2 =	rddreg [dreg:$0x1];
	s1 =	stileid.u32  }
0x3: {  	s3 =	simm.s32 $0x0;
	s10 =	simm.s32 $0x80;
	s11 =	simm.s32 $0x2800  }
0x4: {  	s14 =	simm.s32 $0x20;
	s15 =	simm.s32 $0x10;
	s16 =	simm.s32 $0x0  }
0x5: {  	s5 =	sand.u32 $0x1, s0;
	s0 =	rddreg [dreg:$0x2];
	s7 =	smul.u32 $0x500, s1  }
0x6: {  	[smem:$0x7FF] =	sst s3;
	s30 =	smul.u32 $0xA00, s1;
	s12 =	sshll.u32 s1, $0x6  }
0x7: {  	s6 =	sshll.u32 s5, $0x4;
	s8 =	sshll.u32 s5, $0x7;
	_ =	strace $0x80000047  }
0x8: {  	s5 =	ssub.s32 $0x2, s5;
	s12 =	sor.u32 $0x1C01, s12;
	s6 =	sor.u32 s1, s6  }
0x9: {  	s7 =	sor.u32 s8, s7;
	s31 =	sshrl.u32 s5, $0x1;
	s6 =	smul.u32 $0x500, s6  }
0xa: {  	s8 =	sshrl.u32 s30, $0x2;
	s7 =	sshrl.u32 s7, $0x3;
	s9 =	ssub.s32 s5, s31  }
0xb: {  	s7 =	sadd.s32 s7, s4;
	s6 =	sadd.s32 s6, s4;
	s4 =	sadd.s32 s8, s2  }
0xc: {  	s8 =	simm.s32 $0x2880;
	s5 =	sadd.s32 $0x1E00, s6;
	s6 =	sadd.s32 $0xBE00, s7  }
0xd: {  	v0 =	vimm.f32 $1.000000000e+00;
	v1 =	vimm.f32 $0.0e+00;
	s7 =	smax.u32 s9, $0x1;
	s9 =	simm.s32 $0x1;
	s13 =	sshrl.u32 s4, $0x3  }
.LBB2_1:
0xe: {  	[tilespmem:$0x2800] =	vst v0  }
0xf: {  	[tilespmem:$0x2810] =	vst v0  }
0x10: {  	[tilespmem:$0x2820] =	vst v0  }
0x11: {  	[tilespmem:$0x2830] =	vst v0  }
0x12: {  	[tilespmem:$0x2840] =	vst v0  }
0x13: {  	[tilespmem:$0x2850] =	vst v0  }
0x14: {  	[tilespmem:$0x2860] =	vst v0  }
0x15: {  	[tilespmem:$0x2870] =	vst v0  }
0x16: {  	[tilespmem:$0x2880] =	vst v1  }
0x17: {  	[tilespmem:$0x2890] =	vst v1  }
0x18: {  	[tilespmem:$0x28A0] =	vst v1  }
0x19: {  	[tilespmem:$0x28B0] =	vst v1  }
0x1a: {  	[tilespmem:$0x28C0] =	vst v1  }
0x1b: {  	[tilespmem:$0x28D0] =	vst v1  }
0x1c: {  	[tilespmem:$0x28E0] =	vst v1  }
0x1d: {  	[tilespmem:$0x28F0] =	vst v1  }
0x1e: {  	[tilespmem:$0x2900] =	vst v1  }
0x1f: {  	[tilespmem:$0x2910] =	vst v1  }
0x20: {  	[tilespmem:$0x2920] =	vst v1  }
0x21: {  	[tilespmem:$0x2930] =	vst v1  }
0x22: {  	[tilespmem:$0x2940] =	vst v1  }
0x23: {  	[tilespmem:$0x2950] =	vst v1  }
0x24: {  	[tilespmem:$0x2960] =	vst v1  }
0x25: {  	[tilespmem:$0x2970] =	vst v1  }
0x26: {  	[tilespmem:$0x2980] =	vst v1  }
0x27: {  	[tilespmem:$0x2990] =	vst v1  }
0x28: {  	[tilespmem:$0x29A0] =	vst v1  }
0x29: {  	[tilespmem:$0x29B0] =	vst v1  }
0x2a: {  	[tilespmem:$0x29C0] =	vst v1  }
0x2b: {  	[tilespmem:$0x29D0] =	vst v1  }
0x2c: {  	[tilespmem:$0x29E0] =	vst v1  }
0x2d: {  	[tilespmem:$0x29F0] =	vst v1  }
0x2e: {  	[tilespmem:$0x2A00] =	vst v1  }
0x2f: {  	[tilespmem:$0x2A10] =	vst v1  }
0x30: {  	[tilespmem:$0x2A20] =	vst v1  }
0x31: {  	[tilespmem:$0x2A30] =	vst v1  }
0x32: {  	[tilespmem:$0x2A40] =	vst v1  }
0x33: {  	[tilespmem:$0x2A50] =	vst v1  }
0x34: {  	[tilespmem:$0x2A60] =	vst v1  }
0x35: {  	[tilespmem:$0x2A70] =	vst v1  }
0x36: {  	[tilespmem:$0x2A80] =	vst v1  }
0x37: {  	[tilespmem:$0x2A90] =	vst v1  }
0x38: {  	[tilespmem:$0x2AA0] =	vst v1  }
0x39: {  	[tilespmem:$0x2AB0] =	vst v1  }
0x3a: {  	[tilespmem:$0x2AC0] =	vst v1  }
0x3b: {  	[tilespmem:$0x2AD0] =	vst v1  }
0x3c: {  	[tilespmem:$0x2AE0] =	vst v1  }
0x3d: {  	[tilespmem:$0x2AF0] =	vst v1  }
0x3e: {  	[spmem:s4] =	stream.linear.scatter [tilespmem:s8], [sflag:$0x1], $0x280, $0x38;
	[tilespmem:$0x2D80] =	vst v63  }
0x3f: {  	_ =	swait.ge [sflag:s9], $0x280  }
0x40: {  	[sflag:s9] =	ssyncset.done $0x0  }
0x41: {  	[sflag:s9] =	ssyncadd.s32 $0xFFFFFD80  }
0x42: {  	[tilespmem:s3], [sflag:$0x1] =	stream.linear.gather [hbm4b:s5+s3], $0x2800, $0x38;
	[tilespmem:$0x2D80] =	vst v63  }
0x43: {  	_ =	swait.ge [sflag:s9], $0x2800  }
0x44: {  	[sflag:s9] =	ssyncset.done $0x0  }
0x45: {  	[sflag:s9] =	ssyncadd.s32 $0xFFFFD800  }
0x46: {  	s17 =	simm.s32 $0x0;
	[bflag:$0x0] =	sbarrier.arrive $0xFFFF  }
0x47: {  	[spmem:s2] =	stream.indirect.scatter.add.f32 [tilespmem:s11], [sflag:$0x1], $0x1, s17, s10, $0xb8;
	[tilespmem:$0x2D80] =	vst v63  }
0x48: {  	_ =	swait.ge [sflag:s9], $0x80  }
0x49: {  	s17 =	simm.s32 $0x200;
	[sflag:s9] =	ssyncset.done $0x0  }
.LBB2_2:
0x4a: {  	s18 =	sshra.s32 s17, $0x2;
	[sflag:s9] =	ssyncadd.s32 $0xFFFFFF80;
	p0 =	sne.s32 s17, $0x9E00  }
0x4b: {  	[spmem:s2] =	stream.indirect.scatter.add.f32 [tilespmem:s11], [sflag:$0x1], $0x1, s18, s10, $0xb8;
	[tilespmem:$0x2D80] =	vst v63  }
.Ltmp0:
0x4c: {  	_ = 	snop;
	(pc) =	sbr.rel @p0 .LBB2_2-.Ltmp0, $4  }
0x4d: {  	_ = 	snop  }
0x4e: {  	s17 =	sadd.s32 $0x200, s17  }
0x4f: {  	_ =	swait.ge [sflag:s9], $0x80  }
0x50: {  	[sflag:s9] =	ssyncset.done $0x0  }
0x51: {  	s16 =	sadd.s32 $0x1, s16  }
0x52: {  	[sflag:s9] =	ssyncadd.s32 $0xFFFFFF80;
	p0 =	sne.s32 s16, s7  }
.Ltmp1:
0x53: {  	[bflag:$0x0] =	sbarrier.arrive $0xFFFF;
	(pc) =	sbr.rel @p0 .LBB2_1-.Ltmp1, $4  }
0x54: {  	[hbm:s6@s14], [sflag:s12] =	dma.strided [spmem:s13@s15], $0x50, s9, $0x10   }
0x55: {  	_ =	swait.ge [sflag:s9], $0x50  }
0x56: {  	[sflag:s9] =	ssyncset.done $0x0  }
0x57: {  	[sflag:s9] =	ssyncadd.s32 $0xFFFFFFB0  }
0x58: {  	_ =	sfence.sel $0x180000  }
0x59: {  	[bflag:$0x0] =	sbarrier.arrive $0xFFFF  }
0x5a: {  	p0 =	sne.s32 s1, $0x0;
	_ =	strace $0x90000047  }
0x5b: {  	s0 =	sadd.s32 @!p0 $0x100000, s0;
	[bflag:$0x2] =	sbarrier.arrive $0xFFFF  }
0x5c: {  	[sflag:s0] =	ssyncadd.tile.s32 @!p0 $0x1;
	_ =	shalt  }
.Lfunc_end2:
_tile_overlayer_lowered:
.L_overlay_start_2:
0x5d: {  	(tag) =	ssettag $0x2  }
0x5e: {  	s0 =	rddreg [dreg:$0x0];
	s2 =	stileid.u32  }
0x5f: {  	s1 =	rddreg [dreg:$0x1];
	p0 =	sne.s32 s2, $0x0  }
0x60: {  	s3 =	rddreg [dreg:$0x2];
	[bflag:$0x3] =	sbarrier.arrive $0xFFFF;
	s2 =	simm.s32 @!p0 $0x1C01  }
0x61: {  	[timem:s3], [sflag:s2] =	dma.local @!p0 [hbm:s0], s1  }
0x62: {  	s0 =	simm.s32 @!p0 $0x1  }
0x63: {  	_ =	swait.ge @!p0 [sflag:s0], s1  }
0x64: {  	s1 =	ssub.s32 @!p0 $0x0, s1;
	[sflag:s0] =	ssyncset.done @!p0 $0x0  }
0x65: {  	[sflag:s0] =	ssyncadd.s32 @!p0 s1  }
0x66: {  	[bflag:$0x3] =	sbarrier.arrive $0xFFFF  }
0x67: {  	_ =	shalt  }

// kernel: kernel.9.cloned.1.call-start
scs
__scs_entry_jumppad:
0x0: {  	(pc) =	sbr.rel $0x88, $3  }
0x1: {  	(tag) =	ssettag $0x0;
	lr =	simm.s32 $0x1  }
0x2: {  	[smem:$0x3F9D] =	sst lr;
	_ =	strace $0xD0000000  }
0x3: {  	_ = 	snop  }
0x4: {  	_ = 	snop  }
0x5: {  	_ = 	snop  }
0x6: {  	_ = 	snop  }
0x7: {  	_ = 	snop  }
__scs_overlays_trampoline_lowered:
0x8: {  	[smem:$0x3FAC] =	sst s0  }
0x9: {  	[smem:$0x3FAD] =	sst s1  }
0xa: {  	[smem:$0x3FAE] =	sst s2  }
0xb: {  	[smem:$0x3FAF] =	sst s3  }
0xc: {  	[smem:$0x3FB0] =	sst s4  }
0xd: {  	[smem:$0x3FB1] =	sst s5  }
0xe: {  	[smem:$0x3FB2] =	sst s6  }
0xf: {  	[smem:$0x3FB3] =	sst s7  }
0x10: {  	[smem:$0x3FB4] =	sst s8  }
0x11: {  	[smem:$0x3FB5] =	sst s9;
	s0 =	simm.s32 @!p0 $0x0  }
0x12: {  	s1 =	sld [smem:$0x3F9B];
	s0 =	simm.s32 @p0 $0x1  }
0x13: {  	[smem:$0x3FB6] =	sst s0;
	s0 =	simm.s32 @!p1 $0x0  }
0x14: {  	s2 =	sld [smem:$0x3F9A];
	s0 =	simm.s32 @p1 $0x1  }
0x15: {  	[smem:$0x3FB7] =	sst s0;
	s0 =	simm.s32 @!p2 $0x0  }
0x16: {  	s3 =	sld [smem:$0x3FDB];
	s0 =	simm.s32 @p2 $0x1  }
0x17: {  	s4 =	simm.s32 $0x1BF5;
	[smem:$0x3FB9] =	sst s0  }
0x18: {  	s0 =	sld [smem:$0x3F9C];
	_ =	swait.ge [sflag:s4], $0x0  }
0x19: {  	s7 =	sld [smem:$0x3F9D]  }
0x1a: {  	s8 =	sadd.s32 $0xFFFFE003, lr  }
0x1b: {  	s9 =	sadd.s32 $0xFFFFFEF7, lr;
	s5 =	simm.s32 $0xFFFFFFFF;
	p2 =	slt.u32 s8, $0xFFFFF086  }
0x1c: {  	p1 =	slt.u32 s9, $0xF7A;
	s5 =	simm.s32 @!p2 $0x0  }
0x1d: {  	s5 =	simm.s32 @p1 $0x1;
	p0 =	seq.s32 s7, s2  }
0x1e: {  	s7 =	smul.u32 @!p0 $0xF7A, s2;
	p2 =	seq.s32 @!p0 s5, $0x0  }
0x1f: {  	s9 =	smul.u32 $0xF7A, s1;
	s8 =	simm.s32 @!p0 $0x1BF5;
	p2 =	por !p2, p0  }
0x20: {  	[sflag:s8] =	ssyncset.s32 @!p0 $0xFFFFF086;
	s6 =	sadd.s32 @!p0 s3, s7;
	s7 =	simm.s32 @!p0 $0x108  }
0x21: {  	s3 =	sadd.s32 s3, s9;
	s6 =	sadd.s32 @!p0 $0x88, s6;
	s7 =	simm.s32 @p2 $0x1082  }
0x22: {  	[simem:s7], [sflag:s8] =	dma.local @!p0 [hbm:s6], $0xF7A  }
0x23: {  	s9 =	sor.u32 $0xD0000000, s2;
	s6 =	simm.s32 $0x108;
	_ =	swait.ge @!p0 [sflag:s8], $0x0  }
0x24: {  	s3 =	sadd.s32 $0x88, s3;
	s6 =	simm.s32 @!p1 $0x1082;
	[sflag:s4] =	ssyncset.s32 $0xFFFFF086  }
0x25: {  	[simem:s6], [sflag:s4] =	dma.local [hbm:s3], $0xF7A  }
0x26: {  	[smem:$0x3F9D] =	sst s1;
	(tag) =	ssettag s2;
	_ =	strace s9  }
0x27: {  	s1 =	sld [smem:$0x3FAD]  }
0x28: {  	s2 =	sld [smem:$0x3FAE]  }
0x29: {  	s4 =	sld [smem:$0x3FB0]  }
0x2a: {  	p0 =	seq.s32 s5, $0x0;
	s5 =	sld [smem:$0x3FB1]  }
0x2b: {  	s6 =	sld [smem:$0x3FB2]  }
0x2c: {  	s7 =	sld [smem:$0x3FB3]  }
0x2d: {  	s3 =	simm.s32 $0x108;
	s8 =	sld [smem:$0x3FB4]  }
0x2e: {  	s3 =	simm.s32 @!p0 $0x1082;
	s9 =	sld [smem:$0x3FB5]  }
0x2f: {  	lr =	sadd.s32 s0, s3;
	s0 =	sld [smem:$0x3FAC]  }
0x30: {  	s3 =	sld [smem:$0x3FAF]  }
0x31: {  	[smem:$0x3FB8] =	sst s10  }
0x32: {  	s10 =	sld [smem:$0x3FB6];
	_ =	sdelay $0x3  }
0x33: {  	p0 =	seq.s32 s10, $0x1;
	s10 =	sld [smem:$0x3FB8];
	_ =	sdelay $0x3  }
0x34: {  	[smem:$0x3FB8] =	sst s10  }
0x35: {  	s10 =	sld [smem:$0x3FB7];
	_ =	sdelay $0x3  }
0x36: {  	p1 =	seq.s32 s10, $0x1;
	s10 =	sld [smem:$0x3FB8];
	_ =	sdelay $0x3  }
0x37: {  	[smem:$0x3FB8] =	sst s10  }
0x38: {  	s10 =	sld [smem:$0x3FB9]  }
0x39: {  	_ = 	snop;
	(pc) =	sbr.ind lr, $3  }
0x3a: {  	_ = 	snop  }
0x3b: {  	_ = 	snop  }
0x3c: {  	p2 =	seq.s32 s10, $0x1;
	s10 =	sld [smem:$0x3FB8]  }
0x3d: {  	_ =	shalt  }
0x3e: {  	_ =	shalt  }
0x3f: {  	_ =	shalt  }
0x40: {  	_ =	shalt  }
0x41: {  	_ =	shalt  }
0x42: {  	_ =	shalt  }
0x43: {  	_ =	shalt  }
0x44: {  	_ =	shalt  }
0x45: {  	_ =	shalt  }
0x46: {  	_ =	shalt  }
0x47: {  	_ =	shalt  }
0x48: {  	_ =	shalt  }
0x49: {  	_ =	shalt  }
0x4a: {  	_ =	shalt  }
0x4b: {  	_ =	shalt  }
0x4c: {  	_ =	shalt  }
0x4d: {  	_ =	shalt  }
0x4e: {  	_ =	shalt  }
0x4f: {  	_ =	shalt  }
0x50: {  	_ =	shalt  }
0x51: {  	_ =	shalt  }
0x52: {  	_ =	shalt  }
0x53: {  	_ =	shalt  }
0x54: {  	_ =	shalt  }
0x55: {  	_ =	shalt  }
0x56: {  	_ =	shalt  }
0x57: {  	_ =	shalt  }
0x58: {  	_ =	shalt  }
0x59: {  	_ =	shalt  }
0x5a: {  	_ =	shalt  }
0x5b: {  	_ =	shalt  }
0x5c: {  	_ =	shalt  }
0x5d: {  	_ =	shalt  }
0x5e: {  	_ =	shalt  }
0x5f: {  	_ =	shalt  }
0x60: {  	_ =	shalt  }
0x61: {  	_ =	shalt  }
0x62: {  	_ =	shalt  }
0x63: {  	_ =	shalt  }
0x64: {  	_ =	shalt  }
0x65: {  	_ =	shalt  }
0x66: {  	_ =	shalt  }
0x67: {  	_ =	shalt  }
0x68: {  	_ =	shalt  }
0x69: {  	_ =	shalt  }
0x6a: {  	_ =	shalt  }
0x6b: {  	_ =	shalt  }
0x6c: {  	_ =	shalt  }
0x6d: {  	_ =	shalt  }
0x6e: {  	_ =	shalt  }
0x6f: {  	_ =	shalt  }
0x70: {  	_ =	shalt  }
0x71: {  	_ =	shalt  }
0x72: {  	_ =	shalt  }
0x73: {  	_ =	shalt  }
0x74: {  	_ =	shalt  }
0x75: {  	_ =	shalt  }
0x76: {  	_ =	shalt  }
0x77: {  	_ =	shalt  }
0x78: {  	_ =	shalt  }
0x79: {  	_ =	shalt  }
0x7a: {  	_ =	shalt  }
0x7b: {  	_ =	shalt  }
0x7c: {  	_ =	shalt  }
0x7d: {  	_ =	shalt  }
0x7e: {  	_ =	shalt  }
0x7f: {  	_ =	shalt  }
0x80: {  	_ =	shalt  }
0x81: {  	_ =	shalt  }
0x82: {  	_ =	shalt  }
0x83: {  	_ =	shalt  }
0x84: {  	_ =	shalt  }
0x85: {  	_ =	shalt  }
0x86: {  	_ =	shalt  }
0x87: {  	_ =	shalt  }
.Lfunc_end0:
.L_simem_size_0:
called_computation.1_lowered:
.L_overlay_start_0:
0x88: {  	s2 =	sld [smem:$0x3FD9]  }
0x89: {  	s3 =	sld [smem:$0x3FFE];
	_ =	sdelay $0x1  }
0x8a: {  	s1 =	srdreg.scid  }
0x8b: {  	s0 =	sand.u32 $0x1, s1  }
0x8c: {  	s17 =	sshll.u32 s0, $0xA;
	s2 =	sadd.s32 s3, s2  }
0x8d: {  	s2 =	sadd.s32 s2, s17  }
0x8e: {  	[smem:$0x3FC4] =	sst s2  }
0x8f: {  	_ = 	snop  }
0x90: {  	s2 =	sld [smem:$0x3FD0];
	(tm) =	ssettm $0x1  }
0x91: {  	s18 =	sld [smem:$0x3FFB];
	_ =	sdelay $0x3  }
0x92: {  	_ =	strace s18  }
0x93: {  	s3 =	sld [smem:$0x3FFC];
	_ =	sdelay $0x3  }
0x94: {  	_ =	strace s3  }
0x95: {  	s3 =	sld [smem:$0x3FFD];
	_ =	sdelay $0x3  }
0x96: {  	_ =	strace s3  }
0x97: {  	_ =	strace $0x8FFFFFFF  }
0x98: {  	s19 =	sld [smem:$0x3FDB];
	_ =	sdelay $0x1  }
0x99: {  	s4 =	simm.s32 $_scs_section_size  }
0x9a: {  	s5 =	simm.s32 $_size__tile_overlayer_lowered;
	s6 =	simm.s32 $_tile_overlayer_lowered  }
0x9b: {  	s22 =	simm.s32 $0x1BFF;
	s21 =	sshll.u32 s6, $0x1;
	s3 =	sadd.s32 s4, s19  }
0x9c: {  	s7 =	simm.s32 $0x0;
	s20 =	sshll.u32 s5, $0x1;
	s5 =	sadd.s32 s21, s3  }
0x9d: {  	[timem:s7], [sflag:s22] =	dma.local [hbm:s5], s20  }
0x9e: {  	_ =	swait.ge [sflag:s22], s20  }
0x9f: {  	s4 =	ssub.s32 $0x0, s20;
	[sflag:s22] =	ssyncset.done $0x0  }
0xa0: {  	[sflag:s22] =	ssyncadd.s32 s4;
	_ =	sdelay $0x1  }
0xa1: {  	s23 =	simm.s32 $0x1B8B  }
0xa2: {  	_ =	swait.ge [sflag:s23], $0x1  }
0xa3: {  	[sflag:s23] =	ssyncset.done $0x0  }
0xa4: {  	s25 =	simm.s32 $0x1B8E;
	s24 =	sld [smem:$0x3FFE];
	[sflag:s23] =	ssyncadd.s32 $0xFFFFFFFF  }
0xa5: {  	s26 =	simm.s32 $execute0_lowered;
	[smem:$0x3FD2] =	sst s25  }
0xa6: {  	s5 =	sshll.u32 s26, $0x1;
	_ =	strace $0x80000049;
	[dreg:$0x1] =	wrdreg $0xFFFFFFFF  }
0xa7: {  	s28 =	simm.s32 $_size_execute0_lowered;
	s3 =	sadd.s32 s3, s5;
	[dreg:$0x0] =	wrdreg $0x0  }
0xa8: {  	s5 =	sshll.u32 s28, $0x1;
	[dreg:$0x2] =	wrdreg s3  }
0xa9: {  	[dreg:$0x3] =	wrdreg s5  }
0xaa: {  	[dreg:$0x4] =	wrdreg $0xC0  }
0xab: {  	_ =	task [dreg:s7], $0x5FFFF  }
0xac: {  	[dreg:$0x1] =	wrdreg $0xFFFFFFFF  }
0xad: {  	[dreg:$0x0] =	wrdreg $0x60  }
0xae: {  	[dreg:$0x2] =	wrdreg s24  }
0xaf: {  	[dreg:$0x3] =	wrdreg s2  }
0xb0: {  	[dreg:$0x4] =	wrdreg $0x84000  }
0xb1: {  	[dreg:$0x5] =	wrdreg $0x9  }
0xb2: {  	_ =	task.clear_ibuf [dreg:s7], $0x6FFFF;
	_ =	strace $0x90000049  }
0xb3: {  	s29 =	simm.s32 $0x9;
	_ =	strace $0x8000004B  }
0xb4: {  	_ =	swait.ge [sflag:s29], $0x1  }
0xb5: {  	[sflag:s29] =	ssyncadd.s32 $0xFFFFFFFF  }
0xb6: {  	_ =	strace $0x9000004B  }
0xb7: {  	_ =	sfence  }
0xb8: {  	s30 =	sld [smem:$0x0];
	_ =	sdelay $0x2  }
0xb9: {  	s31 =	sshll.u32 s1, $0xD;
	s1 =	sshrl.u32 s1, $0x2  }
0xba: {  	s3 =	sand.u32 $0x4000, s31;
	s1 =	sadd.s32 s1, s30  }
0xbb: {  	s0 =	sor.u32 s3, s0;
	s1 =	sshll.u32 s1, $0x11  }
0xbc: {  	s0 =	sor.u32 s1, s0  }
0xbd: {  	s0 =	sadd.s32 $0x8F2B, s0  }
0xbe: {  	[sflag:s0] =	ssyncadd.remote.s32 $0x1  }
0xbf: {  	_ =	sfence.sel $0xFFFF  }
0xc0: {  	[dreg:$0x0] =	wrdreg $0xFFFFFFFF;
	(pc) =	sbr.abs _section_cstart, $3  }
0xc1: {  	[dreg:$0x1] =	wrdreg $0xFFFFFFFF  }
0xc2: {  	_ =	task.clear_ibuf [dreg:s7], $0x2FFFF;
	_ =	strace $0x9FFFFFFF  }
0xc3: {  	(tm) =	ssettm $0x7FFFFFFF  }
tec
execute0_lowered:
.L_overlay_start_1:
0x0: {  	(tag) =	ssettag $0x1  }
0x1: {  	s0 =	rddreg [dreg:$0x0]  }
0x2: {  	s1 =	rddreg [dreg:$0x1]  }
0x3: {  	s2 =	rddreg [dreg:$0x2];
	s3 =	simm.s32 $0x0  }
0x4: {  	s4 =	srdreg.scid;
	s25 =	stileid.u32;
	s29 =	simm.s32 $0x400  }
0x5: {  	s30 =	simm.s32 $0x9;
	s31 =	simm.s32 $0x100;
	s28 =	simm.s32 $0x8  }
0x6: {  	[smem:$0x7FF] =	sst s3;
	s11 =	sand.u32 $0x1, s4;
	s5 =	smul.u32 $0x50000, s25  }
0x7: {  	s12 =	smul.u32 $0x14000, s25;
	s4 =	sadd.s32 $0x1E00, s0;
	s0 =	sadd.s32 $0x29E00, s0  }
0x8: {  	s10 =	smul.u32 $0x1300, s25;
	s18 =	sshll.u32 s25, $0x8;
	_ =	strace $0x8000004A  }
0x9: {  	s6 =	ssub.s32 $0x2, s11;
	p0 =	seq.s32 s11, $0x1;
	s11 =	smul.u32 $0x140000, s11  }
0xa: {  	s7 =	sshrl.u32 s6, $0x1;
	s5 =	sshrl.u32 s5, $0x2;
	s14 =	sadd.s32 $0x4000, s12  }
0xb: {  	s15 =	sadd.s32 $0x8000, s12;
	s16 =	sadd.s32 $0xC000, s12;
	s17 =	sadd.s32 $0x10000, s12  }
0xc: {  	s10 =	sadd.s32 s1, s10;
	s1 =	sadd.s32 s18, s1;
	s13 =	ssub.s32 s6, s7  }
0xd: {  	s5 =	sadd.s32 s5, s2;
	s6 =	sadd.s32 s14, s2;
	s7 =	sadd.s32 s15, s2  }
0xe: {  	s8 =	sadd.s32 s16, s2;
	s19 =	sadd.s32 $0x20, s10;
	[dreg:$0xc] =	wrdreg s5  }
0xf: {  	s9 =	sadd.s32 s17, s2;
	s18 =	sadd.s32 $0x13000, s1;
	[dreg:$0x4] =	wrdreg s19  }
0x10: {  	s22 =	sadd.s32 $0x13020, s1;
	s23 =	sadd.s32 $0x13040, s1;
	[dreg:$0x5] =	wrdreg s18  }
0x11: {  	s24 =	sadd.s32 $0x13060, s1;
	s12 =	sadd.s32 s12, s11;
	[dreg:$0x6] =	wrdreg s22  }
0x12: {  	s14 =	sadd.s32 s11, s14;
	s26 =	sadd.s32 $0x13080, s1;
	[dreg:$0x7] =	wrdreg s23  }
0x13: {  	s15 =	sadd.s32 s11, s15;
	s16 =	sadd.s32 s11, s16;
	[dreg:$0x8] =	wrdreg s24  }
0x14: {  	s11 =	sadd.s32 s11, s17;
	s21 =	sadd.s32 $0x130C0, s1;
	[dreg:$0x9] =	wrdreg s26  }
0x15: {  	s12 =	sshrl.u32 s12, $0x3;
	s14 =	sshrl.u32 s14, $0x3;
	s5 =	sadd.s32 $0x130A0, s1  }
0x16: {  	s17 =	sshrl.u32 s15, $0x3;
	s18 =	sshrl.u32 s16, $0x3;
	s11 =	sshrl.u32 s11, $0x3  }
0x17: {  	[dreg:$0x11] =	wrdreg s21;
	s22 =	sadd.s32 $0x130E0, s1;
	s23 =	smax.u32 s13, $0x1  }
0x18: {  	s24 =	sadd.s32 $0x40, s10;
	s26 =	sadd.s32 $0x60, s10;
	[dreg:$0xa] =	wrdreg s5  }
0x19: {  	s13 =	simm.s32 $0x200;
	s15 =	simm.s32 $0x4400;
	[dreg:$0x12] =	wrdreg s22  }
0x1a: {  	s16 =	simm.s32 $0x6;
	s1 =	simm.s32 $0x7;
	[dreg:$0x13] =	wrdreg s23  }
0x1b: {  	s12 =	sadd.s32 s0, s12;
	s14 =	sadd.s32 s0, s14;
	[dreg:$0x14] =	wrdreg s24  }
0x1c: {  	s19 =	sadd.s32 s0, s17;
	s20 =	sadd.s32 s0, s18;
	[dreg:$0x15] =	wrdreg s26  }
0x1d: {  	s0 =	sadd.s32 s0, s11;
	s11 =	simm.s32 $0x80;
	[dreg:$0xb] =	wrdreg s12  }
.Ltmp0:
0x1e: {  	s17 =	simm.s32 $0x180;
	[dreg:$0xd] =	wrdreg s14;
	(pc) =	sbr.rel .LBB2_1-.Ltmp0, $4  }
0x1f: {  	s23 =	simm.s32 $0x300;
	s24 =	simm.s32 $0x3;
	[dreg:$0xe] =	wrdreg s19  }
0x20: {  	s26 =	simm.s32 $0x280;
	s18 =	simm.s32 $0x4;
	[dreg:$0xf] =	wrdreg s20  }
0x21: {  	[dreg:$0x10] =	wrdreg s0;
	s0 =	simm.s32 $0x1;
	s12 =	simm.s32 $0x5  }
0x22: {  	v0 =	vimm.f32 $0.0e+00;
	s14 =	simm.s32 $0x2;
	s19 =	simm.s32 $0x380;
	s20 =	simm.s32 $0x0  }
.LBB2_7:
0x23: {  	s21 =	rddreg [dreg:$0x5]  }
0x24: {  	[tilespmem:s3], [sflag:$0x1] =	stream.linear.gather [hbm4b:s21+s3], $0x100, $0x38;
	[tilespmem:$0x1C400] =	vst v63  }
0x25: {  	s5 =	rddreg [dreg:$0x6]  }
0x26: {  	[tilespmem:s31], [sflag:$0x2] =	stream.linear.gather [hbm4b:s5+s3], $0x100, $0x38;
	[tilespmem:$0x1C400] =	vst v63  }
0x27: {  	_ =	swait.ge [sflag:s0], $0x100  }
0x28: {  	[sflag:s0] =	ssyncset.done $0x0  }
0x29: {  	[sflag:s0] =	ssyncadd.s32 $0xFFFFFF00  }
0x2a: {  	[tilespmem:s29], [sflag:$0x5] =	stream.indirect.gather [hbm4b:s4+s11], $0x80, s3, s11, $0xb8;
	[tilespmem:$0x1C400] =	vst v63  }
0x2b: {  	_ =	swait.ge [sflag:s12], $0x4000  }
0x2c: {  	[sflag:s12] =	ssyncset.done $0x0  }
0x2d: {  	[sflag:s12] =	ssyncadd.s32 $0xFFFFC000  }
0x2e: {  	[spmem:s2] =	stream.indirect.scatter.add.f32 [tilespmem:s29], [sflag:$0x7], $0x80, s11, s11, $0xb8;
	[tilespmem:$0x1C400] =	vst v63  }
0x2f: {  	s22 =	rddreg [dreg:$0x7]  }
0x30: {  	[tilespmem:s13], [sflag:$0x3] =	stream.linear.gather [hbm4b:s22+s3], $0x100, $0x38;
	[tilespmem:$0x1C400] =	vst v63  }
0x31: {  	_ =	swait.ge [sflag:s14], $0x100  }
0x32: {  	[sflag:s14] =	ssyncset.done $0x0  }
0x33: {  	[sflag:s14] =	ssyncadd.s32 $0xFFFFFF00  }
0x34: {  	[tilespmem:s15], [sflag:$0x6] =	stream.indirect.gather [hbm4b:s4+s11], $0x80, s31, s11, $0xb8;
	[tilespmem:$0x1C400] =	vst v63  }
0x35: {  	_ =	swait.ge [sflag:s16], $0x4000  }
0x36: {  	[sflag:s16] =	ssyncset.done $0x0  }
0x37: {  	[sflag:s16] =	ssyncadd.s32 $0xFFFFC000  }
0x38: {  	[spmem:s2] =	stream.indirect.scatter.add.f32 [tilespmem:s15], [sflag:$0x8], $0x80, s17, s11, $0xb8;
	[tilespmem:$0x1C400] =	vst v63  }
0x39: {  	_ =	swait.ge [sflag:s1], $0x4000  }
0x3a: {  	[sflag:s1] =	ssyncset.done $0x0  }
0x3b: {  	s5 =	rddreg [dreg:$0x8];
	[sflag:s1] =	ssyncadd.s32 $0xFFFFC000  }
0x3c: {  	[tilespmem:s23], [sflag:$0x4] =	stream.linear.gather [hbm4b:s5+s3], $0x100, $0x38;
	[tilespmem:$0x1C400] =	vst v63  }
0x3d: {  	_ =	swait.ge [sflag:s24], $0x100  }
0x3e: {  	[sflag:s24] =	ssyncset.done $0x0  }
0x3f: {  	[sflag:s24] =	ssyncadd.s32 $0xFFFFFF00  }
0x40: {  	[tilespmem:s29], [sflag:$0x5] =	stream.indirect.gather [hbm4b:s4+s11], $0x80, s13, s11, $0xb8;
	[tilespmem:$0x1C400] =	vst v63  }
0x41: {  	_ =	swait.ge [sflag:s12], $0x4000  }
0x42: {  	[sflag:s12] =	ssyncset.done $0x0  }
0x43: {  	[sflag:s12] =	ssyncadd.s32 $0xFFFFC000  }
0x44: {  	[spmem:s2] =	stream.indirect.scatter.add.f32 [tilespmem:s29], [sflag:$0x7], $0x80, s26, s11, $0xb8;
	[tilespmem:$0x1C400] =	vst v63  }
0x45: {  	_ =	swait.ge [sflag:s28], $0x4000  }
0x46: {  	[sflag:s28] =	ssyncset.done $0x0  }
0x47: {  	s22 =	rddreg [dreg:$0x9];
	[sflag:s28] =	ssyncadd.s32 $0xFFFFC000  }
0x48: {  	[tilespmem:s3], [sflag:$0x1] =	stream.linear.gather [hbm4b:s22+s3], $0x100, $0x38;
	[tilespmem:$0x1C400] =	vst v63  }
0x49: {  	_ =	swait.ge [sflag:s18], $0x100  }
0x4a: {  	[sflag:s18] =	ssyncset.done $0x0  }
0x4b: {  	[sflag:s18] =	ssyncadd.s32 $0xFFFFFF00  }
0x4c: {  	[tilespmem:s15], [sflag:$0x6] =	stream.indirect.gather [hbm4b:s4+s11], $0x80, s23, s11, $0xb8;
	[tilespmem:$0x1C400] =	vst v63  }
0x4d: {  	_ =	swait.ge [sflag:s16], $0x4000  }
0x4e: {  	[sflag:s16] =	ssyncset.done $0x0  }
0x4f: {  	[sflag:s16] =	ssyncadd.s32 $0xFFFFC000  }
0x50: {  	[spmem:s2] =	stream.indirect.scatter.add.f32 [tilespmem:s15], [sflag:$0x8], $0x80, s19, s11, $0xb8;
	[tilespmem:$0x1C400] =	vst v63  }
0x51: {  	_ =	swait.ge [sflag:s1], $0x4000  }
0x52: {  	[sflag:s1] =	ssyncset.done $0x0  }
0x53: {  	s5 =	rddreg [dreg:$0xa];
	[sflag:s1] =	ssyncadd.s32 $0xFFFFC000  }
0x54: {  	[tilespmem:s31], [sflag:$0x2] =	stream.linear.gather [hbm4b:s5+s3], $0x100, $0x38;
	[tilespmem:$0x1C400] =	vst v63  }
0x55: {  	_ =	swait.ge [sflag:s0], $0x100  }
0x56: {  	[sflag:s0] =	ssyncset.done $0x0  }
0x57: {  	[sflag:s0] =	ssyncadd.s32 $0xFFFFFF00  }
0x58: {  	[tilespmem:s29], [sflag:$0x5] =	stream.indirect.gather [hbm4b:s4+s11], $0x80, s3, s11, $0xb8;
	[tilespmem:$0x1C400] =	vst v63  }
0x59: {  	_ =	swait.ge [sflag:s12], $0x4000  }
0x5a: {  	[sflag:s12] =	ssyncset.done $0x0  }
0x5b: {  	[sflag:s12] =	ssyncadd.s32 $0xFFFFC000  }
0x5c: {  	[spmem:s2] =	stream.indirect.scatter.add.f32 [tilespmem:s29], [sflag:$0x7], $0x80, s11, s11, $0xb8;
	[tilespmem:$0x1C400] =	vst v63  }
0x5d: {  	_ =	swait.ge [sflag:s28], $0x4000  }
0x5e: {  	[sflag:s28] =	ssyncset.done $0x0  }
0x5f: {  	s5 =	rddreg [dreg:$0x11];
	[sflag:s28] =	ssyncadd.s32 $0xFFFFC000  }
0x60: {  	[tilespmem:s13], [sflag:$0x3] =	stream.linear.gather [hbm4b:s5+s3], $0x100, $0x38;
	[tilespmem:$0x1C400] =	vst v63  }
0x61: {  	_ =	swait.ge [sflag:s14], $0x100  }
0x62: {  	[sflag:s14] =	ssyncset.done $0x0  }
0x63: {  	[sflag:s14] =	ssyncadd.s32 $0xFFFFFF00  }
0x64: {  	[tilespmem:s15], [sflag:$0x6] =	stream.indirect.gather [hbm4b:s4+s11], $0x80, s31, s11, $0xb8;
	[tilespmem:$0x1C400] =	vst v63  }
0x65: {  	_ =	swait.ge [sflag:s16], $0x4000  }
0x66: {  	[sflag:s16] =	ssyncset.done $0x0  }
0x67: {  	[sflag:s16] =	ssyncadd.s32 $0xFFFFC000  }
0x68: {  	[spmem:s2] =	stream.indirect.scatter.add.f32 [tilespmem:s15], [sflag:$0x8], $0x80, s17, s11, $0xb8;
	[tilespmem:$0x1C400] =	vst v63  }
0x69: {  	_ =	swait.ge [sflag:s1], $0x4000  }
0x6a: {  	[sflag:s1] =	ssyncset.done $0x0  }
0x6b: {  	s22 =	rddreg [dreg:$0x12];
	[sflag:s1] =	ssyncadd.s32 $0xFFFFC000  }
0x6c: {  	[tilespmem:s23], [sflag:$0x4] =	stream.linear.gather [hbm4b:s22+s3], $0x100, $0x38;
	[tilespmem:$0x1C400] =	vst v63  }
0x6d: {  	_ =	swait.ge [sflag:s24], $0x100  }
0x6e: {  	[sflag:s24] =	ssyncset.done $0x0  }
0x6f: {  	[sflag:s24] =	ssyncadd.s32 $0xFFFFFF00  }
0x70: {  	[tilespmem:s29], [sflag:$0x5] =	stream.indirect.gather [hbm4b:s4+s11], $0x80, s13, s11, $0xb8;
	[tilespmem:$0x1C400] =	vst v63  }
.LBB2_8:
0x71: {  	_ =	swait.ge [sflag:s12], $0x4000  }
0x72: {  	[sflag:s12] =	ssyncset.done $0x0  }
0x73: {  	[sflag:s12] =	ssyncadd.s32 $0xFFFFC000  }
0x74: {  	[spmem:s2] =	stream.indirect.scatter.add.f32 [tilespmem:s29], [sflag:$0x7], $0x80, s26, s11, $0xb8;
	[tilespmem:$0x1C400] =	vst v63  }
0x75: {  	_ =	swait.ge [sflag:s28], $0x4000  }
0x76: {  	[sflag:s28] =	ssyncset.done $0x0  }
0x77: {  	[sflag:s28] =	ssyncadd.s32 $0xFFFFC000  }
0x78: {  	_ =	swait.ge [sflag:s18], $0x100  }
0x79: {  	[sflag:s18] =	ssyncset.done $0x0  }
0x7a: {  	[sflag:s18] =	ssyncadd.s32 $0xFFFFFF00  }
0x7b: {  	[tilespmem:s15], [sflag:$0x6] =	stream.indirect.gather [hbm4b:s4+s11], $0x80, s23, s11, $0xb8;
	[tilespmem:$0x1C400] =	vst v63  }
0x7c: {  	_ =	swait.ge [sflag:s16], $0x4000  }
0x7d: {  	[sflag:s16] =	ssyncset.done $0x0  }
0x7e: {  	[sflag:s16] =	ssyncadd.s32 $0xFFFFC000  }
0x7f: {  	[spmem:s2] =	stream.indirect.scatter.add.f32 [tilespmem:s15], [sflag:$0x8], $0x80, s19, s11, $0xb8;
	[tilespmem:$0x1C400] =	vst v63  }
0x80: {  	_ =	swait.ge [sflag:s1], $0x4000  }
0x81: {  	[sflag:s1] =	ssyncset.done $0x0  }
0x82: {  	[sflag:s1] =	ssyncadd.s32 $0xFFFFC000  }
0x83: {  	_ =	swait.ge [sflag:s28], $0x4000  }
0x84: {  	[sflag:s28] =	ssyncset.done $0x0  }
0x85: {  	[sflag:s28] =	ssyncadd.s32 $0xFFFFC000  }
0x86: {  	[bflag:$0x0] =	sbarrier.arrive $0xFFFF  }
0x87: {  	s21 =	sshll.u32 s25, $0x6;
	s5 =	rddreg [dreg:$0xc]  }
0x88: {  	s21 =	sor.u32 $0x1C09, s21;
	s22 =	sshrl.u32 s5, $0x3;
	s5 =	rddreg [dreg:$0xb]  }
0x89: {  	[hbm:s5], [sflag:s21] =	dma.local [spmem:s22], $0x800  }
0x8a: {  	_ =	swait.ge [sflag:s30], $0x800  }
0x8b: {  	[sflag:s30] =	ssyncset.done $0x0  }
0x8c: {  	s22 =	sshrl.u32 s6, $0x3;
	s5 =	rddreg [dreg:$0xd];
	[sflag:s30] =	ssyncadd.s32 $0xFFFFF800  }
0x8d: {  	[hbm:s5], [sflag:s21] =	dma.local [spmem:s22], $0x800  }
0x8e: {  	_ =	swait.ge [sflag:s30], $0x800  }
0x8f: {  	[sflag:s30] =	ssyncset.done $0x0  }
0x90: {  	s22 =	sshrl.u32 s7, $0x3;
	s5 =	rddreg [dreg:$0xe];
	[sflag:s30] =	ssyncadd.s32 $0xFFFFF800  }
0x91: {  	[hbm:s5], [sflag:s21] =	dma.local [spmem:s22], $0x800  }
0x92: {  	_ =	swait.ge [sflag:s30], $0x800  }
0x93: {  	[sflag:s30] =	ssyncset.done $0x0  }
0x94: {  	s22 =	sshrl.u32 s8, $0x3;
	s5 =	rddreg [dreg:$0xf];
	[sflag:s30] =	ssyncadd.s32 $0xFFFFF800  }
0x95: {  	[hbm:s5], [sflag:s21] =	dma.local [spmem:s22], $0x800  }
0x96: {  	_ =	swait.ge [sflag:s30], $0x800  }
0x97: {  	[sflag:s30] =	ssyncset.done $0x0  }
0x98: {  	s22 =	sshrl.u32 s9, $0x3;
	s5 =	rddreg [dreg:$0x10];
	[sflag:s30] =	ssyncadd.s32 $0xFFFFF800  }
0x99: {  	[hbm:s5], [sflag:s21] =	dma.local [spmem:s22], $0x800  }
0x9a: {  	_ =	swait.ge [sflag:s30], $0x800  }
0x9b: {  	s20 =	sadd.s32 $0x1, s20;
	s22 =	rddreg [dreg:$0x13]  }
0x9c: {  	p1 =	sne.s32 s20, s22  }
.Ltmp1:
0x9d: {  	_ = 	snop;
	(pc) =	sbr.rel @!p1 .LBB2_9-.Ltmp1, $3  }
0x9e: {  	_ =	sdelay $0x1  }
0x9f: {  	[sflag:s30] =	ssyncset.done $0x0  }
0xa0: {  	[sflag:s30] =	ssyncadd.s32 $0xFFFFF800  }
.LBB2_1:
0xa1: {  	s21 =	simm.s32 $0x0;
	s22 =	simm.s32 $0x200  }
.LBB2_2:
0xa2: {  	p1 =	sne.s32 s22, $0xFE00;
	[tilespmem:s21+$0x470] =	vst v0  }
0xa3: {  	[tilespmem:s21+$0x400] =	vst v0  }
0xa4: {  	[tilespmem:s21+$0x410] =	vst v0  }
.Ltmp2:
0xa5: {  	[tilespmem:s21+$0x420] =	vst v0;
	(pc) =	sbr.rel @p1 .LBB2_2-.Ltmp2, $4  }
0xa6: {  	[tilespmem:s21+$0x430] =	vst v0  }
0xa7: {  	[tilespmem:s21+$0x440] =	vst v0  }
0xa8: {  	[tilespmem:s21+$0x450] =	vst v0  }
0xa9: {  	[tilespmem:s21+$0x460] =	vst v0;
	s21 =	sshra.s32 s22, $0x2;
	s22 =	sadd.s32 $0x200, s22  }
0xaa: {  	[tilespmem:s21+$0x470] =	vst v0  }
0xab: {  	[tilespmem:s21+$0x400] =	vst v0  }
0xac: {  	[tilespmem:s21+$0x410] =	vst v0  }
0xad: {  	[tilespmem:s21+$0x420] =	vst v0  }
0xae: {  	[tilespmem:s21+$0x430] =	vst v0  }
0xaf: {  	[tilespmem:s21+$0x440] =	vst v0  }
0xb0: {  	[tilespmem:s21+$0x450] =	vst v0  }
0xb1: {  	[tilespmem:s21+$0x460] =	vst v0;
	s5 =	rddreg [dreg:$0xc]  }
0xb2: {  	[spmem:s5] =	stream.linear.scatter [tilespmem:s29], [sflag:$0x9], $0x4000, $0x38;
	[tilespmem:$0x1C400] =	vst v63  }
0xb3: {  	_ =	swait.ge [sflag:s30], $0x4000  }
0xb4: {  	[sflag:s30] =	ssyncset.done $0x0  }
0xb5: {  	[sflag:s30] =	ssyncadd.s32 $0xFFFFC000  }
0xb6: {  	[spmem:s6] =	stream.linear.scatter [tilespmem:s29], [sflag:$0x9], $0x4000, $0x38;
	[tilespmem:$0x1C400] =	vst v63  }
0xb7: {  	_ =	swait.ge [sflag:s30], $0x4000  }
0xb8: {  	[sflag:s30] =	ssyncset.done $0x0  }
0xb9: {  	[sflag:s30] =	ssyncadd.s32 $0xFFFFC000  }
0xba: {  	[spmem:s7] =	stream.linear.scatter [tilespmem:s29], [sflag:$0x9], $0x4000, $0x38;
	[tilespmem:$0x1C400] =	vst v63  }
0xbb: {  	_ =	swait.ge [sflag:s30], $0x4000  }
0xbc: {  	[sflag:s30] =	ssyncset.done $0x0  }
0xbd: {  	[sflag:s30] =	ssyncadd.s32 $0xFFFFC000  }
0xbe: {  	[spmem:s8] =	stream.linear.scatter [tilespmem:s29], [sflag:$0x9], $0x4000, $0x38;
	[tilespmem:$0x1C400] =	vst v63  }
0xbf: {  	_ =	swait.ge [sflag:s30], $0x4000  }
0xc0: {  	[sflag:s30] =	ssyncset.done $0x0  }
0xc1: {  	[sflag:s30] =	ssyncadd.s32 $0xFFFFC000  }
0xc2: {  	[spmem:s9] =	stream.linear.scatter [tilespmem:s29], [sflag:$0x9], $0x4000, $0x38;
	[tilespmem:$0x1C400] =	vst v63  }
.Ltmp3:
0xc3: {  	_ =	swait.ge [sflag:s30], $0x4000;
	(pc) =	sbr.rel @p0 .LBB2_7-.Ltmp3, $3  }
0xc4: {  	[sflag:s30] =	ssyncset.done $0x0  }
0xc5: {  	[sflag:s30] =	ssyncadd.s32 $0xFFFFC000  }
0xc6: {  	[bflag:$0x0] =	sbarrier.arrive $0xFFFF;
	_ =	sdelay $0x1  }
0xc7: {  	[tilespmem:s3], [sflag:$0x1] =	stream.linear.gather [hbm4b:s10+s3], $0x100, $0x38;
	[tilespmem:$0x1C400] =	vst v63  }
0xc8: {  	s21 =	rddreg [dreg:$0x4]  }
0xc9: {  	[tilespmem:s31], [sflag:$0x2] =	stream.linear.gather [hbm4b:s21+s3], $0x100, $0x38;
	[tilespmem:$0x1C400] =	vst v63  }
0xca: {  	_ =	swait.ge [sflag:s0], $0x100  }
0xcb: {  	[sflag:s0] =	ssyncset.done $0x0  }
0xcc: {  	[sflag:s0] =	ssyncadd.s32 $0xFFFFFF00  }
0xcd: {  	[tilespmem:s29], [sflag:$0x5] =	stream.indirect.gather [hbm4b:s4+s11], $0x80, s3, s11, $0xb8;
	[tilespmem:$0x1C400] =	vst v63  }
0xce: {  	_ =	swait.ge [sflag:s12], $0x4000  }
0xcf: {  	[sflag:s12] =	ssyncset.done $0x0  }
0xd0: {  	[sflag:s12] =	ssyncadd.s32 $0xFFFFC000  }
0xd1: {  	[spmem:s2] =	stream.indirect.scatter.add.f32 [tilespmem:s29], [sflag:$0x7], $0x80, s11, s11, $0xb8;
	[tilespmem:$0x1C400] =	vst v63  }
0xd2: {  	s5 =	rddreg [dreg:$0x14]  }
0xd3: {  	[tilespmem:s13], [sflag:$0x3] =	stream.linear.gather [hbm4b:s5+s3], $0x100, $0x38;
	[tilespmem:$0x1C400] =	vst v63  }
0xd4: {  	_ =	swait.ge [sflag:s14], $0x100  }
0xd5: {  	[sflag:s14] =	ssyncset.done $0x0  }
0xd6: {  	[sflag:s14] =	ssyncadd.s32 $0xFFFFFF00  }
0xd7: {  	[tilespmem:s15], [sflag:$0x6] =	stream.indirect.gather [hbm4b:s4+s11], $0x80, s31, s11, $0xb8;
	[tilespmem:$0x1C400] =	vst v63  }
0xd8: {  	_ =	swait.ge [sflag:s16], $0x4000  }
0xd9: {  	[sflag:s16] =	ssyncset.done $0x0  }
0xda: {  	[sflag:s16] =	ssyncadd.s32 $0xFFFFC000  }
0xdb: {  	[spmem:s2] =	stream.indirect.scatter.add.f32 [tilespmem:s15], [sflag:$0x8], $0x80, s17, s11, $0xb8;
	[tilespmem:$0x1C400] =	vst v63  }
0xdc: {  	_ =	swait.ge [sflag:s1], $0x4000  }
0xdd: {  	[sflag:s1] =	ssyncset.done $0x0  }
0xde: {  	s25 =	rddreg [dreg:$0x15];
	[sflag:s1] =	ssyncadd.s32 $0xFFFFC000  }
0xdf: {  	[tilespmem:s23], [sflag:$0x4] =	stream.linear.gather [hbm4b:s25+s3], $0x100, $0x38;
	[tilespmem:$0x1C400] =	vst v63  }
0xe0: {  	_ =	swait.ge [sflag:s24], $0x100  }
0xe1: {  	[sflag:s24] =	ssyncset.done $0x0  }
0xe2: {  	[sflag:s24] =	ssyncadd.s32 $0xFFFFFF00  }
0xe3: {  	[tilespmem:s29], [sflag:$0x5] =	stream.indirect.gather [hbm4b:s4+s11], $0x80, s13, s11, $0xb8;
	[tilespmem:$0x1C400] =	vst v63  }
0xe4: {  	_ =	swait.ge [sflag:s12], $0x4000  }
0xe5: {  	[sflag:s12] =	ssyncset.done $0x0  }
0xe6: {  	[sflag:s12] =	ssyncadd.s32 $0xFFFFC000  }
0xe7: {  	[spmem:s2] =	stream.indirect.scatter.add.f32 [tilespmem:s29], [sflag:$0x7], $0x80, s26, s11, $0xb8;
	[tilespmem:$0x1C400] =	vst v63  }
0xe8: {  	_ =	swait.ge [sflag:s28], $0x4000  }
0xe9: {  	s21 =	sadd.s32 $0xFFFFED80, s10;
	[sflag:s28] =	ssyncset.done $0x0  }
0xea: {  	s22 =	sadd.s32 $0x1300, s21;
	[sflag:s28] =	ssyncadd.s32 $0xFFFFC000  }
0xeb: {  	[tilespmem:s3], [sflag:$0x1] =	stream.linear.gather [hbm4b:s22+s3], $0x100, $0x38;
	[tilespmem:$0x1C400] =	vst v63  }
0xec: {  	_ =	swait.ge [sflag:s18], $0x100  }
0xed: {  	[sflag:s18] =	ssyncset.done $0x0  }
0xee: {  	[sflag:s18] =	ssyncadd.s32 $0xFFFFFF00  }
0xef: {  	[tilespmem:s15], [sflag:$0x6] =	stream.indirect.gather [hbm4b:s4+s11], $0x80, s23, s11, $0xb8;
	[tilespmem:$0x1C400] =	vst v63  }
0xf0: {  	_ =	swait.ge [sflag:s16], $0x4000  }
0xf1: {  	[sflag:s16] =	ssyncset.done $0x0  }
0xf2: {  	[sflag:s16] =	ssyncadd.s32 $0xFFFFC000  }
0xf3: {  	[spmem:s2] =	stream.indirect.scatter.add.f32 [tilespmem:s15], [sflag:$0x8], $0x80, s19, s11, $0xb8;
	[tilespmem:$0x1C400] =	vst v63  }
0xf4: {  	_ =	swait.ge [sflag:s1], $0x4000  }
0xf5: {  	[sflag:s1] =	ssyncset.done $0x0  }
0xf6: {  	s5 =	sadd.s32 $0x1320, s21;
	[sflag:s1] =	ssyncadd.s32 $0xFFFFC000  }
0xf7: {  	[tilespmem:s31], [sflag:$0x2] =	stream.linear.gather [hbm4b:s5+s3], $0x100, $0x38;
	[tilespmem:$0x1C400] =	vst v63  }
0xf8: {  	_ =	swait.ge [sflag:s0], $0x100  }
0xf9: {  	[sflag:s0] =	ssyncset.done $0x0  }
0xfa: {  	[sflag:s0] =	ssyncadd.s32 $0xFFFFFF00  }
0xfb: {  	[tilespmem:s29], [sflag:$0x5] =	stream.indirect.gather [hbm4b:s4+s11], $0x80, s3, s11, $0xb8;
	[tilespmem:$0x1C400] =	vst v63  }
0xfc: {  	_ =	swait.ge [sflag:s12], $0x4000  }
0xfd: {  	[sflag:s12] =	ssyncset.done $0x0  }
0xfe: {  	[sflag:s12] =	ssyncadd.s32 $0xFFFFC000  }
0xff: {  	[spmem:s2] =	stream.indirect.scatter.add.f32 [tilespmem:s29], [sflag:$0x7], $0x80, s11, s11, $0xb8;
	[tilespmem:$0x1C400] =	vst v63  }
0x100: {  	_ =	swait.ge [sflag:s28], $0x4000  }
0x101: {  	[sflag:s28] =	ssyncset.done $0x0  }
0x102: {  	s25 =	sadd.s32 $0x1340, s21;
	[sflag:s28] =	ssyncadd.s32 $0xFFFFC000  }
0x103: {  	[tilespmem:s13], [sflag:$0x3] =	stream.linear.gather [hbm4b:s25+s3], $0x100, $0x38;
	[tilespmem:$0x1C400] =	vst v63  }
0x104: {  	_ =	swait.ge [sflag:s14], $0x100  }
0x105: {  	[sflag:s14] =	ssyncset.done $0x0  }
0x106: {  	[sflag:s14] =	ssyncadd.s32 $0xFFFFFF00  }
0x107: {  	[tilespmem:s15], [sflag:$0x6] =	stream.indirect.gather [hbm4b:s4+s11], $0x80, s31, s11, $0xb8;
	[tilespmem:$0x1C400] =	vst v63  }
0x108: {  	_ =	swait.ge [sflag:s16], $0x4000  }
0x109: {  	[sflag:s16] =	ssyncset.done $0x0  }
0x10a: {  	[sflag:s16] =	ssyncadd.s32 $0xFFFFC000  }
0x10b: {  	[spmem:s2] =	stream.indirect.scatter.add.f32 [tilespmem:s15], [sflag:$0x8], $0x80, s17, s11, $0xb8;
	[tilespmem:$0x1C400] =	vst v63  }
0x10c: {  	_ =	swait.ge [sflag:s1], $0x4000  }
0x10d: {  	[sflag:s1] =	ssyncset.done $0x0  }
0x10e: {  	s21 =	sadd.s32 $0x1360, s21;
	[sflag:s1] =	ssyncadd.s32 $0xFFFFC000  }
0x10f: {  	[tilespmem:s23], [sflag:$0x4] =	stream.linear.gather [hbm4b:s21+s3], $0x100, $0x38;
	[tilespmem:$0x1C400] =	vst v63  }
0x110: {  	_ =	swait.ge [sflag:s24], $0x100  }
0x111: {  	[sflag:s24] =	ssyncset.done $0x0  }
0x112: {  	s21 =	simm.s32 $0xFFFFEE00;
	[sflag:s24] =	ssyncadd.s32 $0xFFFFFF00  }
.LBB2_5:
0x113: {  	[tilespmem:s29], [sflag:$0x5] =	stream.indirect.gather [hbm4b:s4+s11], $0x80, s13, s11, $0xb8;
	[tilespmem:$0x1C400] =	vst v63  }
0x114: {  	s22 =	smov.u32 s21  }
0x115: {  	p1 =	seq.s32 s21, $0xFFFFFF80;
	s21 =	sadd.s32 $0x80, s21;
	_ =	swait.ge [sflag:s12], $0x4000  }
0x116: {  	[sflag:s12] =	ssyncset.done $0x0  }
0x117: {  	[sflag:s12] =	ssyncadd.s32 $0xFFFFC000  }
0x118: {  	[spmem:s2] =	stream.indirect.scatter.add.f32 [tilespmem:s29], [sflag:$0x7], $0x80, s26, s11, $0xb8;
	[tilespmem:$0x1C400] =	vst v63  }
0x119: {  	_ =	swait.ge [sflag:s28], $0x4000  }
0x11a: {  	s22 =	sadd.s32 s22, s10;
	[sflag:s28] =	ssyncset.done $0x0  }
0x11b: {  	s25 =	sadd.s32 $0x1300, s22;
	[sflag:s28] =	ssyncadd.s32 $0xFFFFC000  }
0x11c: {  	[tilespmem:s3], [sflag:$0x1] =	stream.linear.gather [hbm4b:s25+s3], $0x100, $0x38;
	[tilespmem:$0x1C400] =	vst v63  }
0x11d: {  	_ =	swait.ge [sflag:s18], $0x100  }
0x11e: {  	[sflag:s18] =	ssyncset.done $0x0  }
0x11f: {  	[sflag:s18] =	ssyncadd.s32 $0xFFFFFF00  }
0x120: {  	[tilespmem:s15], [sflag:$0x6] =	stream.indirect.gather [hbm4b:s4+s11], $0x80, s23, s11, $0xb8;
	[tilespmem:$0x1C400] =	vst v63  }
0x121: {  	_ =	swait.ge [sflag:s16], $0x4000  }
0x122: {  	[sflag:s16] =	ssyncset.done $0x0  }
0x123: {  	[sflag:s16] =	ssyncadd.s32 $0xFFFFC000  }
0x124: {  	[spmem:s2] =	stream.indirect.scatter.add.f32 [tilespmem:s15], [sflag:$0x8], $0x80, s19, s11, $0xb8;
	[tilespmem:$0x1C400] =	vst v63  }
0x125: {  	_ =	swait.ge [sflag:s1], $0x4000  }
0x126: {  	[sflag:s1] =	ssyncset.done $0x0  }
0x127: {  	s25 =	sadd.s32 $0x1320, s22;
	[sflag:s1] =	ssyncadd.s32 $0xFFFFC000  }
0x128: {  	[tilespmem:s31], [sflag:$0x2] =	stream.linear.gather [hbm4b:s25+s3], $0x100, $0x38;
	[tilespmem:$0x1C400] =	vst v63  }
0x129: {  	_ =	swait.ge [sflag:s0], $0x100  }
0x12a: {  	[sflag:s0] =	ssyncset.done $0x0  }
0x12b: {  	[sflag:s0] =	ssyncadd.s32 $0xFFFFFF00  }
0x12c: {  	[tilespmem:s29], [sflag:$0x5] =	stream.indirect.gather [hbm4b:s4+s11], $0x80, s3, s11, $0xb8;
	[tilespmem:$0x1C400] =	vst v63  }
0x12d: {  	_ =	swait.ge [sflag:s12], $0x4000  }
0x12e: {  	[sflag:s12] =	ssyncset.done $0x0  }
0x12f: {  	[sflag:s12] =	ssyncadd.s32 $0xFFFFC000  }
0x130: {  	[spmem:s2] =	stream.indirect.scatter.add.f32 [tilespmem:s29], [sflag:$0x7], $0x80, s11, s11, $0xb8;
	[tilespmem:$0x1C400] =	vst v63  }
0x131: {  	_ =	swait.ge [sflag:s28], $0x4000  }
0x132: {  	[sflag:s28] =	ssyncset.done $0x0  }
0x133: {  	s25 =	sadd.s32 $0x1340, s22;
	[sflag:s28] =	ssyncadd.s32 $0xFFFFC000  }
0x134: {  	[tilespmem:s13], [sflag:$0x3] =	stream.linear.gather [hbm4b:s25+s3], $0x100, $0x38;
	[tilespmem:$0x1C400] =	vst v63  }
0x135: {  	_ =	swait.ge [sflag:s14], $0x100  }
0x136: {  	[sflag:s14] =	ssyncset.done $0x0  }
0x137: {  	[sflag:s14] =	ssyncadd.s32 $0xFFFFFF00  }
0x138: {  	[tilespmem:s15], [sflag:$0x6] =	stream.indirect.gather [hbm4b:s4+s11], $0x80, s31, s11, $0xb8;
	[tilespmem:$0x1C400] =	vst v63  }
0x139: {  	_ =	swait.ge [sflag:s16], $0x4000  }
0x13a: {  	[sflag:s16] =	ssyncset.done $0x0  }
0x13b: {  	[sflag:s16] =	ssyncadd.s32 $0xFFFFC000  }
0x13c: {  	[spmem:s2] =	stream.indirect.scatter.add.f32 [tilespmem:s15], [sflag:$0x8], $0x80, s17, s11, $0xb8;
	[tilespmem:$0x1C400] =	vst v63  }
0x13d: {  	_ =	swait.ge [sflag:s1], $0x4000  }
0x13e: {  	[sflag:s1] =	ssyncset.done $0x0  }
.Ltmp4:
0x13f: {  	s22 =	sadd.s32 $0x1360, s22;
	[sflag:s1] =	ssyncadd.s32 $0xFFFFC000;
	(pc) =	sbr.rel @!p1 .LBB2_5-.Ltmp4, $4  }
0x140: {  	[tilespmem:s23], [sflag:$0x4] =	stream.linear.gather [hbm4b:s22+s3], $0x100, $0x38;
	[tilespmem:$0x1C400] =	vst v63  }
0x141: {  	_ =	swait.ge [sflag:s24], $0x100  }
0x142: {  	[sflag:s24] =	ssyncset.done $0x0  }
0x143: {  	[sflag:s24] =	ssyncadd.s32 $0xFFFFFF00  }
.Ltmp5:
0x144: {  	(pc) =	sbr.rel .LBB2_8-.Ltmp5, $3  }
0x145: {  	_ =	sdelay $0x1  }
0x146: {  	[tilespmem:s29], [sflag:$0x5] =	stream.indirect.gather [hbm4b:s4+s11], $0x80, s13, s11, $0xb8;
	[tilespmem:$0x1C400] =	vst v63  }
0x147: {  	s25 =	stileid.u32  }
.LBB2_9:
0x148: {  	_ =	sfence.sel $0x180000  }
0x149: {  	[bflag:$0x0] =	sbarrier.arrive $0xFFFF  }
0x14a: {  	_ =	strace $0x9000004A  }
0x14b: {  	[bflag:$0x2] =	sbarrier.arrive $0xFFFF  }
0x14c: {  	p0 =	sne.s32 s25, $0x0;
	s0 =	rddreg [dreg:$0x3]  }
0x14d: {  	s0 =	sadd.s32 @!p0 $0x100000, s0  }
0x14e: {  	[sflag:s0] =	ssyncadd.tile.s32 @!p0 $0x1;
	_ =	shalt  }
.Lfunc_end2:
_tile_overlayer_lowered:
.L_overlay_start_2:
0x14f: {  	(tag) =	ssettag $0x2  }
0x150: {  	s0 =	rddreg [dreg:$0x0];
	s2 =	stileid.u32  }
0x151: {  	s1 =	rddreg [dreg:$0x1];
	p0 =	sne.s32 s2, $0x0  }
0x152: {  	s3 =	rddreg [dreg:$0x2];
	[bflag:$0x3] =	sbarrier.arrive $0xFFFF;
	s2 =	simm.s32 @!p0 $0x1C09  }
0x153: {  	[timem:s3], [sflag:s2] =	dma.local @!p0 [hbm:s0], s1  }
0x154: {  	s0 =	simm.s32 @!p0 $0x9  }
0x155: {  	_ =	swait.ge @!p0 [sflag:s0], s1  }
0x156: {  	s1 =	ssub.s32 @!p0 $0x0, s1;
	[sflag:s0] =	ssyncset.done @!p0 $0x0  }
0x157: {  	[sflag:s0] =	ssyncadd.s32 @!p0 s1  }
0x158: {  	[bflag:$0x3] =	sbarrier.arrive $0xFFFF  }
0x159: {  	_ =	shalt  }

</sc_bundles>
